<compile_context>
chip_gen: v7x
topology: tpu7x:2x2x1
jax: 0.10.2.dev20260603
libtpu: 0.0.44.dev20260713+nightly
codegen_flags: <defaults>
</compile_context>

<pallas_src>
import functools

import jax
import jax.numpy as jnp
from jax import lax
from jax.experimental import pallas as pl
from jax.experimental.pallas import tpu as pltpu
from jax.experimental.pallas import tpu_sc as plsc


def _make_sc_kernel(B, N, D, V, C):
  info = plsc.get_sparse_core_info()
  NC, NS = info.num_cores, info.num_subcores
  NW = NC * NS
  assert B % NW == 0
  b_per_w = B // NW
  assert b_per_w % C == 0
  n_chunks = b_per_w // C
  CN = C * N
  assert CN % 16 == 0
  G = CN // 16
  P = 128
  n_p = (CN + P - 1) // P
  assert CN % P == 0
  DV = D // 16

  mesh = plsc.VectorSubcoreMesh(core_axis_name="c", subcore_axis_name="s")

  @functools.partial(
      pl.kernel,
      mesh=mesh,
      compiler_params=pltpu.CompilerParams(
          use_tc_tiling_on_sc=False, needs_layout_passes=False),
      out_type=[jax.ShapeDtypeStruct((B, D), jnp.float32)] * 3,
      scratch_types=[
          pltpu.VMEM((C,), jnp.int32),
          pltpu.VMEM((C, N), jnp.int32),
          pltpu.VMEM((CN,), jnp.int32),
          pltpu.VMEM((CN, D), jnp.float32),
          pltpu.VMEM((C, D), jnp.float32),
          pltpu.VMEM((CN,), jnp.int32),
          pltpu.VMEM((CN,), jnp.int32),
          pltpu.SemaphoreType.DMA,
      ],
  )
  def sc_kernel(iw_h, ow_h, nw_h, refs_h, win_h, wout_h,
                iout_h, oout_h, nout_h,
                widx_v, r2_v, rflat_v, rows_v, outc_v, wtbl_v, jtbl_v, sem):
    wid = lax.axis_index("s") * NC + lax.axis_index("c")
    base = wid * b_per_w
    iota = lax.iota(jnp.int32, 16)
    inv_n = jnp.float32(1.0 / N)

    def tbl_body(g, carry):
      kk = iota + g * 16
      w = kk // N
      j = kk - w * N
      wtbl_v[pl.ds(pl.multiple_of(g * 16, 16), 16)] = w
      jtbl_v[pl.ds(pl.multiple_of(g * 16, 16), 16)] = j
      return carry
    lax.fori_loop(0, G, tbl_body, 0)

    for src_h, tbl_h, dst_h in ((iw_h, win_h, iout_h),
                                (ow_h, wout_h, oout_h),
                                (nw_h, wout_h, nout_h)):
      def chunk_body(c, carry, src_h=src_h, tbl_h=tbl_h, dst_h=dst_h):
        off = pl.multiple_of(base + c * C, C)
        pltpu.sync_copy(src_h.at[pl.ds(off, C)], widx_v)
        pltpu.async_copy(refs_h.at[widx_v], r2_v, sem).wait()
        def fl_body(g, carry2):
          o16 = pl.ds(pl.multiple_of(g * 16, 16), 16)
          vals = plsc.load_gather(r2_v, [wtbl_v[o16], jtbl_v[o16]])
          rflat_v[o16] = vals
          return carry2
        lax.fori_loop(0, G, fl_body, 0)
        descs = [
            pltpu.async_copy(
                tbl_h.at[rflat_v.at[pl.ds(p * P, P)]],
                rows_v.at[pl.ds(p * P, P)],
                sem,
            )
            for p in range(n_p)
        ]
        for d in descs:
          d.wait()
        def w_body(w, carry2):
          rb = w * N
          accs = [rows_v[rb, pl.ds(d * 16, 16)] for d in range(DV)]
          for r in range(1, N):
            for d in range(DV):
              accs[d] = accs[d] + rows_v[rb + r, pl.ds(d * 16, 16)]
          for d in range(DV):
            outc_v[w, pl.ds(d * 16, 16)] = accs[d] * inv_n
          return carry2
        lax.fori_loop(0, C, w_body, 0)
        pltpu.sync_copy(outc_v, dst_h.at[pl.ds(off, C)])
        return carry
      lax.fori_loop(0, n_chunks, chunk_body, 0)

  return sc_kernel


def _loss_tc(B, D, ivec, ovec, nvec):
  def body(iv_ref, ov_ref, nv_ref, out_ref):
    iv = iv_ref[...]
    ov = ov_ref[...]
    nv = nv_ref[...]
    po = jnp.sum(iv * ov, axis=1)
    pn = jnp.sum(iv * nv, axis=1)

    def log_sig(x):
      return jnp.minimum(x, 0.0) - jnp.log1p(jnp.exp(-jnp.abs(x)))

    loss = -(log_sig(po) + log_sig(-pn))
    out_ref[0, 0] = jnp.sum(loss) * (1.0 / B)

  out = pl.pallas_call(
      body,
      out_shape=jax.ShapeDtypeStruct((1, 1), jnp.float32),
      out_specs=pl.BlockSpec(memory_space=pltpu.SMEM),
  )(ivec, ovec, nvec)
  return out[0, 0]


def kernel(iword, oword, nword, refs, W_in, W_out):
  B = iword.shape[0]
  N = refs.shape[1]
  V, D = W_in.shape
  iword = iword.astype(jnp.int32)
  oword = oword.astype(jnp.int32)
  nword = nword.astype(jnp.int32)
  sc = _make_sc_kernel(B, N, D, V, 64)
  ivec, ovec, nvec = sc(iword, oword, nword, refs, W_in, W_out)
  return _loss_tc(B, D, ivec, ovec, nvec)

# --- scband reference (transcript-rebuilt; emitter-appended) ---
"""Pipeline reference for scband-ref2-vec-triplet-loss-19679540150971 (READ-ONLY COPY).

The authoritative reference and input builder live on the scoring server;
editing this copy changes nothing except your own understanding.
"""

import jax, jax.numpy as jnp
import numpy as np

NUM_WORDS = 1000000
N_REFS = 20
REF_VOCAB = 100000
D = 64
B = 16384


def setup_inputs(seed: int = 0) -> dict:
    key = jax.random.key(seed)
    k_iw, k_ow, k_nw, k_refs, k_win, k_wout = jax.random.split(key, 6)
    iword = jax.random.randint(k_iw, (B,), 0, NUM_WORDS, dtype=jnp.int64 if jax.config.jax_enable_x64 else jnp.int32)
    oword = jax.random.randint(k_ow, (B,), 0, NUM_WORDS, dtype=jnp.int64 if jax.config.jax_enable_x64 else jnp.int32)
    nword = jax.random.randint(k_nw, (B,), 0, NUM_WORDS, dtype=jnp.int64 if jax.config.jax_enable_x64 else jnp.int32)
    refs = jax.random.randint(k_refs, (NUM_WORDS, N_REFS), 0, REF_VOCAB, dtype=jnp.int32)
    W_in = jax.random.normal(k_win, (REF_VOCAB, D), dtype=jnp.float32) * 0.01
    W_out = jax.random.normal(k_wout, (REF_VOCAB, D), dtype=jnp.float32) * 0.01
    return {"iword": iword, "oword": oword, "nword": nword, "refs": refs, "W_in": W_in, "W_out": W_out}


def _ref2vec_embed(table, ref_rows):
    # ref_rows: [B, N_REFS] int ids into table [REF_VOCAB, D]
    vecs = jnp.take(table, ref_rows, axis=0)  # [B, N_REFS, D] gather
    return vecs.mean(axis=1)  # [B, D] average of reference vectors


def reference(iword, oword, nword, refs, W_in, W_out):
    # refs[word] -> per-word reference ids (two-hop gather)
    i_refs = jnp.take(refs, iword, axis=0)  # [B, N_REFS]
    o_refs = jnp.take(refs, oword, axis=0)
    n_refs_rows = jnp.take(refs, nword, axis=0)
    ivectors = _ref2vec_embed(W_in, i_refs)   # inner=True -> input table
    ovectors = _ref2vec_embed(W_out, o_refs)  # inner=False -> output table
    nvectors = _ref2vec_embed(W_out, n_refs_rows)
    oloss = jax.nn.log_sigmoid(jnp.sum(ovectors * ivectors, axis=1))
    nloss = jax.nn.log_sigmoid(jnp.sum(-nvectors * ivectors, axis=1))
    return -(oloss + nloss).mean()

if __name__ == "__main__":
    import jax
    _d = setup_inputs()
    print(jax.jit(kernel)(*tuple(_d.values())))

</pallas_src>

<mosaic_0001>
#map = affine_map<(d0, d1) -> (0)>
#map1 = affine_map<(d0, d1) -> (0, 0)>
module attributes {stable_mosaic.version = 14 : i64} {
  func.func @sc_kernel(%arg0: i32, %arg1: i32, %arg2: memref<16384xi32, #tpu.memory_space<hbm>>, %arg3: memref<16384xi32, #tpu.memory_space<hbm>>, %arg4: memref<16384xi32, #tpu.memory_space<hbm>>, %arg5: memref<1000000x20xi32, #tpu.memory_space<hbm>>, %arg6: memref<100000x64xf32, #tpu.memory_space<hbm>>, %arg7: memref<100000x64xf32, #tpu.memory_space<hbm>>, %arg8: memref<16384x64xf32, #tpu.memory_space<hbm>>, %arg9: memref<16384x64xf32, #tpu.memory_space<hbm>>, %arg10: memref<16384x64xf32, #tpu.memory_space<hbm>>, %arg11: memref<64xi32, #tpu.memory_space<vmem>>, %arg12: memref<64x20xi32, #tpu.memory_space<vmem>>, %arg13: memref<1280xi32, #tpu.memory_space<vmem>>, %arg14: memref<1280x64xf32, #tpu.memory_space<vmem>>, %arg15: memref<64x64xf32, #tpu.memory_space<vmem>>, %arg16: memref<1280xi32, #tpu.memory_space<vmem>>, %arg17: memref<1280xi32, #tpu.memory_space<vmem>>, %arg18: memref<!tpu.dma_semaphore, #tpu.memory_space<semaphore_mem>>) attributes {dimension_semantics = [#tpu.dimension_semantics<core_parallel>, #tpu.dimension_semantics<subcore_parallel>], iteration_bounds = array<i64: 2, 16>, scalar_prefetch = 0 : i64, scratch_operands = 8 : i64, tpu.core_type = #tpu.core_type<sc_vector_subcore>, window_params = [{transform_indices = #map}, {transform_indices = #map}, {transform_indices = #map}, {transform_indices = #map1}, {transform_indices = #map1}, {transform_indices = #map1}, {transform_indices = #map1}, {transform_indices = #map1}, {transform_indices = #map1}]} {
    %mul3A = arith.constant 2 : i32
    %mul3A_0 = arith.muli %arg1, %mul3A : i32
    %add3A = arith.addi %mul3A_0, %arg0 : i32
    %mul3A_1 = arith.constant 512 : i32
    %mul3A_2 = arith.muli %add3A, %mul3A_1 : i32
    %iota3A = tpu.iota {dimensions = array<i32: 0>} : vector<16xi32>
    %scan3A = arith.constant 0 : i32
    %scan3A_3 = arith.constant 0 : i32
    %scan3A_4 = arith.constant 80 : i32
    %scan3A_5 = arith.addi %scan3A_3, %scan3A_4 : i32
    %scan3A_6 = arith.constant 1 : i32
    scf.for %scan3A_29 = %scan3A_3 to %scan3A_5 step %scan3A_6  : i32 {
      %mul3A_30 = arith.constant 16 : i32
      %mul3A_31 = arith.muli %scan3A_29, %mul3A_30 : i32
      %add3A_32 = vector.broadcast %mul3A_31 : i32 to vector<16xi32>
      %add3A_33 = arith.addi %iota3A, %add3A_32 : vector<16xi32>
      %jit3A = arith.constant 20 : i32
      %div3A = vector.broadcast %jit3A : i32 to vector<16xi32>
      %div3A_34 = arith.divsi %add3A_33, %div3A : vector<16xi32>
      %sign3A = arith.constant 0 : i32
      %sign3A_35 = vector.broadcast %sign3A : i32 to vector<16xi32>
      %sign3A_36 = arith.cmpi sgt, %add3A_33, %sign3A_35 : vector<16xi32>
      %sign3A_37 = arith.extui %sign3A_36 : vector<16xi1> to vector<16xi32>
      %sign3A_38 = arith.constant 0 : i32
      %sign3A_39 = vector.broadcast %sign3A_38 : i32 to vector<16xi32>
      %sign3A_40 = arith.cmpi slt, %add3A_33, %sign3A_39 : vector<16xi32>
      %sign3A_41 = arith.extui %sign3A_40 : vector<16xi1> to vector<16xi32>
      %sign3A_42 = arith.subi %sign3A_37, %sign3A_41 : vector<16xi32>
      %sign3A_43 = arith.constant 0 : i32
      %sign3A_44 = arith.cmpi sgt, %jit3A, %sign3A_43 : i32
      %sign3A_45 = arith.extui %sign3A_44 : i1 to i32
      %sign3A_46 = arith.constant 0 : i32
      %sign3A_47 = arith.cmpi slt, %jit3A, %sign3A_46 : i32
      %sign3A_48 = arith.extui %sign3A_47 : i1 to i32
      %sign3A_49 = arith.subi %sign3A_45, %sign3A_48 : i32
      %ne3A = vector.broadcast %sign3A_49 : i32 to vector<16xi32>
      %ne3A_50 = arith.cmpi ne, %sign3A_42, %ne3A : vector<16xi32>
      %rem3A = vector.broadcast %jit3A : i32 to vector<16xi32>
      %rem3A_51 = arith.remsi %add3A_33, %rem3A : vector<16xi32>
      %ne3A_52 = arith.constant 0 : i32
      %ne3A_53 = vector.broadcast %ne3A_52 : i32 to vector<16xi32>
      %ne3A_54 = arith.cmpi ne, %rem3A_51, %ne3A_53 : vector<16xi32>
      %and3A = arith.andi %ne3A_50, %ne3A_54 : vector<16xi1>
      %sub3A = arith.constant 1 : i32
      %sub3A_55 = vector.broadcast %sub3A : i32 to vector<16xi32>
      %sub3A_56 = arith.subi %div3A_34, %sub3A_55 : vector<16xi32>
      %select_n3A = arith.select %and3A, %sub3A_56, %div3A_34 : vector<16xi1>, vector<16xi32>
      %mul3A_57 = arith.constant 20 : i32
      %mul3A_58 = vector.broadcast %mul3A_57 : i32 to vector<16xi32>
      %mul3A_59 = arith.muli %select_n3A, %mul3A_58 : vector<16xi32>
      %sub3A_60 = arith.subi %add3A_33, %mul3A_59 : vector<16xi32>
      %mul3A_61 = arith.constant 16 : i32
      %mul3A_62 = arith.muli %scan3A_29, %mul3A_61 : i32
      %multiple_of3A = tpu.assume_multiple %mul3A_62, 16 : i32
      %swap3A = arith.index_cast %multiple_of3A : i32 to index
      %swap3A_63 = tpu.vector_load %arg16[%swap3A] {strides = array<i32>} : memref<1280xi32, #tpu.memory_space<vmem>>, vector<16xi32>,
      tpu.vector_store %arg16[%swap3A], %select_n3A {strides = array<i32>} : memref<1280xi32, #tpu.memory_space<vmem>>, vector<16xi32>,
      %mul3A_64 = arith.constant 16 : i32
      %mul3A_65 = arith.muli %scan3A_29, %mul3A_64 : i32
      %multiple_of3A_66 = tpu.assume_multiple %mul3A_65, 16 : i32
      %swap3A_67 = arith.index_cast %multiple_of3A_66 : i32 to index
      %swap3A_68 = tpu.vector_load %arg17[%swap3A_67] {strides = array<i32>} : memref<1280xi32, #tpu.memory_space<vmem>>, vector<16xi32>,
      tpu.vector_store %arg17[%swap3A_67], %sub3A_60 {strides = array<i32>} : memref<1280xi32, #tpu.memory_space<vmem>>, vector<16xi32>,
    }
    %scan3A_7 = arith.constant 80 : i32
    %scan3A_8 = arith.constant 0 : i32
    %scan3A_9 = arith.constant 5.000000e-02 : f32
    %scan3A_10 = arith.constant 0 : i32
    %scan3A_11 = arith.constant 8 : i32
    %scan3A_12 = arith.addi %scan3A_10, %scan3A_11 : i32
    %scan3A_13 = arith.constant 1 : i32
    scf.for %scan3A_29 = %scan3A_10 to %scan3A_12 step %scan3A_13  : i32 {
      %mul3A_30 = arith.constant 64 : i32
      %mul3A_31 = arith.muli %scan3A_29, %mul3A_30 : i32
      %add3A_32 = arith.addi %mul3A_2, %mul3A_31 : i32
      %multiple_of3A = tpu.assume_multiple %add3A_32, 64 : i32
      "tpu.region"() ({
        %run_scoped3A = tpu.sem_alloc : memref<!tpu.dma_semaphore, #tpu.memory_space<semaphore_mem>>
        %dma_start3A_209 = tpu.memref_slice %arg2[%multiple_of3A] : memref<16384xi32, #tpu.memory_space<hbm>> -> memref<64xi32, #tpu.memory_space<hbm>>
        %dma_start3A_210 = tpu.memref_slice %arg2[%multiple_of3A] : memref<16384xi32, #tpu.memory_space<hbm>> -> memref<64xi32, #tpu.memory_space<hbm>>
        tpu.enqueue_dma source(%dma_start3A_210 : memref<64xi32, #tpu.memory_space<hbm>>) target(%arg11 : memref<64xi32, #tpu.memory_space<vmem>>) target_semaphore(%run_scoped3A : memref<!tpu.dma_semaphore, #tpu.memory_space<semaphore_mem>>)
        %dma_wait3A_211 = tpu.memref_slice %arg2[%multiple_of3A] : memref<16384xi32, #tpu.memory_space<hbm>> -> memref<64xi32, #tpu.memory_space<hbm>>
        %dma_wait3A_212 = tpu.memref_slice %arg2[%multiple_of3A] : memref<16384xi32, #tpu.memory_space<hbm>> -> memref<64xi32, #tpu.memory_space<hbm>>
        tpu.wait_dma2 semaphore(%run_scoped3A : memref<!tpu.dma_semaphore, #tpu.memory_space<semaphore_mem>>) src(%dma_wait3A_212 : memref<64xi32, #tpu.memory_space<hbm>>) dst(%arg11 : memref<64xi32, #tpu.memory_space<vmem>>)
        tpu.yield
      }) : () -> ()
      %dma_start3A = arith.constant 0 : i32
      %dma_start3A_33 = arith.constant 0 : i32
      %dma_start3A_34 = tpu.memref_slice %arg5[%dma_start3A, %dma_start3A_33] : memref<1000000x20xi32, #tpu.memory_space<hbm>> -> memref<1000000x20xi32, #tpu.memory_space<hbm>>
      tpu.enqueue_indirect_dma source(%dma_start3A_34 : memref<1000000x20xi32, #tpu.memory_space<hbm>>) target(%arg12 : memref<64x20xi32, #tpu.memory_space<vmem>>) offsets(%arg11 : memref<64xi32, #tpu.memory_space<vmem>>) semaphore(%arg18 : memref<!tpu.dma_semaphore, #tpu.memory_space<semaphore_mem>>)
      %dma_wait3A = arith.constant 0 : i32
      %dma_wait3A_35 = arith.constant 0 : i32
      %dma_wait3A_36 = tpu.memref_slice %arg5[%dma_wait3A, %dma_wait3A_35] : memref<1000000x20xi32, #tpu.memory_space<hbm>> -> memref<1000000x20xi32, #tpu.memory_space<hbm>>
      tpu.wait_indirect_dma semaphore(%arg18 : memref<!tpu.dma_semaphore, #tpu.memory_space<semaphore_mem>>) src(%dma_wait3A_36 : memref<1000000x20xi32, #tpu.memory_space<hbm>>) dst(%arg12 : memref<64x20xi32, #tpu.memory_space<vmem>>)
      %scan3A_37 = arith.constant 0 : i32
      %scan3A_38 = arith.constant 0 : i32
      %scan3A_39 = arith.constant 80 : i32
      %scan3A_40 = arith.addi %scan3A_38, %scan3A_39 : i32
      %scan3A_41 = arith.constant 1 : i32
      scf.for %scan3A_209 = %scan3A_38 to %scan3A_40 step %scan3A_41  : i32 {
        %mul3A_210 = arith.constant 16 : i32
        %mul3A_211 = arith.muli %scan3A_209, %mul3A_210 : i32
        %multiple_of3A_212 = tpu.assume_multiple %mul3A_211, 16 : i32
        %get3A = arith.index_cast %multiple_of3A_212 : i32 to index
        %get3A_213 = tpu.vector_load %arg16[%get3A] {strides = array<i32>} : memref<1280xi32, #tpu.memory_space<vmem>>, vector<16xi32>,
        %get3A_214 = arith.index_cast %multiple_of3A_212 : i32 to index
        %get3A_215 = tpu.vector_load %arg17[%get3A_214] {strides = array<i32>} : memref<1280xi32, #tpu.memory_space<vmem>>, vector<16xi32>,
        %gather3A = tpu.vector_load_idx %arg12[%get3A_213, %get3A_215] : memref<64x20xi32, #tpu.memory_space<vmem>>[vector<16xi32>, vector<16xi32>], vector<16xi32>,
        %swap3A = arith.index_cast %multiple_of3A_212 : i32 to index
        %swap3A_216 = tpu.vector_load %arg13[%swap3A] {strides = array<i32>} : memref<1280xi32, #tpu.memory_space<vmem>>, vector<16xi32>,
        tpu.vector_store %arg13[%swap3A], %gather3A {strides = array<i32>} : memref<1280xi32, #tpu.memory_space<vmem>>, vector<16xi32>,
      }
      %scan3A_42 = arith.constant 80 : i32
      %dma_start3A_43 = arith.constant 0 : i32
      %dma_start3A_44 = arith.constant 0 : i32
      %dma_start3A_45 = tpu.memref_slice %arg14[%dma_start3A_43, %dma_start3A_44] : memref<1280x64xf32, #tpu.memory_space<vmem>> -> memref<128x64xf32, #tpu.memory_space<vmem>>
      %dma_start3A_46 = arith.constant 0 : i32
      %dma_start3A_47 = tpu.memref_slice %arg13[%dma_start3A_46] : memref<1280xi32, #tpu.memory_space<vmem>> -> memref<128xi32, #tpu.memory_space<vmem>>
      %dma_start3A_48 = arith.constant 0 : i32
      %dma_start3A_49 = arith.constant 0 : i32
      %dma_start3A_50 = tpu.memref_slice %arg6[%dma_start3A_48, %dma_start3A_49] : memref<100000x64xf32, #tpu.memory_space<hbm>> -> memref<100000x64xf32, #tpu.memory_space<hbm>>
      tpu.enqueue_indirect_dma source(%dma_start3A_50 : memref<100000x64xf32, #tpu.memory_space<hbm>>) target(%dma_start3A_45 : memref<128x64xf32, #tpu.memory_space<vmem>>) offsets(%dma_start3A_47 : memref<128xi32, #tpu.memory_space<vmem>>) semaphore(%arg18 : memref<!tpu.dma_semaphore, #tpu.memory_space<semaphore_mem>>)
      %dma_start3A_51 = arith.constant 128 : i32
      %dma_start3A_52 = arith.constant 0 : i32
      %dma_start3A_53 = tpu.memref_slice %arg14[%dma_start3A_51, %dma_start3A_52] : memref<1280x64xf32, #tpu.memory_space<vmem>> -> memref<128x64xf32, #tpu.memory_space<vmem>>
      %dma_start3A_54 = arith.constant 128 : i32
      %dma_start3A_55 = tpu.memref_slice %arg13[%dma_start3A_54] : memref<1280xi32, #tpu.memory_space<vmem>> -> memref<128xi32, #tpu.memory_space<vmem>>
      %dma_start3A_56 = arith.constant 0 : i32
      %dma_start3A_57 = arith.constant 0 : i32
      %dma_start3A_58 = tpu.memref_slice %arg6[%dma_start3A_56, %dma_start3A_57] : memref<100000x64xf32, #tpu.memory_space<hbm>> -> memref<100000x64xf32, #tpu.memory_space<hbm>>
      tpu.enqueue_indirect_dma source(%dma_start3A_58 : memref<100000x64xf32, #tpu.memory_space<hbm>>) target(%dma_start3A_53 : memref<128x64xf32, #tpu.memory_space<vmem>>) offsets(%dma_start3A_55 : memref<128xi32, #tpu.memory_space<vmem>>) semaphore(%arg18 : memref<!tpu.dma_semaphore, #tpu.memory_space<semaphore_mem>>)
      %dma_start3A_59 = arith.constant 256 : i32
      %dma_start3A_60 = arith.constant 0 : i32
      %dma_start3A_61 = tpu.memref_slice %arg14[%dma_start3A_59, %dma_start3A_60] : memref<1280x64xf32, #tpu.memory_space<vmem>> -> memref<128x64xf32, #tpu.memory_space<vmem>>
      %dma_start3A_62 = arith.constant 256 : i32
      %dma_start3A_63 = tpu.memref_slice %arg13[%dma_start3A_62] : memref<1280xi32, #tpu.memory_space<vmem>> -> memref<128xi32, #tpu.memory_space<vmem>>
      %dma_start3A_64 = arith.constant 0 : i32
      %dma_start3A_65 = arith.constant 0 : i32
      %dma_start3A_66 = tpu.memref_slice %arg6[%dma_start3A_64, %dma_start3A_65] : memref<100000x64xf32, #tpu.memory_space<hbm>> -> memref<100000x64xf32, #tpu.memory_space<hbm>>
      tpu.enqueue_indirect_dma source(%dma_start3A_66 : memref<100000x64xf32, #tpu.memory_space<hbm>>) target(%dma_start3A_61 : memref<128x64xf32, #tpu.memory_space<vmem>>) offsets(%dma_start3A_63 : memref<128xi32, #tpu.memory_space<vmem>>) semaphore(%arg18 : memref<!tpu.dma_semaphore, #tpu.memory_space<semaphore_mem>>)
      %dma_start3A_67 = arith.constant 384 : i32
      %dma_start3A_68 = arith.constant 0 : i32
      %dma_start3A_69 = tpu.memref_slice %arg14[%dma_start3A_67, %dma_start3A_68] : memref<1280x64xf32, #tpu.memory_space<vmem>> -> memref<128x64xf32, #tpu.memory_space<vmem>>
      %dma_start3A_70 = arith.constant 384 : i32
      %dma_start3A_71 = tpu.memref_slice %arg13[%dma_start3A_70] : memref<1280xi32, #tpu.memory_space<vmem>> -> memref<128xi32, #tpu.memory_space<vmem>>
      %dma_start3A_72 = arith.constant 0 : i32
      %dma_start3A_73 = arith.constant 0 : i32
      %dma_start3A_74 = tpu.memref_slice %arg6[%dma_start3A_72, %dma_start3A_73] : memref<100000x64xf32, #tpu.memory_space<hbm>> -> memref<100000x64xf32, #tpu.memory_space<hbm>>
      tpu.enqueue_indirect_dma source(%dma_start3A_74 : memref<100000x64xf32, #tpu.memory_space<hbm>>) target(%dma_start3A_69 : memref<128x64xf32, #tpu.memory_space<vmem>>) offsets(%dma_start3A_71 : memref<128xi32, #tpu.memory_space<vmem>>) semaphore(%arg18 : memref<!tpu.dma_semaphore, #tpu.memory_space<semaphore_mem>>)
      %dma_start3A_75 = arith.constant 512 : i32
      %dma_start3A_76 = arith.constant 0 : i32
      %dma_start3A_77 = tpu.memref_slice %arg14[%dma_start3A_75, %dma_start3A_76] : memref<1280x64xf32, #tpu.memory_space<vmem>> -> memref<128x64xf32, #tpu.memory_space<vmem>>
      %dma_start3A_78 = arith.constant 512 : i32
      %dma_start3A_79 = tpu.memref_slice %arg13[%dma_start3A_78] : memref<1280xi32, #tpu.memory_space<vmem>> -> memref<128xi32, #tpu.memory_space<vmem>>
      %dma_start3A_80 = arith.constant 0 : i32
      %dma_start3A_81 = arith.constant 0 : i32
      %dma_start3A_82 = tpu.memref_slice %arg6[%dma_start3A_80, %dma_start3A_81] : memref<100000x64xf32, #tpu.memory_space<hbm>> -> memref<100000x64xf32, #tpu.memory_space<hbm>>
      tpu.enqueue_indirect_dma source(%dma_start3A_82 : memref<100000x64xf32, #tpu.memory_space<hbm>>) target(%dma_start3A_77 : memref<128x64xf32, #tpu.memory_space<vmem>>) offsets(%dma_start3A_79 : memref<128xi32, #tpu.memory_space<vmem>>) semaphore(%arg18 : memref<!tpu.dma_semaphore, #tpu.memory_space<semaphore_mem>>)
      %dma_start3A_83 = arith.constant 640 : i32
      %dma_start3A_84 = arith.constant 0 : i32
      %dma_start3A_85 = tpu.memref_slice %arg14[%dma_start3A_83, %dma_start3A_84] : memref<1280x64xf32, #tpu.memory_space<vmem>> -> memref<128x64xf32, #tpu.memory_space<vmem>>
      %dma_start3A_86 = arith.constant 640 : i32
      %dma_start3A_87 = tpu.memref_slice %arg13[%dma_start3A_86] : memref<1280xi32, #tpu.memory_space<vmem>> -> memref<128xi32, #tpu.memory_space<vmem>>
      %dma_start3A_88 = arith.constant 0 : i32
      %dma_start3A_89 = arith.constant 0 : i32
      %dma_start3A_90 = tpu.memref_slice %arg6[%dma_start3A_88, %dma_start3A_89] : memref<100000x64xf32, #tpu.memory_space<hbm>> -> memref<100000x64xf32, #tpu.memory_space<hbm>>
      tpu.enqueue_indirect_dma source(%dma_start3A_90 : memref<100000x64xf32, #tpu.memory_space<hbm>>) target(%dma_start3A_85 : memref<128x64xf32, #tpu.memory_space<vmem>>) offsets(%dma_start3A_87 : memref<128xi32, #tpu.memory_space<vmem>>) semaphore(%arg18 : memref<!tpu.dma_semaphore, #tpu.memory_space<semaphore_mem>>)
      %dma_start3A_91 = arith.constant 768 : i32
      %dma_start3A_92 = arith.constant 0 : i32
      %dma_start3A_93 = tpu.memref_slice %arg14[%dma_start3A_91, %dma_start3A_92] : memref<1280x64xf32, #tpu.memory_space<vmem>> -> memref<128x64xf32, #tpu.memory_space<vmem>>
      %dma_start3A_94 = arith.constant 768 : i32
      %dma_start3A_95 = tpu.memref_slice %arg13[%dma_start3A_94] : memref<1280xi32, #tpu.memory_space<vmem>> -> memref<128xi32, #tpu.memory_space<vmem>>
      %dma_start3A_96 = arith.constant 0 : i32
      %dma_start3A_97 = arith.constant 0 : i32
      %dma_start3A_98 = tpu.memref_slice %arg6[%dma_start3A_96, %dma_start3A_97] : memref<100000x64xf32, #tpu.memory_space<hbm>> -> memref<100000x64xf32, #tpu.memory_space<hbm>>
      tpu.enqueue_indirect_dma source(%dma_start3A_98 : memref<100000x64xf32, #tpu.memory_space<hbm>>) target(%dma_start3A_93 : memref<128x64xf32, #tpu.memory_space<vmem>>) offsets(%dma_start3A_95 : memref<128xi32, #tpu.memory_space<vmem>>) semaphore(%arg18 : memref<!tpu.dma_semaphore, #tpu.memory_space<semaphore_mem>>)
      %dma_start3A_99 = arith.constant 896 : i32
      %dma_start3A_100 = arith.constant 0 : i32
      %dma_start3A_101 = tpu.memref_slice %arg14[%dma_start3A_99, %dma_start3A_100] : memref<1280x64xf32, #tpu.memory_space<vmem>> -> memref<128x64xf32, #tpu.memory_space<vmem>>
      %dma_start3A_102 = arith.constant 896 : i32
      %dma_start3A_103 = tpu.memref_slice %arg13[%dma_start3A_102] : memref<1280xi32, #tpu.memory_space<vmem>> -> memref<128xi32, #tpu.memory_space<vmem>>
      %dma_start3A_104 = arith.constant 0 : i32
      %dma_start3A_105 = arith.constant 0 : i32
      %dma_start3A_106 = tpu.memref_slice %arg6[%dma_start3A_104, %dma_start3A_105] : memref<100000x64xf32, #tpu.memory_space<hbm>> -> memref<100000x64xf32, #tpu.memory_space<hbm>>
      tpu.enqueue_indirect_dma source(%dma_start3A_106 : memref<100000x64xf32, #tpu.memory_space<hbm>>) target(%dma_start3A_101 : memref<128x64xf32, #tpu.memory_space<vmem>>) offsets(%dma_start3A_103 : memref<128xi32, #tpu.memory_space<vmem>>) semaphore(%arg18 : memref<!tpu.dma_semaphore, #tpu.memory_space<semaphore_mem>>)
      %dma_start3A_107 = arith.constant 1024 : i32
      %dma_start3A_108 = arith.constant 0 : i32
      %dma_start3A_109 = tpu.memref_slice %arg14[%dma_start3A_107, %dma_start3A_108] : memref<1280x64xf32, #tpu.memory_space<vmem>> -> memref<128x64xf32, #tpu.memory_space<vmem>>
      %dma_start3A_110 = arith.constant 1024 : i32
      %dma_start3A_111 = tpu.memref_slice %arg13[%dma_start3A_110] : memref<1280xi32, #tpu.memory_space<vmem>> -> memref<128xi32, #tpu.memory_space<vmem>>
      %dma_start3A_112 = arith.constant 0 : i32
      %dma_start3A_113 = arith.constant 0 : i32
      %dma_start3A_114 = tpu.memref_slice %arg6[%dma_start3A_112, %dma_start3A_113] : memref<100000x64xf32, #tpu.memory_space<hbm>> -> memref<100000x64xf32, #tpu.memory_space<hbm>>
      tpu.enqueue_indirect_dma source(%dma_start3A_114 : memref<100000x64xf32, #tpu.memory_space<hbm>>) target(%dma_start3A_109 : memref<128x64xf32, #tpu.memory_space<vmem>>) offsets(%dma_start3A_111 : memref<128xi32, #tpu.memory_space<vmem>>) semaphore(%arg18 : memref<!tpu.dma_semaphore, #tpu.memory_space<semaphore_mem>>)
      %dma_start3A_115 = arith.constant 1152 : i32
      %dma_start3A_116 = arith.constant 0 : i32
      %dma_start3A_117 = tpu.memref_slice %arg14[%dma_start3A_115, %dma_start3A_116] : memref<1280x64xf32, #tpu.memory_space<vmem>> -> memref<128x64xf32, #tpu.memory_space<vmem>>
      %dma_start3A_118 = arith.constant 1152 : i32
      %dma_start3A_119 = tpu.memref_slice %arg13[%dma_start3A_118] : memref<1280xi32, #tpu.memory_space<vmem>> -> memref<128xi32, #tpu.memory_space<vmem>>
      %dma_start3A_120 = arith.constant 0 : i32
      %dma_start3A_121 = arith.constant 0 : i32
      %dma_start3A_122 = tpu.memref_slice %arg6[%dma_start3A_120, %dma_start3A_121] : memref<100000x64xf32, #tpu.memory_space<hbm>> -> memref<100000x64xf32, #tpu.memory_space<hbm>>
      tpu.enqueue_indirect_dma source(%dma_start3A_122 : memref<100000x64xf32, #tpu.memory_space<hbm>>) target(%dma_start3A_117 : memref<128x64xf32, #tpu.memory_space<vmem>>) offsets(%dma_start3A_119 : memref<128xi32, #tpu.memory_space<vmem>>) semaphore(%arg18 : memref<!tpu.dma_semaphore, #tpu.memory_space<semaphore_mem>>)
      %dma_wait3A_123 = arith.constant 0 : i32
      %dma_wait3A_124 = arith.constant 0 : i32
      %dma_wait3A_125 = tpu.memref_slice %arg14[%dma_wait3A_123, %dma_wait3A_124] : memref<1280x64xf32, #tpu.memory_space<vmem>> -> memref<128x64xf32, #tpu.memory_space<vmem>>
      %dma_wait3A_126 = arith.constant 0 : i32
      %dma_wait3A_127 = tpu.memref_slice %arg13[%dma_wait3A_126] : memref<1280xi32, #tpu.memory_space<vmem>> -> memref<128xi32, #tpu.memory_space<vmem>>
      %dma_wait3A_128 = arith.constant 0 : i32
      %dma_wait3A_129 = arith.constant 0 : i32
      %dma_wait3A_130 = tpu.memref_slice %arg6[%dma_wait3A_128, %dma_wait3A_129] : memref<100000x64xf32, #tpu.memory_space<hbm>> -> memref<100000x64xf32, #tpu.memory_space<hbm>>
      tpu.wait_indirect_dma semaphore(%arg18 : memref<!tpu.dma_semaphore, #tpu.memory_space<semaphore_mem>>) src(%dma_wait3A_130 : memref<100000x64xf32, #tpu.memory_space<hbm>>) dst(%dma_wait3A_125 : memref<128x64xf32, #tpu.memory_space<vmem>>)
      %dma_wait3A_131 = arith.constant 128 : i32
      %dma_wait3A_132 = arith.constant 0 : i32
      %dma_wait3A_133 = tpu.memref_slice %arg14[%dma_wait3A_131, %dma_wait3A_132] : memref<1280x64xf32, #tpu.memory_space<vmem>> -> memref<128x64xf32, #tpu.memory_space<vmem>>
      %dma_wait3A_134 = arith.constant 128 : i32
      %dma_wait3A_135 = tpu.memref_slice %arg13[%dma_wait3A_134] : memref<1280xi32, #tpu.memory_space<vmem>> -> memref<128xi32, #tpu.memory_space<vmem>>
      %dma_wait3A_136 = arith.constant 0 : i32
      %dma_wait3A_137 = arith.constant 0 : i32
      %dma_wait3A_138 = tpu.memref_slice %arg6[%dma_wait3A_136, %dma_wait3A_137] : memref<100000x64xf32, #tpu.memory_space<hbm>> -> memref<100000x64xf32, #tpu.memory_space<hbm>>
      tpu.wait_indirect_dma semaphore(%arg18 : memref<!tpu.dma_semaphore, #tpu.memory_space<semaphore_mem>>) src(%dma_wait3A_138 : memref<100000x64xf32, #tpu.memory_space<hbm>>) dst(%dma_wait3A_133 : memref<128x64xf32, #tpu.memory_space<vmem>>)
      %dma_wait3A_139 = arith.constant 256 : i32
      %dma_wait3A_140 = arith.constant 0 : i32
      %dma_wait3A_141 = tpu.memref_slice %arg14[%dma_wait3A_139, %dma_wait3A_140] : memref<1280x64xf32, #tpu.memory_space<vmem>> -> memref<128x64xf32, #tpu.memory_space<vmem>>
      %dma_wait3A_142 = arith.constant 256 : i32
      %dma_wait3A_143 = tpu.memref_slice %arg13[%dma_wait3A_142] : memref<1280xi32, #tpu.memory_space<vmem>> -> memref<128xi32, #tpu.memory_space<vmem>>
      %dma_wait3A_144 = arith.constant 0 : i32
      %dma_wait3A_145 = arith.constant 0 : i32
      %dma_wait3A_146 = tpu.memref_slice %arg6[%dma_wait3A_144, %dma_wait3A_145] : memref<100000x64xf32, #tpu.memory_space<hbm>> -> memref<100000x64xf32, #tpu.memory_space<hbm>>
      tpu.wait_indirect_dma semaphore(%arg18 : memref<!tpu.dma_semaphore, #tpu.memory_space<semaphore_mem>>) src(%dma_wait3A_146 : memref<100000x64xf32, #tpu.memory_space<hbm>>) dst(%dma_wait3A_141 : memref<128x64xf32, #tpu.memory_space<vmem>>)
      %dma_wait3A_147 = arith.constant 384 : i32
      %dma_wait3A_148 = arith.constant 0 : i32
      %dma_wait3A_149 = tpu.memref_slice %arg14[%dma_wait3A_147, %dma_wait3A_148] : memref<1280x64xf32, #tpu.memory_space<vmem>> -> memref<128x64xf32, #tpu.memory_space<vmem>>
      %dma_wait3A_150 = arith.constant 384 : i32
      %dma_wait3A_151 = tpu.memref_slice %arg13[%dma_wait3A_150] : memref<1280xi32, #tpu.memory_space<vmem>> -> memref<128xi32, #tpu.memory_space<vmem>>
      %dma_wait3A_152 = arith.constant 0 : i32
      %dma_wait3A_153 = arith.constant 0 : i32
      %dma_wait3A_154 = tpu.memref_slice %arg6[%dma_wait3A_152, %dma_wait3A_153] : memref<100000x64xf32, #tpu.memory_space<hbm>> -> memref<100000x64xf32, #tpu.memory_space<hbm>>
      tpu.wait_indirect_dma semaphore(%arg18 : memref<!tpu.dma_semaphore, #tpu.memory_space<semaphore_mem>>) src(%dma_wait3A_154 : memref<100000x64xf32, #tpu.memory_space<hbm>>) dst(%dma_wait3A_149 : memref<128x64xf32, #tpu.memory_space<vmem>>)
      %dma_wait3A_155 = arith.constant 512 : i32
      %dma_wait3A_156 = arith.constant 0 : i32
      %dma_wait3A_157 = tpu.memref_slice %arg14[%dma_wait3A_155, %dma_wait3A_156] : memref<1280x64xf32, #tpu.memory_space<vmem>> -> memref<128x64xf32, #tpu.memory_space<vmem>>
      %dma_wait3A_158 = arith.constant 512 : i32
      %dma_wait3A_159 = tpu.memref_slice %arg13[%dma_wait3A_158] : memref<1280xi32, #tpu.memory_space<vmem>> -> memref<128xi32, #tpu.memory_space<vmem>>
      %dma_wait3A_160 = arith.constant 0 : i32
      %dma_wait3A_161 = arith.constant 0 : i32
      %dma_wait3A_162 = tpu.memref_slice %arg6[%dma_wait3A_160, %dma_wait3A_161] : memref<100000x64xf32, #tpu.memory_space<hbm>> -> memref<100000x64xf32, #tpu.memory_space<hbm>>
      tpu.wait_indirect_dma semaphore(%arg18 : memref<!tpu.dma_semaphore, #tpu.memory_space<semaphore_mem>>) src(%dma_wait3A_162 : memref<100000x64xf32, #tpu.memory_space<hbm>>) dst(%dma_wait3A_157 : memref<128x64xf32, #tpu.memory_space<vmem>>)
      %dma_wait3A_163 = arith.constant 640 : i32
      %dma_wait3A_164 = arith.constant 0 : i32
      %dma_wait3A_165 = tpu.memref_slice %arg14[%dma_wait3A_163, %dma_wait3A_164] : memref<1280x64xf32, #tpu.memory_space<vmem>> -> memref<128x64xf32, #tpu.memory_space<vmem>>
      %dma_wait3A_166 = arith.constant 640 : i32
      %dma_wait3A_167 = tpu.memref_slice %arg13[%dma_wait3A_166] : memref<1280xi32, #tpu.memory_space<vmem>> -> memref<128xi32, #tpu.memory_space<vmem>>
      %dma_wait3A_168 = arith.constant 0 : i32
      %dma_wait3A_169 = arith.constant 0 : i32
      %dma_wait3A_170 = tpu.memref_slice %arg6[%dma_wait3A_168, %dma_wait3A_169] : memref<100000x64xf32, #tpu.memory_space<hbm>> -> memref<100000x64xf32, #tpu.memory_space<hbm>>
      tpu.wait_indirect_dma semaphore(%arg18 : memref<!tpu.dma_semaphore, #tpu.memory_space<semaphore_mem>>) src(%dma_wait3A_170 : memref<100000x64xf32, #tpu.memory_space<hbm>>) dst(%dma_wait3A_165 : memref<128x64xf32, #tpu.memory_space<vmem>>)
      %dma_wait3A_171 = arith.constant 768 : i32
      %dma_wait3A_172 = arith.constant 0 : i32
      %dma_wait3A_173 = tpu.memref_slice %arg14[%dma_wait3A_171, %dma_wait3A_172] : memref<1280x64xf32, #tpu.memory_space<vmem>> -> memref<128x64xf32, #tpu.memory_space<vmem>>
      %dma_wait3A_174 = arith.constant 768 : i32
      %dma_wait3A_175 = tpu.memref_slice %arg13[%dma_wait3A_174] : memref<1280xi32, #tpu.memory_space<vmem>> -> memref<128xi32, #tpu.memory_space<vmem>>
      %dma_wait3A_176 = arith.constant 0 : i32
      %dma_wait3A_177 = arith.constant 0 : i32
      %dma_wait3A_178 = tpu.memref_slice %arg6[%dma_wait3A_176, %dma_wait3A_177] : memref<100000x64xf32, #tpu.memory_space<hbm>> -> memref<100000x64xf32, #tpu.memory_space<hbm>>
      tpu.wait_indirect_dma semaphore(%arg18 : memref<!tpu.dma_semaphore, #tpu.memory_space<semaphore_mem>>) src(%dma_wait3A_178 : memref<100000x64xf32, #tpu.memory_space<hbm>>) dst(%dma_wait3A_173 : memref<128x64xf32, #tpu.memory_space<vmem>>)
      %dma_wait3A_179 = arith.constant 896 : i32
      %dma_wait3A_180 = arith.constant 0 : i32
      %dma_wait3A_181 = tpu.memref_slice %arg14[%dma_wait3A_179, %dma_wait3A_180] : memref<1280x64xf32, #tpu.memory_space<vmem>> -> memref<128x64xf32, #tpu.memory_space<vmem>>
      %dma_wait3A_182 = arith.constant 896 : i32
      %dma_wait3A_183 = tpu.memref_slice %arg13[%dma_wait3A_182] : memref<1280xi32, #tpu.memory_space<vmem>> -> memref<128xi32, #tpu.memory_space<vmem>>
      %dma_wait3A_184 = arith.constant 0 : i32
      %dma_wait3A_185 = arith.constant 0 : i32
      %dma_wait3A_186 = tpu.memref_slice %arg6[%dma_wait3A_184, %dma_wait3A_185] : memref<100000x64xf32, #tpu.memory_space<hbm>> -> memref<100000x64xf32, #tpu.memory_space<hbm>>
      tpu.wait_indirect_dma semaphore(%arg18 : memref<!tpu.dma_semaphore, #tpu.memory_space<semaphore_mem>>) src(%dma_wait3A_186 : memref<100000x64xf32, #tpu.memory_space<hbm>>) dst(%dma_wait3A_181 : memref<128x64xf32, #tpu.memory_space<vmem>>)
      %dma_wait3A_187 = arith.constant 1024 : i32
      %dma_wait3A_188 = arith.constant 0 : i32
      %dma_wait3A_189 = tpu.memref_slice %arg14[%dma_wait3A_187, %dma_wait3A_188] : memref<1280x64xf32, #tpu.memory_space<vmem>> -> memref<128x64xf32, #tpu.memory_space<vmem>>
      %dma_wait3A_190 = arith.constant 1024 : i32
      %dma_wait3A_191 = tpu.memref_slice %arg13[%dma_wait3A_190] : memref<1280xi32, #tpu.memory_space<vmem>> -> memref<128xi32, #tpu.memory_space<vmem>>
      %dma_wait3A_192 = arith.constant 0 : i32
      %dma_wait3A_193 = arith.constant 0 : i32
      %dma_wait3A_194 = tpu.memref_slice %arg6[%dma_wait3A_192, %dma_wait3A_193] : memref<100000x64xf32, #tpu.memory_space<hbm>> -> memref<100000x64xf32, #tpu.memory_space<hbm>>
      tpu.wait_indirect_dma semaphore(%arg18 : memref<!tpu.dma_semaphore, #tpu.memory_space<semaphore_mem>>) src(%dma_wait3A_194 : memref<100000x64xf32, #tpu.memory_space<hbm>>) dst(%dma_wait3A_189 : memref<128x64xf32, #tpu.memory_space<vmem>>)
      %dma_wait3A_195 = arith.constant 1152 : i32
      %dma_wait3A_196 = arith.constant 0 : i32
      %dma_wait3A_197 = tpu.memref_slice %arg14[%dma_wait3A_195, %dma_wait3A_196] : memref<1280x64xf32, #tpu.memory_space<vmem>> -> memref<128x64xf32, #tpu.memory_space<vmem>>
      %dma_wait3A_198 = arith.constant 1152 : i32
      %dma_wait3A_199 = tpu.memref_slice %arg13[%dma_wait3A_198] : memref<1280xi32, #tpu.memory_space<vmem>> -> memref<128xi32, #tpu.memory_space<vmem>>
      %dma_wait3A_200 = arith.constant 0 : i32
      %dma_wait3A_201 = arith.constant 0 : i32
      %dma_wait3A_202 = tpu.memref_slice %arg6[%dma_wait3A_200, %dma_wait3A_201] : memref<100000x64xf32, #tpu.memory_space<hbm>> -> memref<100000x64xf32, #tpu.memory_space<hbm>>
      tpu.wait_indirect_dma semaphore(%arg18 : memref<!tpu.dma_semaphore, #tpu.memory_space<semaphore_mem>>) src(%dma_wait3A_202 : memref<100000x64xf32, #tpu.memory_space<hbm>>) dst(%dma_wait3A_197 : memref<128x64xf32, #tpu.memory_space<vmem>>)
      %scan3A_203 = arith.constant 0 : i32
      %scan3A_204 = arith.constant 0 : i32
      %scan3A_205 = arith.constant 64 : i32
      %scan3A_206 = arith.addi %scan3A_204, %scan3A_205 : i32
      %scan3A_207 = arith.constant 1 : i32
      scf.for %scan3A_209 = %scan3A_204 to %scan3A_206 step %scan3A_207  : i32 {
        %mul3A_210 = arith.constant 20 : i32
        %mul3A_211 = arith.muli %scan3A_209, %mul3A_210 : i32
        %get3A = arith.index_cast %mul3A_211 : i32 to index
        %get3A_212 = arith.constant 0 : index
        %get3A_213 = tpu.vector_load %arg14[%get3A, %get3A_212] {strides = array<i32>} : memref<1280x64xf32, #tpu.memory_space<vmem>>, vector<16xf32>,
        %get3A_214 = arith.index_cast %mul3A_211 : i32 to index
        %get3A_215 = arith.constant 16 : index
        %get3A_216 = tpu.vector_load %arg14[%get3A_214, %get3A_215] {strides = array<i32>} : memref<1280x64xf32, #tpu.memory_space<vmem>>, vector<16xf32>,
        %get3A_217 = arith.index_cast %mul3A_211 : i32 to index
        %get3A_218 = arith.constant 32 : index
        %get3A_219 = tpu.vector_load %arg14[%get3A_217, %get3A_218] {strides = array<i32>} : memref<1280x64xf32, #tpu.memory_space<vmem>>, vector<16xf32>,
        %get3A_220 = arith.index_cast %mul3A_211 : i32 to index
        %get3A_221 = arith.constant 48 : index
        %get3A_222 = tpu.vector_load %arg14[%get3A_220, %get3A_221] {strides = array<i32>} : memref<1280x64xf32, #tpu.memory_space<vmem>>, vector<16xf32>,
        %add3A_223 = arith.constant 1 : i32
        %add3A_224 = arith.addi %mul3A_211, %add3A_223 : i32
        %get3A_225 = arith.index_cast %add3A_224 : i32 to index
        %get3A_226 = arith.constant 0 : index
        %get3A_227 = tpu.vector_load %arg14[%get3A_225, %get3A_226] {strides = array<i32>} : memref<1280x64xf32, #tpu.memory_space<vmem>>, vector<16xf32>,
        %add3A_228 = arith.addf %get3A_213, %get3A_227 : vector<16xf32>
        %add3A_229 = arith.constant 1 : i32
        %add3A_230 = arith.addi %mul3A_211, %add3A_229 : i32
        %get3A_231 = arith.index_cast %add3A_230 : i32 to index
        %get3A_232 = arith.constant 16 : index
        %get3A_233 = tpu.vector_load %arg14[%get3A_231, %get3A_232] {strides = array<i32>} : memref<1280x64xf32, #tpu.memory_space<vmem>>, vector<16xf32>,
        %add3A_234 = arith.addf %get3A_216, %get3A_233 : vector<16xf32>
        %add3A_235 = arith.constant 1 : i32
        %add3A_236 = arith.addi %mul3A_211, %add3A_235 : i32
        %get3A_237 = arith.index_cast %add3A_236 : i32 to index
        %get3A_238 = arith.constant 32 : index
        %get3A_239 = tpu.vector_load %arg14[%get3A_237, %get3A_238] {strides = array<i32>} : memref<1280x64xf32, #tpu.memory_space<vmem>>, vector<16xf32>,
        %add3A_240 = arith.addf %get3A_219, %get3A_239 : vector<16xf32>
        %add3A_241 = arith.constant 1 : i32
        %add3A_242 = arith.addi %mul3A_211, %add3A_241 : i32
        %get3A_243 = arith.index_cast %add3A_242 : i32 to index
        %get3A_244 = arith.constant 48 : index
        %get3A_245 = tpu.vector_load %arg14[%get3A_243, %get3A_244] {strides = array<i32>} : memref<1280x64xf32, #tpu.memory_space<vmem>>, vector<16xf32>,
        %add3A_246 = arith.addf %get3A_222, %get3A_245 : vector<16xf32>
        %add3A_247 = arith.constant 2 : i32
        %add3A_248 = arith.addi %mul3A_211, %add3A_247 : i32
        %get3A_249 = arith.index_cast %add3A_248 : i32 to index
        %get3A_250 = arith.constant 0 : index
        %get3A_251 = tpu.vector_load %arg14[%get3A_249, %get3A_250] {strides = array<i32>} : memref<1280x64xf32, #tpu.memory_space<vmem>>, vector<16xf32>,
        %add3A_252 = arith.addf %add3A_228, %get3A_251 : vector<16xf32>
        %add3A_253 = arith.constant 2 : i32
        %add3A_254 = arith.addi %mul3A_211, %add3A_253 : i32
        %get3A_255 = arith.index_cast %add3A_254 : i32 to index
        %get3A_256 = arith.constant 16 : index
        %get3A_257 = tpu.vector_load %arg14[%get3A_255, %get3A_256] {strides = array<i32>} : memref<1280x64xf32, #tpu.memory_space<vmem>>, vector<16xf32>,
        %add3A_258 = arith.addf %add3A_234, %get3A_257 : vector<16xf32>
        %add3A_259 = arith.constant 2 : i32
        %add3A_260 = arith.addi %mul3A_211, %add3A_259 : i32
        %get3A_261 = arith.index_cast %add3A_260 : i32 to index
        %get3A_262 = arith.constant 32 : index
        %get3A_263 = tpu.vector_load %arg14[%get3A_261, %get3A_262] {strides = array<i32>} : memref<1280x64xf32, #tpu.memory_space<vmem>>, vector<16xf32>,
        %add3A_264 = arith.addf %add3A_240, %get3A_263 : vector<16xf32>
        %add3A_265 = arith.constant 2 : i32
        %add3A_266 = arith.addi %mul3A_211, %add3A_265 : i32
        %get3A_267 = arith.index_cast %add3A_266 : i32 to index
        %get3A_268 = arith.constant 48 : index
        %get3A_269 = tpu.vector_load %arg14[%get3A_267, %get3A_268] {strides = array<i32>} : memref<1280x64xf32, #tpu.memory_space<vmem>>, vector<16xf32>,
        %add3A_270 = arith.addf %add3A_246, %get3A_269 : vector<16xf32>
        %add3A_271 = arith.constant 3 : i32
        %add3A_272 = arith.addi %mul3A_211, %add3A_271 : i32
        %get3A_273 = arith.index_cast %add3A_272 : i32 to index
        %get3A_274 = arith.constant 0 : index
        %get3A_275 = tpu.vector_load %arg14[%get3A_273, %get3A_274] {strides = array<i32>} : memref<1280x64xf32, #tpu.memory_space<vmem>>, vector<16xf32>,
        %add3A_276 = arith.addf %add3A_252, %get3A_275 : vector<16xf32>
        %add3A_277 = arith.constant 3 : i32
        %add3A_278 = arith.addi %mul3A_211, %add3A_277 : i32
        %get3A_279 = arith.index_cast %add3A_278 : i32 to index
        %get3A_280 = arith.constant 16 : index
        %get3A_281 = tpu.vector_load %arg14[%get3A_279, %get3A_280] {strides = array<i32>} : memref<1280x64xf32, #tpu.memory_space<vmem>>, vector<16xf32>,
        %add3A_282 = arith.addf %add3A_258, %get3A_281 : vector<16xf32>
        %add3A_283 = arith.constant 3 : i32
        %add3A_284 = arith.addi %mul3A_211, %add3A_283 : i32
        %get3A_285 = arith.index_cast %add3A_284 : i32 to index
        %get3A_286 = arith.constant 32 : index
        %get3A_287 = tpu.vector_load %arg14[%get3A_285, %get3A_286] {strides = array<i32>} : memref<1280x64xf32, #tpu.memory_space<vmem>>, vector<16xf32>,
        %add3A_288 = arith.addf %add3A_264, %get3A_287 : vector<16xf32>
        %add3A_289 = arith.constant 3 : i32
        %add3A_290 = arith.addi %mul3A_211, %add3A_289 : i32
        %get3A_291 = arith.index_cast %add3A_290 : i32 to index
        %get3A_292 = arith.constant 48 : index
        %get3A_293 = tpu.vector_load %arg14[%get3A_291, %get3A_292] {strides = array<i32>} : memref<1280x64xf32, #tpu.memory_space<vmem>>, vector<16xf32>,
        %add3A_294 = arith.addf %add3A_270, %get3A_293 : vector<16xf32>
        %add3A_295 = arith.constant 4 : i32
        %add3A_296 = arith.addi %mul3A_211, %add3A_295 : i32
        %get3A_297 = arith.index_cast %add3A_296 : i32 to index
        %get3A_298 = arith.constant 0 : index
        %get3A_299 = tpu.vector_load %arg14[%get3A_297, %get3A_298] {strides = array<i32>} : memref<1280x64xf32, #tpu.memory_space<vmem>>, vector<16xf32>,
        %add3A_300 = arith.addf %add3A_276, %get3A_299 : vector<16xf32>
        %add3A_301 = arith.constant 4 : i32
        %add3A_302 = arith.addi %mul3A_211, %add3A_301 : i32
        %get3A_303 = arith.index_cast %add3A_302 : i32 to index
        %get3A_304 = arith.constant 16 : index
        %get3A_305 = tpu.vector_load %arg14[%get3A_303, %get3A_304] {strides = array<i32>} : memref<1280x64xf32, #tpu.memory_space<vmem>>, vector<16xf32>,
        %add3A_306 = arith.addf %add3A_282, %get3A_305 : vector<16xf32>
        %add3A_307 = arith.constant 4 : i32
        %add3A_308 = arith.addi %mul3A_211, %add3A_307 : i32
        %get3A_309 = arith.index_cast %add3A_308 : i32 to index
        %get3A_310 = arith.constant 32 : index
        %get3A_311 = tpu.vector_load %arg14[%get3A_309, %get3A_310] {strides = array<i32>} : memref<1280x64xf32, #tpu.memory_space<vmem>>, vector<16xf32>,
        %add3A_312 = arith.addf %add3A_288, %get3A_311 : vector<16xf32>
        %add3A_313 = arith.constant 4 : i32
        %add3A_314 = arith.addi %mul3A_211, %add3A_313 : i32
        %get3A_315 = arith.index_cast %add3A_314 : i32 to index
        %get3A_316 = arith.constant 48 : index
        %get3A_317 = tpu.vector_load %arg14[%get3A_315, %get3A_316] {strides = array<i32>} : memref<1280x64xf32, #tpu.memory_space<vmem>>, vector<16xf32>,
        %add3A_318 = arith.addf %add3A_294, %get3A_317 : vector<16xf32>
        %add3A_319 = arith.constant 5 : i32
        %add3A_320 = arith.addi %mul3A_211, %add3A_319 : i32
        %get3A_321 = arith.index_cast %add3A_320 : i32 to index
        %get3A_322 = arith.constant 0 : index
        %get3A_323 = tpu.vector_load %arg14[%get3A_321, %get3A_322] {strides = array<i32>} : memref<1280x64xf32, #tpu.memory_space<vmem>>, vector<16xf32>,
        %add3A_324 = arith.addf %add3A_300, %get3A_323 : vector<16xf32>
        %add3A_325 = arith.constant 5 : i32
        %add3A_326 = arith.addi %mul3A_211, %add3A_325 : i32
        %get3A_327 = arith.index_cast %add3A_326 : i32 to index
        %get3A_328 = arith.constant 16 : index
        %get3A_329 = tpu.vector_load %arg14[%get3A_327, %get3A_328] {strides = array<i32>} : memref<1280x64xf32, #tpu.memory_space<vmem>>, vector<16xf32>,
        %add3A_330 = arith.addf %add3A_306, %get3A_329 : vector<16xf32>
        %add3A_331 = arith.constant 5 : i32
        %add3A_332 = arith.addi %mul3A_211, %add3A_331 : i32
        %get3A_333 = arith.index_cast %add3A_332 : i32 to index
        %get3A_334 = arith.constant 32 : index
        %get3A_335 = tpu.vector_load %arg14[%get3A_333, %get3A_334] {strides = array<i32>} : memref<1280x64xf32, #tpu.memory_space<vmem>>, vector<16xf32>,
        %add3A_336 = arith.addf %add3A_312, %get3A_335 : vector<16xf32>
        %add3A_337 = arith.constant 5 : i32
        %add3A_338 = arith.addi %mul3A_211, %add3A_337 : i32
        %get3A_339 = arith.index_cast %add3A_338 : i32 to index
        %get3A_340 = arith.constant 48 : index
        %get3A_341 = tpu.vector_load %arg14[%get3A_339, %get3A_340] {strides = array<i32>} : memref<1280x64xf32, #tpu.memory_space<vmem>>, vector<16xf32>,
        %add3A_342 = arith.addf %add3A_318, %get3A_341 : vector<16xf32>
        %add3A_343 = arith.constant 6 : i32
        %add3A_344 = arith.addi %mul3A_211, %add3A_343 : i32
        %get3A_345 = arith.index_cast %add3A_344 : i32 to index
        %get3A_346 = arith.constant 0 : index
        %get3A_347 = tpu.vector_load %arg14[%get3A_345, %get3A_346] {strides = array<i32>} : memref<1280x64xf32, #tpu.memory_space<vmem>>, vector<16xf32>,
        %add3A_348 = arith.addf %add3A_324, %get3A_347 : vector<16xf32>
        %add3A_349 = arith.constant 6 : i32
        %add3A_350 = arith.addi %mul3A_211, %add3A_349 : i32
        %get3A_351 = arith.index_cast %add3A_350 : i32 to index
        %get3A_352 = arith.constant 16 : index
        %get3A_353 = tpu.vector_load %arg14[%get3A_351, %get3A_352] {strides = array<i32>} : memref<1280x64xf32, #tpu.memory_space<vmem>>, vector<16xf32>,
        %add3A_354 = arith.addf %add3A_330, %get3A_353 : vector<16xf32>
        %add3A_355 = arith.constant 6 : i32
        %add3A_356 = arith.addi %mul3A_211, %add3A_355 : i32
        %get3A_357 = arith.index_cast %add3A_356 : i32 to index
        %get3A_358 = arith.constant 32 : index
        %get3A_359 = tpu.vector_load %arg14[%get3A_357, %get3A_358] {strides = array<i32>} : memref<1280x64xf32, #tpu.memory_space<vmem>>, vector<16xf32>,
        %add3A_360 = arith.addf %add3A_336, %get3A_359 : vector<16xf32>
        %add3A_361 = arith.constant 6 : i32
        %add3A_362 = arith.addi %mul3A_211, %add3A_361 : i32
        %get3A_363 = arith.index_cast %add3A_362 : i32 to index
        %get3A_364 = arith.constant 48 : index
        %get3A_365 = tpu.vector_load %arg14[%get3A_363, %get3A_364] {strides = array<i32>} : memref<1280x64xf32, #tpu.memory_space<vmem>>, vector<16xf32>,
        %add3A_366 = arith.addf %add3A_342, %get3A_365 : vector<16xf32>
        %add3A_367 = arith.constant 7 : i32
        %add3A_368 = arith.addi %mul3A_211, %add3A_367 : i32
        %get3A_369 = arith.index_cast %add3A_368 : i32 to index
        %get3A_370 = arith.constant 0 : index
        %get3A_371 = tpu.vector_load %arg14[%get3A_369, %get3A_370] {strides = array<i32>} : memref<1280x64xf32, #tpu.memory_space<vmem>>, vector<16xf32>,
        %add3A_372 = arith.addf %add3A_348, %get3A_371 : vector<16xf32>
        %add3A_373 = arith.constant 7 : i32
        %add3A_374 = arith.addi %mul3A_211, %add3A_373 : i32
        %get3A_375 = arith.index_cast %add3A_374 : i32 to index
        %get3A_376 = arith.constant 16 : index
        %get3A_377 = tpu.vector_load %arg14[%get3A_375, %get3A_376] {strides = array<i32>} : memref<1280x64xf32, #tpu.memory_space<vmem>>, vector<16xf32>,
        %add3A_378 = arith.addf %add3A_354, %get3A_377 : vector<16xf32>
        %add3A_379 = arith.constant 7 : i32
        %add3A_380 = arith.addi %mul3A_211, %add3A_379 : i32
        %get3A_381 = arith.index_cast %add3A_380 : i32 to index
        %get3A_382 = arith.constant 32 : index
        %get3A_383 = tpu.vector_load %arg14[%get3A_381, %get3A_382] {strides = array<i32>} : memref<1280x64xf32, #tpu.memory_space<vmem>>, vector<16xf32>,
        %add3A_384 = arith.addf %add3A_360, %get3A_383 : vector<16xf32>
        %add3A_385 = arith.constant 7 : i32
        %add3A_386 = arith.addi %mul3A_211, %add3A_385 : i32
        %get3A_387 = arith.index_cast %add3A_386 : i32 to index
        %get3A_388 = arith.constant 48 : index
        %get3A_389 = tpu.vector_load %arg14[%get3A_387, %get3A_388] {strides = array<i32>} : memref<1280x64xf32, #tpu.memory_space<vmem>>, vector<16xf32>,
        %add3A_390 = arith.addf %add3A_366, %get3A_389 : vector<16xf32>
        %add3A_391 = arith.constant 8 : i32
        %add3A_392 = arith.addi %mul3A_211, %add3A_391 : i32
        %get3A_393 = arith.index_cast %add3A_392 : i32 to index
        %get3A_394 = arith.constant 0 : index
        %get3A_395 = tpu.vector_load %arg14[%get3A_393, %get3A_394] {strides = array<i32>} : memref<1280x64xf32, #tpu.memory_space<vmem>>, vector<16xf32>,
        %add3A_396 = arith.addf %add3A_372, %get3A_395 : vector<16xf32>
        %add3A_397 = arith.constant 8 : i32
        %add3A_398 = arith.addi %mul3A_211, %add3A_397 : i32
        %get3A_399 = arith.index_cast %add3A_398 : i32 to index
        %get3A_400 = arith.constant 16 : index
        %get3A_401 = tpu.vector_load %arg14[%get3A_399, %get3A_400] {strides = array<i32>} : memref<1280x64xf32, #tpu.memory_space<vmem>>, vector<16xf32>,
        %add3A_402 = arith.addf %add3A_378, %get3A_401 : vector<16xf32>
        %add3A_403 = arith.constant 8 : i32
        %add3A_404 = arith.addi %mul3A_211, %add3A_403 : i32
        %get3A_405 = arith.index_cast %add3A_404 : i32 to index
        %get3A_406 = arith.constant 32 : index
        %get3A_407 = tpu.vector_load %arg14[%get3A_405, %get3A_406] {strides = array<i32>} : memref<1280x64xf32, #tpu.memory_space<vmem>>, vector<16xf32>,
        %add3A_408 = arith.addf %add3A_384, %get3A_407 : vector<16xf32>
        %add3A_409 = arith.constant 8 : i32
        %add3A_410 = arith.addi %mul3A_211, %add3A_409 : i32
        %get3A_411 = arith.index_cast %add3A_410 : i32 to index
        %get3A_412 = arith.constant 48 : index
        %get3A_413 = tpu.vector_load %arg14[%get3A_411, %get3A_412] {strides = array<i32>} : memref<1280x64xf32, #tpu.memory_space<vmem>>, vector<16xf32>,
        %add3A_414 = arith.addf %add3A_390, %get3A_413 : vector<16xf32>
        %add3A_415 = arith.constant 9 : i32
        %add3A_416 = arith.addi %mul3A_211, %add3A_415 : i32
        %get3A_417 = arith.index_cast %add3A_416 : i32 to index
        %get3A_418 = arith.constant 0 : index
        %get3A_419 = tpu.vector_load %arg14[%get3A_417, %get3A_418] {strides = array<i32>} : memref<1280x64xf32, #tpu.memory_space<vmem>>, vector<16xf32>,
        %add3A_420 = arith.addf %add3A_396, %get3A_419 : vector<16xf32>
        %add3A_421 = arith.constant 9 : i32
        %add3A_422 = arith.addi %mul3A_211, %add3A_421 : i32
        %get3A_423 = arith.index_cast %add3A_422 : i32 to index
        %get3A_424 = arith.constant 16 : index
        %get3A_425 = tpu.vector_load %arg14[%get3A_423, %get3A_424] {strides = array<i32>} : memref<1280x64xf32, #tpu.memory_space<vmem>>, vector<16xf32>,
        %add3A_426 = arith.addf %add3A_402, %get3A_425 : vector<16xf32>
        %add3A_427 = arith.constant 9 : i32
        %add3A_428 = arith.addi %mul3A_211, %add3A_427 : i32
        %get3A_429 = arith.index_cast %add3A_428 : i32 to index
        %get3A_430 = arith.constant 32 : index
        %get3A_431 = tpu.vector_load %arg14[%get3A_429, %get3A_430] {strides = array<i32>} : memref<1280x64xf32, #tpu.memory_space<vmem>>, vector<16xf32>,
        %add3A_432 = arith.addf %add3A_408, %get3A_431 : vector<16xf32>
        %add3A_433 = arith.constant 9 : i32
        %add3A_434 = arith.addi %mul3A_211, %add3A_433 : i32
        %get3A_435 = arith.index_cast %add3A_434 : i32 to index
        %get3A_436 = arith.constant 48 : index
        %get3A_437 = tpu.vector_load %arg14[%get3A_435, %get3A_436] {strides = array<i32>} : memref<1280x64xf32, #tpu.memory_space<vmem>>, vector<16xf32>,
        %add3A_438 = arith.addf %add3A_414, %get3A_437 : vector<16xf32>
        %add3A_439 = arith.constant 10 : i32
        %add3A_440 = arith.addi %mul3A_211, %add3A_439 : i32
        %get3A_441 = arith.index_cast %add3A_440 : i32 to index
        %get3A_442 = arith.constant 0 : index
        %get3A_443 = tpu.vector_load %arg14[%get3A_441, %get3A_442] {strides = array<i32>} : memref<1280x64xf32, #tpu.memory_space<vmem>>, vector<16xf32>,
        %add3A_444 = arith.addf %add3A_420, %get3A_443 : vector<16xf32>
        %add3A_445 = arith.constant 10 : i32
        %add3A_446 = arith.addi %mul3A_211, %add3A_445 : i32
        %get3A_447 = arith.index_cast %add3A_446 : i32 to index
        %get3A_448 = arith.constant 16 : index
        %get3A_449 = tpu.vector_load %arg14[%get3A_447, %get3A_448] {strides = array<i32>} : memref<1280x64xf32, #tpu.memory_space<vmem>>, vector<16xf32>,
        %add3A_450 = arith.addf %add3A_426, %get3A_449 : vector<16xf32>
        %add3A_451 = arith.constant 10 : i32
        %add3A_452 = arith.addi %mul3A_211, %add3A_451 : i32
        %get3A_453 = arith.index_cast %add3A_452 : i32 to index
        %get3A_454 = arith.constant 32 : index
        %get3A_455 = tpu.vector_load %arg14[%get3A_453, %get3A_454] {strides = array<i32>} : memref<1280x64xf32, #tpu.memory_space<vmem>>, vector<16xf32>,
        %add3A_456 = arith.addf %add3A_432, %get3A_455 : vector<16xf32>
        %add3A_457 = arith.constant 10 : i32
        %add3A_458 = arith.addi %mul3A_211, %add3A_457 : i32
        %get3A_459 = arith.index_cast %add3A_458 : i32 to index
        %get3A_460 = arith.constant 48 : index
        %get3A_461 = tpu.vector_load %arg14[%get3A_459, %get3A_460] {strides = array<i32>} : memref<1280x64xf32, #tpu.memory_space<vmem>>, vector<16xf32>,
        %add3A_462 = arith.addf %add3A_438, %get3A_461 : vector<16xf32>
        %add3A_463 = arith.constant 11 : i32
        %add3A_464 = arith.addi %mul3A_211, %add3A_463 : i32
        %get3A_465 = arith.index_cast %add3A_464 : i32 to index
        %get3A_466 = arith.constant 0 : index
        %get3A_467 = tpu.vector_load %arg14[%get3A_465, %get3A_466] {strides = array<i32>} : memref<1280x64xf32, #tpu.memory_space<vmem>>, vector<16xf32>,
        %add3A_468 = arith.addf %add3A_444, %get3A_467 : vector<16xf32>
        %add3A_469 = arith.constant 11 : i32
        %add3A_470 = arith.addi %mul3A_211, %add3A_469 : i32
        %get3A_471 = arith.index_cast %add3A_470 : i32 to index
        %get3A_472 = arith.constant 16 : index
        %get3A_473 = tpu.vector_load %arg14[%get3A_471, %get3A_472] {strides = array<i32>} : memref<1280x64xf32, #tpu.memory_space<vmem>>, vector<16xf32>,
        %add3A_474 = arith.addf %add3A_450, %get3A_473 : vector<16xf32>
        %add3A_475 = arith.constant 11 : i32
        %add3A_476 = arith.addi %mul3A_211, %add3A_475 : i32
        %get3A_477 = arith.index_cast %add3A_476 : i32 to index
        %get3A_478 = arith.constant 32 : index
        %get3A_479 = tpu.vector_load %arg14[%get3A_477, %get3A_478] {strides = array<i32>} : memref<1280x64xf32, #tpu.memory_space<vmem>>, vector<16xf32>,
        %add3A_480 = arith.addf %add3A_456, %get3A_479 : vector<16xf32>
        %add3A_481 = arith.constant 11 : i32
        %add3A_482 = arith.addi %mul3A_211, %add3A_481 : i32
        %get3A_483 = arith.index_cast %add3A_482 : i32 to index
        %get3A_484 = arith.constant 48 : index
        %get3A_485 = tpu.vector_load %arg14[%get3A_483, %get3A_484] {strides = array<i32>} : memref<1280x64xf32, #tpu.memory_space<vmem>>, vector<16xf32>,
        %add3A_486 = arith.addf %add3A_462, %get3A_485 : vector<16xf32>
        %add3A_487 = arith.constant 12 : i32
        %add3A_488 = arith.addi %mul3A_211, %add3A_487 : i32
        %get3A_489 = arith.index_cast %add3A_488 : i32 to index
        %get3A_490 = arith.constant 0 : index
        %get3A_491 = tpu.vector_load %arg14[%get3A_489, %get3A_490] {strides = array<i32>} : memref<1280x64xf32, #tpu.memory_space<vmem>>, vector<16xf32>,
        %add3A_492 = arith.addf %add3A_468, %get3A_491 : vector<16xf32>
        %add3A_493 = arith.constant 12 : i32
        %add3A_494 = arith.addi %mul3A_211, %add3A_493 : i32
        %get3A_495 = arith.index_cast %add3A_494 : i32 to index
        %get3A_496 = arith.constant 16 : index
        %get3A_497 = tpu.vector_load %arg14[%get3A_495, %get3A_496] {strides = array<i32>} : memref<1280x64xf32, #tpu.memory_space<vmem>>, vector<16xf32>,
        %add3A_498 = arith.addf %add3A_474, %get3A_497 : vector<16xf32>
        %add3A_499 = arith.constant 12 : i32
        %add3A_500 = arith.addi %mul3A_211, %add3A_499 : i32
        %get3A_501 = arith.index_cast %add3A_500 : i32 to index
        %get3A_502 = arith.constant 32 : index
        %get3A_503 = tpu.vector_load %arg14[%get3A_501, %get3A_502] {strides = array<i32>} : memref<1280x64xf32, #tpu.memory_space<vmem>>, vector<16xf32>,
        %add3A_504 = arith.addf %add3A_480, %get3A_503 : vector<16xf32>
        %add3A_505 = arith.constant 12 : i32
        %add3A_506 = arith.addi %mul3A_211, %add3A_505 : i32
        %get3A_507 = arith.index_cast %add3A_506 : i32 to index
        %get3A_508 = arith.constant 48 : index
        %get3A_509 = tpu.vector_load %arg14[%get3A_507, %get3A_508] {strides = array<i32>} : memref<1280x64xf32, #tpu.memory_space<vmem>>, vector<16xf32>,
        %add3A_510 = arith.addf %add3A_486, %get3A_509 : vector<16xf32>
        %add3A_511 = arith.constant 13 : i32
        %add3A_512 = arith.addi %mul3A_211, %add3A_511 : i32
        %get3A_513 = arith.index_cast %add3A_512 : i32 to index
        %get3A_514 = arith.constant 0 : index
        %get3A_515 = tpu.vector_load %arg14[%get3A_513, %get3A_514] {strides = array<i32>} : memref<1280x64xf32, #tpu.memory_space<vmem>>, vector<16xf32>,
        %add3A_516 = arith.addf %add3A_492, %get3A_515 : vector<16xf32>
        %add3A_517 = arith.constant 13 : i32
        %add3A_518 = arith.addi %mul3A_211, %add3A_517 : i32
        %get3A_519 = arith.index_cast %add3A_518 : i32 to index
        %get3A_520 = arith.constant 16 : index
        %get3A_521 = tpu.vector_load %arg14[%get3A_519, %get3A_520] {strides = array<i32>} : memref<1280x64xf32, #tpu.memory_space<vmem>>, vector<16xf32>,
        %add3A_522 = arith.addf %add3A_498, %get3A_521 : vector<16xf32>
        %add3A_523 = arith.constant 13 : i32
        %add3A_524 = arith.addi %mul3A_211, %add3A_523 : i32
        %get3A_525 = arith.index_cast %add3A_524 : i32 to index
        %get3A_526 = arith.constant 32 : index
        %get3A_527 = tpu.vector_load %arg14[%get3A_525, %get3A_526] {strides = array<i32>} : memref<1280x64xf32, #tpu.memory_space<vmem>>, vector<16xf32>,
        %add3A_528 = arith.addf %add3A_504, %get3A_527 : vector<16xf32>
        %add3A_529 = arith.constant 13 : i32
        %add3A_530 = arith.addi %mul3A_211, %add3A_529 : i32
        %get3A_531 = arith.index_cast %add3A_530 : i32 to index
        %get3A_532 = arith.constant 48 : index
        %get3A_533 = tpu.vector_load %arg14[%get3A_531, %get3A_532] {strides = array<i32>} : memref<1280x64xf32, #tpu.memory_space<vmem>>, vector<16xf32>,
        %add3A_534 = arith.addf %add3A_510, %get3A_533 : vector<16xf32>
        %add3A_535 = arith.constant 14 : i32
        %add3A_536 = arith.addi %mul3A_211, %add3A_535 : i32
        %get3A_537 = arith.index_cast %add3A_536 : i32 to index
        %get3A_538 = arith.constant 0 : index
        %get3A_539 = tpu.vector_load %arg14[%get3A_537, %get3A_538] {strides = array<i32>} : memref<1280x64xf32, #tpu.memory_space<vmem>>, vector<16xf32>,
        %add3A_540 = arith.addf %add3A_516, %get3A_539 : vector<16xf32>
        %add3A_541 = arith.constant 14 : i32
        %add3A_542 = arith.addi %mul3A_211, %add3A_541 : i32
        %get3A_543 = arith.index_cast %add3A_542 : i32 to index
        %get3A_544 = arith.constant 16 : index
        %get3A_545 = tpu.vector_load %arg14[%get3A_543, %get3A_544] {strides = array<i32>} : memref<1280x64xf32, #tpu.memory_space<vmem>>, vector<16xf32>,
        %add3A_546 = arith.addf %add3A_522, %get3A_545 : vector<16xf32>
        %add3A_547 = arith.constant 14 : i32
        %add3A_548 = arith.addi %mul3A_211, %add3A_547 : i32
        %get3A_549 = arith.index_cast %add3A_548 : i32 to index
        %get3A_550 = arith.constant 32 : index
        %get3A_551 = tpu.vector_load %arg14[%get3A_549, %get3A_550] {strides = array<i32>} : memref<1280x64xf32, #tpu.memory_space<vmem>>, vector<16xf32>,
        %add3A_552 = arith.addf %add3A_528, %get3A_551 : vector<16xf32>
        %add3A_553 = arith.constant 14 : i32
        %add3A_554 = arith.addi %mul3A_211, %add3A_553 : i32
        %get3A_555 = arith.index_cast %add3A_554 : i32 to index
        %get3A_556 = arith.constant 48 : index
        %get3A_557 = tpu.vector_load %arg14[%get3A_555, %get3A_556] {strides = array<i32>} : memref<1280x64xf32, #tpu.memory_space<vmem>>, vector<16xf32>,
        %add3A_558 = arith.addf %add3A_534, %get3A_557 : vector<16xf32>
        %add3A_559 = arith.constant 15 : i32
        %add3A_560 = arith.addi %mul3A_211, %add3A_559 : i32
        %get3A_561 = arith.index_cast %add3A_560 : i32 to index
        %get3A_562 = arith.constant 0 : index
        %get3A_563 = tpu.vector_load %arg14[%get3A_561, %get3A_562] {strides = array<i32>} : memref<1280x64xf32, #tpu.memory_space<vmem>>, vector<16xf32>,
        %add3A_564 = arith.addf %add3A_540, %get3A_563 : vector<16xf32>
        %add3A_565 = arith.constant 15 : i32
        %add3A_566 = arith.addi %mul3A_211, %add3A_565 : i32
        %get3A_567 = arith.index_cast %add3A_566 : i32 to index
        %get3A_568 = arith.constant 16 : index
        %get3A_569 = tpu.vector_load %arg14[%get3A_567, %get3A_568] {strides = array<i32>} : memref<1280x64xf32, #tpu.memory_space<vmem>>, vector<16xf32>,
        %add3A_570 = arith.addf %add3A_546, %get3A_569 : vector<16xf32>
        %add3A_571 = arith.constant 15 : i32
        %add3A_572 = arith.addi %mul3A_211, %add3A_571 : i32
        %get3A_573 = arith.index_cast %add3A_572 : i32 to index
        %get3A_574 = arith.constant 32 : index
        %get3A_575 = tpu.vector_load %arg14[%get3A_573, %get3A_574] {strides = array<i32>} : memref<1280x64xf32, #tpu.memory_space<vmem>>, vector<16xf32>,
        %add3A_576 = arith.addf %add3A_552, %get3A_575 : vector<16xf32>
        %add3A_577 = arith.constant 15 : i32
        %add3A_578 = arith.addi %mul3A_211, %add3A_577 : i32
        %get3A_579 = arith.index_cast %add3A_578 : i32 to index
        %get3A_580 = arith.constant 48 : index
        %get3A_581 = tpu.vector_load %arg14[%get3A_579, %get3A_580] {strides = array<i32>} : memref<1280x64xf32, #tpu.memory_space<vmem>>, vector<16xf32>,
        %add3A_582 = arith.addf %add3A_558, %get3A_581 : vector<16xf32>
        %add3A_583 = arith.constant 16 : i32
        %add3A_584 = arith.addi %mul3A_211, %add3A_583 : i32
        %get3A_585 = arith.index_cast %add3A_584 : i32 to index
        %get3A_586 = arith.constant 0 : index
        %get3A_587 = tpu.vector_load %arg14[%get3A_585, %get3A_586] {strides = array<i32>} : memref<1280x64xf32, #tpu.memory_space<vmem>>, vector<16xf32>,
        %add3A_588 = arith.addf %add3A_564, %get3A_587 : vector<16xf32>
        %add3A_589 = arith.constant 16 : i32
        %add3A_590 = arith.addi %mul3A_211, %add3A_589 : i32
        %get3A_591 = arith.index_cast %add3A_590 : i32 to index
        %get3A_592 = arith.constant 16 : index
        %get3A_593 = tpu.vector_load %arg14[%get3A_591, %get3A_592] {strides = array<i32>} : memref<1280x64xf32, #tpu.memory_space<vmem>>, vector<16xf32>,
        %add3A_594 = arith.addf %add3A_570, %get3A_593 : vector<16xf32>
        %add3A_595 = arith.constant 16 : i32
        %add3A_596 = arith.addi %mul3A_211, %add3A_595 : i32
        %get3A_597 = arith.index_cast %add3A_596 : i32 to index
        %get3A_598 = arith.constant 32 : index
        %get3A_599 = tpu.vector_load %arg14[%get3A_597, %get3A_598] {strides = array<i32>} : memref<1280x64xf32, #tpu.memory_space<vmem>>, vector<16xf32>,
        %add3A_600 = arith.addf %add3A_576, %get3A_599 : vector<16xf32>
        %add3A_601 = arith.constant 16 : i32
        %add3A_602 = arith.addi %mul3A_211, %add3A_601 : i32
        %get3A_603 = arith.index_cast %add3A_602 : i32 to index
        %get3A_604 = arith.constant 48 : index
        %get3A_605 = tpu.vector_load %arg14[%get3A_603, %get3A_604] {strides = array<i32>} : memref<1280x64xf32, #tpu.memory_space<vmem>>, vector<16xf32>,
        %add3A_606 = arith.addf %add3A_582, %get3A_605 : vector<16xf32>
        %add3A_607 = arith.constant 17 : i32
        %add3A_608 = arith.addi %mul3A_211, %add3A_607 : i32
        %get3A_609 = arith.index_cast %add3A_608 : i32 to index
        %get3A_610 = arith.constant 0 : index
        %get3A_611 = tpu.vector_load %arg14[%get3A_609, %get3A_610] {strides = array<i32>} : memref<1280x64xf32, #tpu.memory_space<vmem>>, vector<16xf32>,
        %add3A_612 = arith.addf %add3A_588, %get3A_611 : vector<16xf32>
        %add3A_613 = arith.constant 17 : i32
        %add3A_614 = arith.addi %mul3A_211, %add3A_613 : i32
        %get3A_615 = arith.index_cast %add3A_614 : i32 to index
        %get3A_616 = arith.constant 16 : index
        %get3A_617 = tpu.vector_load %arg14[%get3A_615, %get3A_616] {strides = array<i32>} : memref<1280x64xf32, #tpu.memory_space<vmem>>, vector<16xf32>,
        %add3A_618 = arith.addf %add3A_594, %get3A_617 : vector<16xf32>
        %add3A_619 = arith.constant 17 : i32
        %add3A_620 = arith.addi %mul3A_211, %add3A_619 : i32
        %get3A_621 = arith.index_cast %add3A_620 : i32 to index
        %get3A_622 = arith.constant 32 : index
        %get3A_623 = tpu.vector_load %arg14[%get3A_621, %get3A_622] {strides = array<i32>} : memref<1280x64xf32, #tpu.memory_space<vmem>>, vector<16xf32>,
        %add3A_624 = arith.addf %add3A_600, %get3A_623 : vector<16xf32>
        %add3A_625 = arith.constant 17 : i32
        %add3A_626 = arith.addi %mul3A_211, %add3A_625 : i32
        %get3A_627 = arith.index_cast %add3A_626 : i32 to index
        %get3A_628 = arith.constant 48 : index
        %get3A_629 = tpu.vector_load %arg14[%get3A_627, %get3A_628] {strides = array<i32>} : memref<1280x64xf32, #tpu.memory_space<vmem>>, vector<16xf32>,
        %add3A_630 = arith.addf %add3A_606, %get3A_629 : vector<16xf32>
        %add3A_631 = arith.constant 18 : i32
        %add3A_632 = arith.addi %mul3A_211, %add3A_631 : i32
        %get3A_633 = arith.index_cast %add3A_632 : i32 to index
        %get3A_634 = arith.constant 0 : index
        %get3A_635 = tpu.vector_load %arg14[%get3A_633, %get3A_634] {strides = array<i32>} : memref<1280x64xf32, #tpu.memory_space<vmem>>, vector<16xf32>,
        %add3A_636 = arith.addf %add3A_612, %get3A_635 : vector<16xf32>
        %add3A_637 = arith.constant 18 : i32
        %add3A_638 = arith.addi %mul3A_211, %add3A_637 : i32
        %get3A_639 = arith.index_cast %add3A_638 : i32 to index
        %get3A_640 = arith.constant 16 : index
        %get3A_641 = tpu.vector_load %arg14[%get3A_639, %get3A_640] {strides = array<i32>} : memref<1280x64xf32, #tpu.memory_space<vmem>>, vector<16xf32>,
        %add3A_642 = arith.addf %add3A_618, %get3A_641 : vector<16xf32>
        %add3A_643 = arith.constant 18 : i32
        %add3A_644 = arith.addi %mul3A_211, %add3A_643 : i32
        %get3A_645 = arith.index_cast %add3A_644 : i32 to index
        %get3A_646 = arith.constant 32 : index
        %get3A_647 = tpu.vector_load %arg14[%get3A_645, %get3A_646] {strides = array<i32>} : memref<1280x64xf32, #tpu.memory_space<vmem>>, vector<16xf32>,
        %add3A_648 = arith.addf %add3A_624, %get3A_647 : vector<16xf32>
        %add3A_649 = arith.constant 18 : i32
        %add3A_650 = arith.addi %mul3A_211, %add3A_649 : i32
        %get3A_651 = arith.index_cast %add3A_650 : i32 to index
        %get3A_652 = arith.constant 48 : index
        %get3A_653 = tpu.vector_load %arg14[%get3A_651, %get3A_652] {strides = array<i32>} : memref<1280x64xf32, #tpu.memory_space<vmem>>, vector<16xf32>,
        %add3A_654 = arith.addf %add3A_630, %get3A_653 : vector<16xf32>
        %add3A_655 = arith.constant 19 : i32
        %add3A_656 = arith.addi %mul3A_211, %add3A_655 : i32
        %get3A_657 = arith.index_cast %add3A_656 : i32 to index
        %get3A_658 = arith.constant 0 : index
        %get3A_659 = tpu.vector_load %arg14[%get3A_657, %get3A_658] {strides = array<i32>} : memref<1280x64xf32, #tpu.memory_space<vmem>>, vector<16xf32>,
        %add3A_660 = arith.addf %add3A_636, %get3A_659 : vector<16xf32>
        %add3A_661 = arith.constant 19 : i32
        %add3A_662 = arith.addi %mul3A_211, %add3A_661 : i32
        %get3A_663 = arith.index_cast %add3A_662 : i32 to index
        %get3A_664 = arith.constant 16 : index
        %get3A_665 = tpu.vector_load %arg14[%get3A_663, %get3A_664] {strides = array<i32>} : memref<1280x64xf32, #tpu.memory_space<vmem>>, vector<16xf32>,
        %add3A_666 = arith.addf %add3A_642, %get3A_665 : vector<16xf32>
        %add3A_667 = arith.constant 19 : i32
        %add3A_668 = arith.addi %mul3A_211, %add3A_667 : i32
        %get3A_669 = arith.index_cast %add3A_668 : i32 to index
        %get3A_670 = arith.constant 32 : index
        %get3A_671 = tpu.vector_load %arg14[%get3A_669, %get3A_670] {strides = array<i32>} : memref<1280x64xf32, #tpu.memory_space<vmem>>, vector<16xf32>,
        %add3A_672 = arith.addf %add3A_648, %get3A_671 : vector<16xf32>
        %add3A_673 = arith.constant 19 : i32
        %add3A_674 = arith.addi %mul3A_211, %add3A_673 : i32
        %get3A_675 = arith.index_cast %add3A_674 : i32 to index
        %get3A_676 = arith.constant 48 : index
        %get3A_677 = tpu.vector_load %arg14[%get3A_675, %get3A_676] {strides = array<i32>} : memref<1280x64xf32, #tpu.memory_space<vmem>>, vector<16xf32>,
        %add3A_678 = arith.addf %add3A_654, %get3A_677 : vector<16xf32>
        %mul3A_679 = vector.broadcast %scan3A_9 : f32 to vector<16xf32>
        %mul3A_680 = arith.mulf %add3A_660, %mul3A_679 : vector<16xf32>
        %swap3A = arith.index_cast %scan3A_209 : i32 to index
        %swap3A_681 = arith.constant 0 : index
        %swap3A_682 = tpu.vector_load %arg15[%swap3A, %swap3A_681] {strides = array<i32>} : memref<64x64xf32, #tpu.memory_space<vmem>>, vector<16xf32>,
        tpu.vector_store %arg15[%swap3A, %swap3A_681], %mul3A_680 {strides = array<i32>} : memref<64x64xf32, #tpu.memory_space<vmem>>, vector<16xf32>,
        %mul3A_683 = vector.broadcast %scan3A_9 : f32 to vector<16xf32>
        %mul3A_684 = arith.mulf %add3A_666, %mul3A_683 : vector<16xf32>
        %swap3A_685 = arith.index_cast %scan3A_209 : i32 to index
        %swap3A_686 = arith.constant 16 : index
        %swap3A_687 = tpu.vector_load %arg15[%swap3A_685, %swap3A_686] {strides = array<i32>} : memref<64x64xf32, #tpu.memory_space<vmem>>, vector<16xf32>,
        tpu.vector_store %arg15[%swap3A_685, %swap3A_686], %mul3A_684 {strides = array<i32>} : memref<64x64xf32, #tpu.memory_space<vmem>>, vector<16xf32>,
        %mul3A_688 = vector.broadcast %scan3A_9 : f32 to vector<16xf32>
        %mul3A_689 = arith.mulf %add3A_672, %mul3A_688 : vector<16xf32>
        %swap3A_690 = arith.index_cast %scan3A_209 : i32 to index
        %swap3A_691 = arith.constant 32 : index
        %swap3A_692 = tpu.vector_load %arg15[%swap3A_690, %swap3A_691] {strides = array<i32>} : memref<64x64xf32, #tpu.memory_space<vmem>>, vector<16xf32>,
        tpu.vector_store %arg15[%swap3A_690, %swap3A_691], %mul3A_689 {strides = array<i32>} : memref<64x64xf32, #tpu.memory_space<vmem>>, vector<16xf32>,
        %mul3A_693 = vector.broadcast %scan3A_9 : f32 to vector<16xf32>
        %mul3A_694 = arith.mulf %add3A_678, %mul3A_693 : vector<16xf32>
        %swap3A_695 = arith.index_cast %scan3A_209 : i32 to index
        %swap3A_696 = arith.constant 48 : index
        %swap3A_697 = tpu.vector_load %arg15[%swap3A_695, %swap3A_696] {strides = array<i32>} : memref<64x64xf32, #tpu.memory_space<vmem>>, vector<16xf32>,
        tpu.vector_store %arg15[%swap3A_695, %swap3A_696], %mul3A_694 {strides = array<i32>} : memref<64x64xf32, #tpu.memory_space<vmem>>, vector<16xf32>,
      }
      %scan3A_208 = arith.constant 64 : i32
      "tpu.region"() ({
        %run_scoped3A = tpu.sem_alloc : memref<!tpu.dma_semaphore, #tpu.memory_space<semaphore_mem>>
        %dma_start3A_209 = arith.constant 0 : i32
        %dma_start3A_210 = tpu.memref_slice %arg8[%multiple_of3A, %dma_start3A_209] : memref<16384x64xf32, #tpu.memory_space<hbm>> -> memref<64x64xf32, #tpu.memory_space<hbm>>
        %dma_start3A_211 = arith.constant 0 : i32
        %dma_start3A_212 = tpu.memref_slice %arg8[%multiple_of3A, %dma_start3A_211] : memref<16384x64xf32, #tpu.memory_space<hbm>> -> memref<64x64xf32, #tpu.memory_space<hbm>>
        tpu.enqueue_dma source(%arg15 : memref<64x64xf32, #tpu.memory_space<vmem>>) target(%dma_start3A_212 : memref<64x64xf32, #tpu.memory_space<hbm>>) target_semaphore(%run_scoped3A : memref<!tpu.dma_semaphore, #tpu.memory_space<semaphore_mem>>)
        %dma_wait3A_213 = arith.constant 0 : i32
        %dma_wait3A_214 = tpu.memref_slice %arg8[%multiple_of3A, %dma_wait3A_213] : memref<16384x64xf32, #tpu.memory_space<hbm>> -> memref<64x64xf32, #tpu.memory_space<hbm>>
        %dma_wait3A_215 = arith.constant 0 : i32
        %dma_wait3A_216 = tpu.memref_slice %arg8[%multiple_of3A, %dma_wait3A_215] : memref<16384x64xf32, #tpu.memory_space<hbm>> -> memref<64x64xf32, #tpu.memory_space<hbm>>
        tpu.wait_dma2 semaphore(%run_scoped3A : memref<!tpu.dma_semaphore, #tpu.memory_space<semaphore_mem>>) src(%arg15 : memref<64x64xf32, #tpu.memory_space<vmem>>) dst(%dma_wait3A_216 : memref<64x64xf32, #tpu.memory_space<hbm>>)
        tpu.yield
      }) : () -> ()
    }
    %scan3A_14 = arith.constant 8 : i32
    %scan3A_15 = arith.constant 0 : i32
    %scan3A_16 = arith.constant 5.000000e-02 : f32
    %scan3A_17 = arith.constant 0 : i32
    %scan3A_18 = arith.constant 8 : i32
    %scan3A_19 = arith.addi %scan3A_17, %scan3A_18 : i32
    %scan3A_20 = arith.constant 1 : i32
    scf.for %scan3A_29 = %scan3A_17 to %scan3A_19 step %scan3A_20  : i32 {
      %mul3A_30 = arith.constant 64 : i32
      %mul3A_31 = arith.muli %scan3A_29, %mul3A_30 : i32
      %add3A_32 = arith.addi %mul3A_2, %mul3A_31 : i32
      %multiple_of3A = tpu.assume_multiple %add3A_32, 64 : i32
      "tpu.region"() ({
        %run_scoped3A = tpu.sem_alloc : memref<!tpu.dma_semaphore, #tpu.memory_space<semaphore_mem>>
        %dma_start3A_209 = tpu.memref_slice %arg3[%multiple_of3A] : memref<16384xi32, #tpu.memory_space<hbm>> -> memref<64xi32, #tpu.memory_space<hbm>>
        %dma_start3A_210 = tpu.memref_slice %arg3[%multiple_of3A] : memref<16384xi32, #tpu.memory_space<hbm>> -> memref<64xi32, #tpu.memory_space<hbm>>
        tpu.enqueue_dma source(%dma_start3A_210 : memref<64xi32, #tpu.memory_space<hbm>>) target(%arg11 : memref<64xi32, #tpu.memory_space<vmem>>) target_semaphore(%run_scoped3A : memref<!tpu.dma_semaphore, #tpu.memory_space<semaphore_mem>>)
        %dma_wait3A_211 = tpu.memref_slice %arg3[%multiple_of3A] : memref<16384xi32, #tpu.memory_space<hbm>> -> memref<64xi32, #tpu.memory_space<hbm>>
        %dma_wait3A_212 = tpu.memref_slice %arg3[%multiple_of3A] : memref<16384xi32, #tpu.memory_space<hbm>> -> memref<64xi32, #tpu.memory_space<hbm>>
        tpu.wait_dma2 semaphore(%run_scoped3A : memref<!tpu.dma_semaphore, #tpu.memory_space<semaphore_mem>>) src(%dma_wait3A_212 : memref<64xi32, #tpu.memory_space<hbm>>) dst(%arg11 : memref<64xi32, #tpu.memory_space<vmem>>)
        tpu.yield
      }) : () -> ()
      %dma_start3A = arith.constant 0 : i32
      %dma_start3A_33 = arith.constant 0 : i32
      %dma_start3A_34 = tpu.memref_slice %arg5[%dma_start3A, %dma_start3A_33] : memref<1000000x20xi32, #tpu.memory_space<hbm>> -> memref<1000000x20xi32, #tpu.memory_space<hbm>>
      tpu.enqueue_indirect_dma source(%dma_start3A_34 : memref<1000000x20xi32, #tpu.memory_space<hbm>>) target(%arg12 : memref<64x20xi32, #tpu.memory_space<vmem>>) offsets(%arg11 : memref<64xi32, #tpu.memory_space<vmem>>) semaphore(%arg18 : memref<!tpu.dma_semaphore, #tpu.memory_space<semaphore_mem>>)
      %dma_wait3A = arith.constant 0 : i32
      %dma_wait3A_35 = arith.constant 0 : i32
      %dma_wait3A_36 = tpu.memref_slice %arg5[%dma_wait3A, %dma_wait3A_35] : memref<1000000x20xi32, #tpu.memory_space<hbm>> -> memref<1000000x20xi32, #tpu.memory_space<hbm>>
      tpu.wait_indirect_dma semaphore(%arg18 : memref<!tpu.dma_semaphore, #tpu.memory_space<semaphore_mem>>) src(%dma_wait3A_36 : memref<1000000x20xi32, #tpu.memory_space<hbm>>) dst(%arg12 : memref<64x20xi32, #tpu.memory_space<vmem>>)
      %scan3A_37 = arith.constant 0 : i32
      %scan3A_38 = arith.constant 0 : i32
      %scan3A_39 = arith.constant 80 : i32
      %scan3A_40 = arith.addi %scan3A_38, %scan3A_39 : i32
      %scan3A_41 = arith.constant 1 : i32
      scf.for %scan3A_209 = %scan3A_38 to %scan3A_40 step %scan3A_41  : i32 {
        %mul3A_210 = arith.constant 16 : i32
        %mul3A_211 = arith.muli %scan3A_209, %mul3A_210 : i32
        %multiple_of3A_212 = tpu.assume_multiple %mul3A_211, 16 : i32
        %get3A = arith.index_cast %multiple_of3A_212 : i32 to index
        %get3A_213 = tpu.vector_load %arg16[%get3A] {strides = array<i32>} : memref<1280xi32, #tpu.memory_space<vmem>>, vector<16xi32>,
        %get3A_214 = arith.index_cast %multiple_of3A_212 : i32 to index
        %get3A_215 = tpu.vector_load %arg17[%get3A_214] {strides = array<i32>} : memref<1280xi32, #tpu.memory_space<vmem>>, vector<16xi32>,
        %gather3A = tpu.vector_load_idx %arg12[%get3A_213, %get3A_215] : memref<64x20xi32, #tpu.memory_space<vmem>>[vector<16xi32>, vector<16xi32>], vector<16xi32>,
        %swap3A = arith.index_cast %multiple_of3A_212 : i32 to index
        %swap3A_216 = tpu.vector_load %arg13[%swap3A] {strides = array<i32>} : memref<1280xi32, #tpu.memory_space<vmem>>, vector<16xi32>,
        tpu.vector_store %arg13[%swap3A], %gather3A {strides = array<i32>} : memref<1280xi32, #tpu.memory_space<vmem>>, vector<16xi32>,
      }
      %scan3A_42 = arith.constant 80 : i32
      %dma_start3A_43 = arith.constant 0 : i32
      %dma_start3A_44 = arith.constant 0 : i32
      %dma_start3A_45 = tpu.memref_slice %arg14[%dma_start3A_43, %dma_start3A_44] : memref<1280x64xf32, #tpu.memory_space<vmem>> -> memref<128x64xf32, #tpu.memory_space<vmem>>
      %dma_start3A_46 = arith.constant 0 : i32
      %dma_start3A_47 = tpu.memref_slice %arg13[%dma_start3A_46] : memref<1280xi32, #tpu.memory_space<vmem>> -> memref<128xi32, #tpu.memory_space<vmem>>
      %dma_start3A_48 = arith.constant 0 : i32
      %dma_start3A_49 = arith.constant 0 : i32
      %dma_start3A_50 = tpu.memref_slice %arg7[%dma_start3A_48, %dma_start3A_49] : memref<100000x64xf32, #tpu.memory_space<hbm>> -> memref<100000x64xf32, #tpu.memory_space<hbm>>
      tpu.enqueue_indirect_dma source(%dma_start3A_50 : memref<100000x64xf32, #tpu.memory_space<hbm>>) target(%dma_start3A_45 : memref<128x64xf32, #tpu.memory_space<vmem>>) offsets(%dma_start3A_47 : memref<128xi32, #tpu.memory_space<vmem>>) semaphore(%arg18 : memref<!tpu.dma_semaphore, #tpu.memory_space<semaphore_mem>>)
      %dma_start3A_51 = arith.constant 128 : i32
      %dma_start3A_52 = arith.constant 0 : i32
      %dma_start3A_53 = tpu.memref_slice %arg14[%dma_start3A_51, %dma_start3A_52] : memref<1280x64xf32, #tpu.memory_space<vmem>> -> memref<128x64xf32, #tpu.memory_space<vmem>>
      %dma_start3A_54 = arith.constant 128 : i32
      %dma_start3A_55 = tpu.memref_slice %arg13[%dma_start3A_54] : memref<1280xi32, #tpu.memory_space<vmem>> -> memref<128xi32, #tpu.memory_space<vmem>>
      %dma_start3A_56 = arith.constant 0 : i32
      %dma_start3A_57 = arith.constant 0 : i32
      %dma_start3A_58 = tpu.memref_slice %arg7[%dma_start3A_56, %dma_start3A_57] : memref<100000x64xf32, #tpu.memory_space<hbm>> -> memref<100000x64xf32, #tpu.memory_space<hbm>>
      tpu.enqueue_indirect_dma source(%dma_start3A_58 : memref<100000x64xf32, #tpu.memory_space<hbm>>) target(%dma_start3A_53 : memref<128x64xf32, #tpu.memory_space<vmem>>) offsets(%dma_start3A_55 : memref<128xi32, #tpu.memory_space<vmem>>) semaphore(%arg18 : memref<!tpu.dma_semaphore, #tpu.memory_space<semaphore_mem>>)
      %dma_start3A_59 = arith.constant 256 : i32
      %dma_start3A_60 = arith.constant 0 : i32
      %dma_start3A_61 = tpu.memref_slice %arg14[%dma_start3A_59, %dma_start3A_60] : memref<1280x64xf32, #tpu.memory_space<vmem>> -> memref<128x64xf32, #tpu.memory_space<vmem>>
      %dma_start3A_62 = arith.constant 256 : i32
      %dma_start3A_63 = tpu.memref_slice %arg13[%dma_start3A_62] : memref<1280xi32, #tpu.memory_space<vmem>> -> memref<128xi32, #tpu.memory_space<vmem>>
      %dma_start3A_64 = arith.constant 0 : i32
      %dma_start3A_65 = arith.constant 0 : i32
      %dma_start3A_66 = tpu.memref_slice %arg7[%dma_start3A_64, %dma_start3A_65] : memref<100000x64xf32, #tpu.memory_space<hbm>> -> memref<100000x64xf32, #tpu.memory_space<hbm>>
      tpu.enqueue_indirect_dma source(%dma_start3A_66 : memref<100000x64xf32, #tpu.memory_space<hbm>>) target(%dma_start3A_61 : memref<128x64xf32, #tpu.memory_space<vmem>>) offsets(%dma_start3A_63 : memref<128xi32, #tpu.memory_space<vmem>>) semaphore(%arg18 : memref<!tpu.dma_semaphore, #tpu.memory_space<semaphore_mem>>)
      %dma_start3A_67 = arith.constant 384 : i32
      %dma_start3A_68 = arith.constant 0 : i32
      %dma_start3A_69 = tpu.memref_slice %arg14[%dma_start3A_67, %dma_start3A_68] : memref<1280x64xf32, #tpu.memory_space<vmem>> -> memref<128x64xf32, #tpu.memory_space<vmem>>
      %dma_start3A_70 = arith.constant 384 : i32
      %dma_start3A_71 = tpu.memref_slice %arg13[%dma_start3A_70] : memref<1280xi32, #tpu.memory_space<vmem>> -> memref<128xi32, #tpu.memory_space<vmem>>
      %dma_start3A_72 = arith.constant 0 : i32
      %dma_start3A_73 = arith.constant 0 : i32
      %dma_start3A_74 = tpu.memref_slice %arg7[%dma_start3A_72, %dma_start3A_73] : memref<100000x64xf32, #tpu.memory_space<hbm>> -> memref<100000x64xf32, #tpu.memory_space<hbm>>
      tpu.enqueue_indirect_dma source(%dma_start3A_74 : memref<100000x64xf32, #tpu.memory_space<hbm>>) target(%dma_start3A_69 : memref<128x64xf32, #tpu.memory_space<vmem>>) offsets(%dma_start3A_71 : memref<128xi32, #tpu.memory_space<vmem>>) semaphore(%arg18 : memref<!tpu.dma_semaphore, #tpu.memory_space<semaphore_mem>>)
      %dma_start3A_75 = arith.constant 512 : i32
      %dma_start3A_76 = arith.constant 0 : i32
      %dma_start3A_77 = tpu.memref_slice %arg14[%dma_start3A_75, %dma_start3A_76] : memref<1280x64xf32, #tpu.memory_space<vmem>> -> memref<128x64xf32, #tpu.memory_space<vmem>>
      %dma_start3A_78 = arith.constant 512 : i32
      %dma_start3A_79 = tpu.memref_slice %arg13[%dma_start3A_78] : memref<1280xi32, #tpu.memory_space<vmem>> -> memref<128xi32, #tpu.memory_space<vmem>>
      %dma_start3A_80 = arith.constant 0 : i32
      %dma_start3A_81 = arith.constant 0 : i32
      %dma_start3A_82 = tpu.memref_slice %arg7[%dma_start3A_80, %dma_start3A_81] : memref<100000x64xf32, #tpu.memory_space<hbm>> -> memref<100000x64xf32, #tpu.memory_space<hbm>>
      tpu.enqueue_indirect_dma source(%dma_start3A_82 : memref<100000x64xf32, #tpu.memory_space<hbm>>) target(%dma_start3A_77 : memref<128x64xf32, #tpu.memory_space<vmem>>) offsets(%dma_start3A_79 : memref<128xi32, #tpu.memory_space<vmem>>) semaphore(%arg18 : memref<!tpu.dma_semaphore, #tpu.memory_space<semaphore_mem>>)
      %dma_start3A_83 = arith.constant 640 : i32
      %dma_start3A_84 = arith.constant 0 : i32
      %dma_start3A_85 = tpu.memref_slice %arg14[%dma_start3A_83, %dma_start3A_84] : memref<1280x64xf32, #tpu.memory_space<vmem>> -> memref<128x64xf32, #tpu.memory_space<vmem>>
      %dma_start3A_86 = arith.constant 640 : i32
      %dma_start3A_87 = tpu.memref_slice %arg13[%dma_start3A_86] : memref<1280xi32, #tpu.memory_space<vmem>> -> memref<128xi32, #tpu.memory_space<vmem>>
      %dma_start3A_88 = arith.constant 0 : i32
      %dma_start3A_89 = arith.constant 0 : i32
      %dma_start3A_90 = tpu.memref_slice %arg7[%dma_start3A_88, %dma_start3A_89] : memref<100000x64xf32, #tpu.memory_space<hbm>> -> memref<100000x64xf32, #tpu.memory_space<hbm>>
      tpu.enqueue_indirect_dma source(%dma_start3A_90 : memref<100000x64xf32, #tpu.memory_space<hbm>>) target(%dma_start3A_85 : memref<128x64xf32, #tpu.memory_space<vmem>>) offsets(%dma_start3A_87 : memref<128xi32, #tpu.memory_space<vmem>>) semaphore(%arg18 : memref<!tpu.dma_semaphore, #tpu.memory_space<semaphore_mem>>)
      %dma_start3A_91 = arith.constant 768 : i32
      %dma_start3A_92 = arith.constant 0 : i32
      %dma_start3A_93 = tpu.memref_slice %arg14[%dma_start3A_91, %dma_start3A_92] : memref<1280x64xf32, #tpu.memory_space<vmem>> -> memref<128x64xf32, #tpu.memory_space<vmem>>
      %dma_start3A_94 = arith.constant 768 : i32
      %dma_start3A_95 = tpu.memref_slice %arg13[%dma_start3A_94] : memref<1280xi32, #tpu.memory_space<vmem>> -> memref<128xi32, #tpu.memory_space<vmem>>
      %dma_start3A_96 = arith.constant 0 : i32
      %dma_start3A_97 = arith.constant 0 : i32
      %dma_start3A_98 = tpu.memref_slice %arg7[%dma_start3A_96, %dma_start3A_97] : memref<100000x64xf32, #tpu.memory_space<hbm>> -> memref<100000x64xf32, #tpu.memory_space<hbm>>
      tpu.enqueue_indirect_dma source(%dma_start3A_98 : memref<100000x64xf32, #tpu.memory_space<hbm>>) target(%dma_start3A_93 : memref<128x64xf32, #tpu.memory_space<vmem>>) offsets(%dma_start3A_95 : memref<128xi32, #tpu.memory_space<vmem>>) semaphore(%arg18 : memref<!tpu.dma_semaphore, #tpu.memory_space<semaphore_mem>>)
      %dma_start3A_99 = arith.constant 896 : i32
      %dma_start3A_100 = arith.constant 0 : i32
      %dma_start3A_101 = tpu.memref_slice %arg14[%dma_start3A_99, %dma_start3A_100] : memref<1280x64xf32, #tpu.memory_space<vmem>> -> memref<128x64xf32, #tpu.memory_space<vmem>>
      %dma_start3A_102 = arith.constant 896 : i32
      %dma_start3A_103 = tpu.memref_slice %arg13[%dma_start3A_102] : memref<1280xi32, #tpu.memory_space<vmem>> -> memref<128xi32, #tpu.memory_space<vmem>>
      %dma_start3A_104 = arith.constant 0 : i32
      %dma_start3A_105 = arith.constant 0 : i32
      %dma_start3A_106 = tpu.memref_slice %arg7[%dma_start3A_104, %dma_start3A_105] : memref<100000x64xf32, #tpu.memory_space<hbm>> -> memref<100000x64xf32, #tpu.memory_space<hbm>>
      tpu.enqueue_indirect_dma source(%dma_start3A_106 : memref<100000x64xf32, #tpu.memory_space<hbm>>) target(%dma_start3A_101 : memref<128x64xf32, #tpu.memory_space<vmem>>) offsets(%dma_start3A_103 : memref<128xi32, #tpu.memory_space<vmem>>) semaphore(%arg18 : memref<!tpu.dma_semaphore, #tpu.memory_space<semaphore_mem>>)
      %dma_start3A_107 = arith.constant 1024 : i32
      %dma_start3A_108 = arith.constant 0 : i32
      %dma_start3A_109 = tpu.memref_slice %arg14[%dma_start3A_107, %dma_start3A_108] : memref<1280x64xf32, #tpu.memory_space<vmem>> -> memref<128x64xf32, #tpu.memory_space<vmem>>
      %dma_start3A_110 = arith.constant 1024 : i32
      %dma_start3A_111 = tpu.memref_slice %arg13[%dma_start3A_110] : memref<1280xi32, #tpu.memory_space<vmem>> -> memref<128xi32, #tpu.memory_space<vmem>>
      %dma_start3A_112 = arith.constant 0 : i32
      %dma_start3A_113 = arith.constant 0 : i32
      %dma_start3A_114 = tpu.memref_slice %arg7[%dma_start3A_112, %dma_start3A_113] : memref<100000x64xf32, #tpu.memory_space<hbm>> -> memref<100000x64xf32, #tpu.memory_space<hbm>>
      tpu.enqueue_indirect_dma source(%dma_start3A_114 : memref<100000x64xf32, #tpu.memory_space<hbm>>) target(%dma_start3A_109 : memref<128x64xf32, #tpu.memory_space<vmem>>) offsets(%dma_start3A_111 : memref<128xi32, #tpu.memory_space<vmem>>) semaphore(%arg18 : memref<!tpu.dma_semaphore, #tpu.memory_space<semaphore_mem>>)
      %dma_start3A_115 = arith.constant 1152 : i32
      %dma_start3A_116 = arith.constant 0 : i32
      %dma_start3A_117 = tpu.memref_slice %arg14[%dma_start3A_115, %dma_start3A_116] : memref<1280x64xf32, #tpu.memory_space<vmem>> -> memref<128x64xf32, #tpu.memory_space<vmem>>
      %dma_start3A_118 = arith.constant 1152 : i32
      %dma_start3A_119 = tpu.memref_slice %arg13[%dma_start3A_118] : memref<1280xi32, #tpu.memory_space<vmem>> -> memref<128xi32, #tpu.memory_space<vmem>>
      %dma_start3A_120 = arith.constant 0 : i32
      %dma_start3A_121 = arith.constant 0 : i32
      %dma_start3A_122 = tpu.memref_slice %arg7[%dma_start3A_120, %dma_start3A_121] : memref<100000x64xf32, #tpu.memory_space<hbm>> -> memref<100000x64xf32, #tpu.memory_space<hbm>>
      tpu.enqueue_indirect_dma source(%dma_start3A_122 : memref<100000x64xf32, #tpu.memory_space<hbm>>) target(%dma_start3A_117 : memref<128x64xf32, #tpu.memory_space<vmem>>) offsets(%dma_start3A_119 : memref<128xi32, #tpu.memory_space<vmem>>) semaphore(%arg18 : memref<!tpu.dma_semaphore, #tpu.memory_space<semaphore_mem>>)
      %dma_wait3A_123 = arith.constant 0 : i32
      %dma_wait3A_124 = arith.constant 0 : i32
      %dma_wait3A_125 = tpu.memref_slice %arg14[%dma_wait3A_123, %dma_wait3A_124] : memref<1280x64xf32, #tpu.memory_space<vmem>> -> memref<128x64xf32, #tpu.memory_space<vmem>>
      %dma_wait3A_126 = arith.constant 0 : i32
      %dma_wait3A_127 = tpu.memref_slice %arg13[%dma_wait3A_126] : memref<1280xi32, #tpu.memory_space<vmem>> -> memref<128xi32, #tpu.memory_space<vmem>>
      %dma_wait3A_128 = arith.constant 0 : i32
      %dma_wait3A_129 = arith.constant 0 : i32
      %dma_wait3A_130 = tpu.memref_slice %arg7[%dma_wait3A_128, %dma_wait3A_129] : memref<100000x64xf32, #tpu.memory_space<hbm>> -> memref<100000x64xf32, #tpu.memory_space<hbm>>
      tpu.wait_indirect_dma semaphore(%arg18 : memref<!tpu.dma_semaphore, #tpu.memory_space<semaphore_mem>>) src(%dma_wait3A_130 : memref<100000x64xf32, #tpu.memory_space<hbm>>) dst(%dma_wait3A_125 : memref<128x64xf32, #tpu.memory_space<vmem>>)
      %dma_wait3A_131 = arith.constant 128 : i32
      %dma_wait3A_132 = arith.constant 0 : i32
      %dma_wait3A_133 = tpu.memref_slice %arg14[%dma_wait3A_131, %dma_wait3A_132] : memref<1280x64xf32, #tpu.memory_space<vmem>> -> memref<128x64xf32, #tpu.memory_space<vmem>>
      %dma_wait3A_134 = arith.constant 128 : i32
      %dma_wait3A_135 = tpu.memref_slice %arg13[%dma_wait3A_134] : memref<1280xi32, #tpu.memory_space<vmem>> -> memref<128xi32, #tpu.memory_space<vmem>>
      %dma_wait3A_136 = arith.constant 0 : i32
      %dma_wait3A_137 = arith.constant 0 : i32
      %dma_wait3A_138 = tpu.memref_slice %arg7[%dma_wait3A_136, %dma_wait3A_137] : memref<100000x64xf32, #tpu.memory_space<hbm>> -> memref<100000x64xf32, #tpu.memory_space<hbm>>
      tpu.wait_indirect_dma semaphore(%arg18 : memref<!tpu.dma_semaphore, #tpu.memory_space<semaphore_mem>>) src(%dma_wait3A_138 : memref<100000x64xf32, #tpu.memory_space<hbm>>) dst(%dma_wait3A_133 : memref<128x64xf32, #tpu.memory_space<vmem>>)
      %dma_wait3A_139 = arith.constant 256 : i32
      %dma_wait3A_140 = arith.constant 0 : i32
      %dma_wait3A_141 = tpu.memref_slice %arg14[%dma_wait3A_139, %dma_wait3A_140] : memref<1280x64xf32, #tpu.memory_space<vmem>> -> memref<128x64xf32, #tpu.memory_space<vmem>>
      %dma_wait3A_142 = arith.constant 256 : i32
      %dma_wait3A_143 = tpu.memref_slice %arg13[%dma_wait3A_142] : memref<1280xi32, #tpu.memory_space<vmem>> -> memref<128xi32, #tpu.memory_space<vmem>>
      %dma_wait3A_144 = arith.constant 0 : i32
      %dma_wait3A_145 = arith.constant 0 : i32
      %dma_wait3A_146 = tpu.memref_slice %arg7[%dma_wait3A_144, %dma_wait3A_145] : memref<100000x64xf32, #tpu.memory_space<hbm>> -> memref<100000x64xf32, #tpu.memory_space<hbm>>
      tpu.wait_indirect_dma semaphore(%arg18 : memref<!tpu.dma_semaphore, #tpu.memory_space<semaphore_mem>>) src(%dma_wait3A_146 : memref<100000x64xf32, #tpu.memory_space<hbm>>) dst(%dma_wait3A_141 : memref<128x64xf32, #tpu.memory_space<vmem>>)
      %dma_wait3A_147 = arith.constant 384 : i32
      %dma_wait3A_148 = arith.constant 0 : i32
      %dma_wait3A_149 = tpu.memref_slice %arg14[%dma_wait3A_147, %dma_wait3A_148] : memref<1280x64xf32, #tpu.memory_space<vmem>> -> memref<128x64xf32, #tpu.memory_space<vmem>>
      %dma_wait3A_150 = arith.constant 384 : i32
      %dma_wait3A_151 = tpu.memref_slice %arg13[%dma_wait3A_150] : memref<1280xi32, #tpu.memory_space<vmem>> -> memref<128xi32, #tpu.memory_space<vmem>>
      %dma_wait3A_152 = arith.constant 0 : i32
      %dma_wait3A_153 = arith.constant 0 : i32
      %dma_wait3A_154 = tpu.memref_slice %arg7[%dma_wait3A_152, %dma_wait3A_153] : memref<100000x64xf32, #tpu.memory_space<hbm>> -> memref<100000x64xf32, #tpu.memory_space<hbm>>
      tpu.wait_indirect_dma semaphore(%arg18 : memref<!tpu.dma_semaphore, #tpu.memory_space<semaphore_mem>>) src(%dma_wait3A_154 : memref<100000x64xf32, #tpu.memory_space<hbm>>) dst(%dma_wait3A_149 : memref<128x64xf32, #tpu.memory_space<vmem>>)
      %dma_wait3A_155 = arith.constant 512 : i32
      %dma_wait3A_156 = arith.constant 0 : i32
      %dma_wait3A_157 = tpu.memref_slice %arg14[%dma_wait3A_155, %dma_wait3A_156] : memref<1280x64xf32, #tpu.memory_space<vmem>> -> memref<128x64xf32, #tpu.memory_space<vmem>>
      %dma_wait3A_158 = arith.constant 512 : i32
      %dma_wait3A_159 = tpu.memref_slice %arg13[%dma_wait3A_158] : memref<1280xi32, #tpu.memory_space<vmem>> -> memref<128xi32, #tpu.memory_space<vmem>>
      %dma_wait3A_160 = arith.constant 0 : i32
      %dma_wait3A_161 = arith.constant 0 : i32
      %dma_wait3A_162 = tpu.memref_slice %arg7[%dma_wait3A_160, %dma_wait3A_161] : memref<100000x64xf32, #tpu.memory_space<hbm>> -> memref<100000x64xf32, #tpu.memory_space<hbm>>
      tpu.wait_indirect_dma semaphore(%arg18 : memref<!tpu.dma_semaphore, #tpu.memory_space<semaphore_mem>>) src(%dma_wait3A_162 : memref<100000x64xf32, #tpu.memory_space<hbm>>) dst(%dma_wait3A_157 : memref<128x64xf32, #tpu.memory_space<vmem>>)
      %dma_wait3A_163 = arith.constant 640 : i32
      %dma_wait3A_164 = arith.constant 0 : i32
      %dma_wait3A_165 = tpu.memref_slice %arg14[%dma_wait3A_163, %dma_wait3A_164] : memref<1280x64xf32, #tpu.memory_space<vmem>> -> memref<128x64xf32, #tpu.memory_space<vmem>>
      %dma_wait3A_166 = arith.constant 640 : i32
      %dma_wait3A_167 = tpu.memref_slice %arg13[%dma_wait3A_166] : memref<1280xi32, #tpu.memory_space<vmem>> -> memref<128xi32, #tpu.memory_space<vmem>>
      %dma_wait3A_168 = arith.constant 0 : i32
      %dma_wait3A_169 = arith.constant 0 : i32
      %dma_wait3A_170 = tpu.memref_slice %arg7[%dma_wait3A_168, %dma_wait3A_169] : memref<100000x64xf32, #tpu.memory_space<hbm>> -> memref<100000x64xf32, #tpu.memory_space<hbm>>
      tpu.wait_indirect_dma semaphore(%arg18 : memref<!tpu.dma_semaphore, #tpu.memory_space<semaphore_mem>>) src(%dma_wait3A_170 : memref<100000x64xf32, #tpu.memory_space<hbm>>) dst(%dma_wait3A_165 : memref<128x64xf32, #tpu.memory_space<vmem>>)
      %dma_wait3A_171 = arith.constant 768 : i32
      %dma_wait3A_172 = arith.constant 0 : i32
      %dma_wait3A_173 = tpu.memref_slice %arg14[%dma_wait3A_171, %dma_wait3A_172] : memref<1280x64xf32, #tpu.memory_space<vmem>> -> memref<128x64xf32, #tpu.memory_space<vmem>>
      %dma_wait3A_174 = arith.constant 768 : i32
      %dma_wait3A_175 = tpu.memref_slice %arg13[%dma_wait3A_174] : memref<1280xi32, #tpu.memory_space<vmem>> -> memref<128xi32, #tpu.memory_space<vmem>>
      %dma_wait3A_176 = arith.constant 0 : i32
      %dma_wait3A_177 = arith.constant 0 : i32
      %dma_wait3A_178 = tpu.memref_slice %arg7[%dma_wait3A_176, %dma_wait3A_177] : memref<100000x64xf32, #tpu.memory_space<hbm>> -> memref<100000x64xf32, #tpu.memory_space<hbm>>
      tpu.wait_indirect_dma semaphore(%arg18 : memref<!tpu.dma_semaphore, #tpu.memory_space<semaphore_mem>>) src(%dma_wait3A_178 : memref<100000x64xf32, #tpu.memory_space<hbm>>) dst(%dma_wait3A_173 : memref<128x64xf32, #tpu.memory_space<vmem>>)
      %dma_wait3A_179 = arith.constant 896 : i32
      %dma_wait3A_180 = arith.constant 0 : i32
      %dma_wait3A_181 = tpu.memref_slice %arg14[%dma_wait3A_179, %dma_wait3A_180] : memref<1280x64xf32, #tpu.memory_space<vmem>> -> memref<128x64xf32, #tpu.memory_space<vmem>>
      %dma_wait3A_182 = arith.constant 896 : i32
      %dma_wait3A_183 = tpu.memref_slice %arg13[%dma_wait3A_182] : memref<1280xi32, #tpu.memory_space<vmem>> -> memref<128xi32, #tpu.memory_space<vmem>>
      %dma_wait3A_184 = arith.constant 0 : i32
      %dma_wait3A_185 = arith.constant 0 : i32
      %dma_wait3A_186 = tpu.memref_slice %arg7[%dma_wait3A_184, %dma_wait3A_185] : memref<100000x64xf32, #tpu.memory_space<hbm>> -> memref<100000x64xf32, #tpu.memory_space<hbm>>
      tpu.wait_indirect_dma semaphore(%arg18 : memref<!tpu.dma_semaphore, #tpu.memory_space<semaphore_mem>>) src(%dma_wait3A_186 : memref<100000x64xf32, #tpu.memory_space<hbm>>) dst(%dma_wait3A_181 : memref<128x64xf32, #tpu.memory_space<vmem>>)
      %dma_wait3A_187 = arith.constant 1024 : i32
      %dma_wait3A_188 = arith.constant 0 : i32
      %dma_wait3A_189 = tpu.memref_slice %arg14[%dma_wait3A_187, %dma_wait3A_188] : memref<1280x64xf32, #tpu.memory_space<vmem>> -> memref<128x64xf32, #tpu.memory_space<vmem>>
      %dma_wait3A_190 = arith.constant 1024 : i32
      %dma_wait3A_191 = tpu.memref_slice %arg13[%dma_wait3A_190] : memref<1280xi32, #tpu.memory_space<vmem>> -> memref<128xi32, #tpu.memory_space<vmem>>
      %dma_wait3A_192 = arith.constant 0 : i32
      %dma_wait3A_193 = arith.constant 0 : i32
      %dma_wait3A_194 = tpu.memref_slice %arg7[%dma_wait3A_192, %dma_wait3A_193] : memref<100000x64xf32, #tpu.memory_space<hbm>> -> memref<100000x64xf32, #tpu.memory_space<hbm>>
      tpu.wait_indirect_dma semaphore(%arg18 : memref<!tpu.dma_semaphore, #tpu.memory_space<semaphore_mem>>) src(%dma_wait3A_194 : memref<100000x64xf32, #tpu.memory_space<hbm>>) dst(%dma_wait3A_189 : memref<128x64xf32, #tpu.memory_space<vmem>>)
      %dma_wait3A_195 = arith.constant 1152 : i32
      %dma_wait3A_196 = arith.constant 0 : i32
      %dma_wait3A_197 = tpu.memref_slice %arg14[%dma_wait3A_195, %dma_wait3A_196] : memref<1280x64xf32, #tpu.memory_space<vmem>> -> memref<128x64xf32, #tpu.memory_space<vmem>>
      %dma_wait3A_198 = arith.constant 1152 : i32
      %dma_wait3A_199 = tpu.memref_slice %arg13[%dma_wait3A_198] : memref<1280xi32, #tpu.memory_space<vmem>> -> memref<128xi32, #tpu.memory_space<vmem>>
      %dma_wait3A_200 = arith.constant 0 : i32
      %dma_wait3A_201 = arith.constant 0 : i32
      %dma_wait3A_202 = tpu.memref_slice %arg7[%dma_wait3A_200, %dma_wait3A_201] : memref<100000x64xf32, #tpu.memory_space<hbm>> -> memref<100000x64xf32, #tpu.memory_space<hbm>>
      tpu.wait_indirect_dma semaphore(%arg18 : memref<!tpu.dma_semaphore, #tpu.memory_space<semaphore_mem>>) src(%dma_wait3A_202 : memref<100000x64xf32, #tpu.memory_space<hbm>>) dst(%dma_wait3A_197 : memref<128x64xf32, #tpu.memory_space<vmem>>)
      %scan3A_203 = arith.constant 0 : i32
      %scan3A_204 = arith.constant 0 : i32
      %scan3A_205 = arith.constant 64 : i32
      %scan3A_206 = arith.addi %scan3A_204, %scan3A_205 : i32
      %scan3A_207 = arith.constant 1 : i32
      scf.for %scan3A_209 = %scan3A_204 to %scan3A_206 step %scan3A_207  : i32 {
        %mul3A_210 = arith.constant 20 : i32
        %mul3A_211 = arith.muli %scan3A_209, %mul3A_210 : i32
        %get3A = arith.index_cast %mul3A_211 : i32 to index
        %get3A_212 = arith.constant 0 : index
        %get3A_213 = tpu.vector_load %arg14[%get3A, %get3A_212] {strides = array<i32>} : memref<1280x64xf32, #tpu.memory_space<vmem>>, vector<16xf32>,
        %get3A_214 = arith.index_cast %mul3A_211 : i32 to index
        %get3A_215 = arith.constant 16 : index
        %get3A_216 = tpu.vector_load %arg14[%get3A_214, %get3A_215] {strides = array<i32>} : memref<1280x64xf32, #tpu.memory_space<vmem>>, vector<16xf32>,
        %get3A_217 = arith.index_cast %mul3A_211 : i32 to index
        %get3A_218 = arith.constant 32 : index
        %get3A_219 = tpu.vector_load %arg14[%get3A_217, %get3A_218] {strides = array<i32>} : memref<1280x64xf32, #tpu.memory_space<vmem>>, vector<16xf32>,
        %get3A_220 = arith.index_cast %mul3A_211 : i32 to index
        %get3A_221 = arith.constant 48 : index
        %get3A_222 = tpu.vector_load %arg14[%get3A_220, %get3A_221] {strides = array<i32>} : memref<1280x64xf32, #tpu.memory_space<vmem>>, vector<16xf32>,
        %add3A_223 = arith.constant 1 : i32
        %add3A_224 = arith.addi %mul3A_211, %add3A_223 : i32
        %get3A_225 = arith.index_cast %add3A_224 : i32 to index
        %get3A_226 = arith.constant 0 : index
        %get3A_227 = tpu.vector_load %arg14[%get3A_225, %get3A_226] {strides = array<i32>} : memref<1280x64xf32, #tpu.memory_space<vmem>>, vector<16xf32>,
        %add3A_228 = arith.addf %get3A_213, %get3A_227 : vector<16xf32>
        %add3A_229 = arith.constant 1 : i32
        %add3A_230 = arith.addi %mul3A_211, %add3A_229 : i32
        %get3A_231 = arith.index_cast %add3A_230 : i32 to index
        %get3A_232 = arith.constant 16 : index
        %get3A_233 = tpu.vector_load %arg14[%get3A_231, %get3A_232] {strides = array<i32>} : memref<1280x64xf32, #tpu.memory_space<vmem>>, vector<16xf32>,
        %add3A_234 = arith.addf %get3A_216, %get3A_233 : vector<16xf32>
        %add3A_235 = arith.constant 1 : i32
        %add3A_236 = arith.addi %mul3A_211, %add3A_235 : i32
        %get3A_237 = arith.index_cast %add3A_236 : i32 to index
        %get3A_238 = arith.constant 32 : index
        %get3A_239 = tpu.vector_load %arg14[%get3A_237, %get3A_238] {strides = array<i32>} : memref<1280x64xf32, #tpu.memory_space<vmem>>, vector<16xf32>,
        %add3A_240 = arith.addf %get3A_219, %get3A_239 : vector<16xf32>
        %add3A_241 = arith.constant 1 : i32
        %add3A_242 = arith.addi %mul3A_211, %add3A_241 : i32
        %get3A_243 = arith.index_cast %add3A_242 : i32 to index
        %get3A_244 = arith.constant 48 : index
        %get3A_245 = tpu.vector_load %arg14[%get3A_243, %get3A_244] {strides = array<i32>} : memref<1280x64xf32, #tpu.memory_space<vmem>>, vector<16xf32>,
        %add3A_246 = arith.addf %get3A_222, %get3A_245 : vector<16xf32>
        %add3A_247 = arith.constant 2 : i32
        %add3A_248 = arith.addi %mul3A_211, %add3A_247 : i32
        %get3A_249 = arith.index_cast %add3A_248 : i32 to index
        %get3A_250 = arith.constant 0 : index
        %get3A_251 = tpu.vector_load %arg14[%get3A_249, %get3A_250] {strides = array<i32>} : memref<1280x64xf32, #tpu.memory_space<vmem>>, vector<16xf32>,
        %add3A_252 = arith.addf %add3A_228, %get3A_251 : vector<16xf32>
        %add3A_253 = arith.constant 2 : i32
        %add3A_254 = arith.addi %mul3A_211, %add3A_253 : i32
        %get3A_255 = arith.index_cast %add3A_254 : i32 to index
        %get3A_256 = arith.constant 16 : index
        %get3A_257 = tpu.vector_load %arg14[%get3A_255, %get3A_256] {strides = array<i32>} : memref<1280x64xf32, #tpu.memory_space<vmem>>, vector<16xf32>,
        %add3A_258 = arith.addf %add3A_234, %get3A_257 : vector<16xf32>
        %add3A_259 = arith.constant 2 : i32
        %add3A_260 = arith.addi %mul3A_211, %add3A_259 : i32
        %get3A_261 = arith.index_cast %add3A_260 : i32 to index
        %get3A_262 = arith.constant 32 : index
        %get3A_263 = tpu.vector_load %arg14[%get3A_261, %get3A_262] {strides = array<i32>} : memref<1280x64xf32, #tpu.memory_space<vmem>>, vector<16xf32>,
        %add3A_264 = arith.addf %add3A_240, %get3A_263 : vector<16xf32>
        %add3A_265 = arith.constant 2 : i32
        %add3A_266 = arith.addi %mul3A_211, %add3A_265 : i32
        %get3A_267 = arith.index_cast %add3A_266 : i32 to index
        %get3A_268 = arith.constant 48 : index
        %get3A_269 = tpu.vector_load %arg14[%get3A_267, %get3A_268] {strides = array<i32>} : memref<1280x64xf32, #tpu.memory_space<vmem>>, vector<16xf32>,
        %add3A_270 = arith.addf %add3A_246, %get3A_269 : vector<16xf32>
        %add3A_271 = arith.constant 3 : i32
        %add3A_272 = arith.addi %mul3A_211, %add3A_271 : i32
        %get3A_273 = arith.index_cast %add3A_272 : i32 to index
        %get3A_274 = arith.constant 0 : index
        %get3A_275 = tpu.vector_load %arg14[%get3A_273, %get3A_274] {strides = array<i32>} : memref<1280x64xf32, #tpu.memory_space<vmem>>, vector<16xf32>,
        %add3A_276 = arith.addf %add3A_252, %get3A_275 : vector<16xf32>
        %add3A_277 = arith.constant 3 : i32
        %add3A_278 = arith.addi %mul3A_211, %add3A_277 : i32
        %get3A_279 = arith.index_cast %add3A_278 : i32 to index
        %get3A_280 = arith.constant 16 : index
        %get3A_281 = tpu.vector_load %arg14[%get3A_279, %get3A_280] {strides = array<i32>} : memref<1280x64xf32, #tpu.memory_space<vmem>>, vector<16xf32>,
        %add3A_282 = arith.addf %add3A_258, %get3A_281 : vector<16xf32>
        %add3A_283 = arith.constant 3 : i32
        %add3A_284 = arith.addi %mul3A_211, %add3A_283 : i32
        %get3A_285 = arith.index_cast %add3A_284 : i32 to index
        %get3A_286 = arith.constant 32 : index
        %get3A_287 = tpu.vector_load %arg14[%get3A_285, %get3A_286] {strides = array<i32>} : memref<1280x64xf32, #tpu.memory_space<vmem>>, vector<16xf32>,
        %add3A_288 = arith.addf %add3A_264, %get3A_287 : vector<16xf32>
        %add3A_289 = arith.constant 3 : i32
        %add3A_290 = arith.addi %mul3A_211, %add3A_289 : i32
        %get3A_291 = arith.index_cast %add3A_290 : i32 to index
        %get3A_292 = arith.constant 48 : index
        %get3A_293 = tpu.vector_load %arg14[%get3A_291, %get3A_292] {strides = array<i32>} : memref<1280x64xf32, #tpu.memory_space<vmem>>, vector<16xf32>,
        %add3A_294 = arith.addf %add3A_270, %get3A_293 : vector<16xf32>
        %add3A_295 = arith.constant 4 : i32
        %add3A_296 = arith.addi %mul3A_211, %add3A_295 : i32
        %get3A_297 = arith.index_cast %add3A_296 : i32 to index
        %get3A_298 = arith.constant 0 : index
        %get3A_299 = tpu.vector_load %arg14[%get3A_297, %get3A_298] {strides = array<i32>} : memref<1280x64xf32, #tpu.memory_space<vmem>>, vector<16xf32>,
        %add3A_300 = arith.addf %add3A_276, %get3A_299 : vector<16xf32>
        %add3A_301 = arith.constant 4 : i32
        %add3A_302 = arith.addi %mul3A_211, %add3A_301 : i32
        %get3A_303 = arith.index_cast %add3A_302 : i32 to index
        %get3A_304 = arith.constant 16 : index
        %get3A_305 = tpu.vector_load %arg14[%get3A_303, %get3A_304] {strides = array<i32>} : memref<1280x64xf32, #tpu.memory_space<vmem>>, vector<16xf32>,
        %add3A_306 = arith.addf %add3A_282, %get3A_305 : vector<16xf32>
        %add3A_307 = arith.constant 4 : i32
        %add3A_308 = arith.addi %mul3A_211, %add3A_307 : i32
        %get3A_309 = arith.index_cast %add3A_308 : i32 to index
        %get3A_310 = arith.constant 32 : index
        %get3A_311 = tpu.vector_load %arg14[%get3A_309, %get3A_310] {strides = array<i32>} : memref<1280x64xf32, #tpu.memory_space<vmem>>, vector<16xf32>,
        %add3A_312 = arith.addf %add3A_288, %get3A_311 : vector<16xf32>
        %add3A_313 = arith.constant 4 : i32
        %add3A_314 = arith.addi %mul3A_211, %add3A_313 : i32
        %get3A_315 = arith.index_cast %add3A_314 : i32 to index
        %get3A_316 = arith.constant 48 : index
        %get3A_317 = tpu.vector_load %arg14[%get3A_315, %get3A_316] {strides = array<i32>} : memref<1280x64xf32, #tpu.memory_space<vmem>>, vector<16xf32>,
        %add3A_318 = arith.addf %add3A_294, %get3A_317 : vector<16xf32>
        %add3A_319 = arith.constant 5 : i32
        %add3A_320 = arith.addi %mul3A_211, %add3A_319 : i32
        %get3A_321 = arith.index_cast %add3A_320 : i32 to index
        %get3A_322 = arith.constant 0 : index
        %get3A_323 = tpu.vector_load %arg14[%get3A_321, %get3A_322] {strides = array<i32>} : memref<1280x64xf32, #tpu.memory_space<vmem>>, vector<16xf32>,
        %add3A_324 = arith.addf %add3A_300, %get3A_323 : vector<16xf32>
        %add3A_325 = arith.constant 5 : i32
        %add3A_326 = arith.addi %mul3A_211, %add3A_325 : i32
        %get3A_327 = arith.index_cast %add3A_326 : i32 to index
        %get3A_328 = arith.constant 16 : index
        %get3A_329 = tpu.vector_load %arg14[%get3A_327, %get3A_328] {strides = array<i32>} : memref<1280x64xf32, #tpu.memory_space<vmem>>, vector<16xf32>,
        %add3A_330 = arith.addf %add3A_306, %get3A_329 : vector<16xf32>
        %add3A_331 = arith.constant 5 : i32
        %add3A_332 = arith.addi %mul3A_211, %add3A_331 : i32
        %get3A_333 = arith.index_cast %add3A_332 : i32 to index
        %get3A_334 = arith.constant 32 : index
        %get3A_335 = tpu.vector_load %arg14[%get3A_333, %get3A_334] {strides = array<i32>} : memref<1280x64xf32, #tpu.memory_space<vmem>>, vector<16xf32>,
        %add3A_336 = arith.addf %add3A_312, %get3A_335 : vector<16xf32>
        %add3A_337 = arith.constant 5 : i32
        %add3A_338 = arith.addi %mul3A_211, %add3A_337 : i32
        %get3A_339 = arith.index_cast %add3A_338 : i32 to index
        %get3A_340 = arith.constant 48 : index
        %get3A_341 = tpu.vector_load %arg14[%get3A_339, %get3A_340] {strides = array<i32>} : memref<1280x64xf32, #tpu.memory_space<vmem>>, vector<16xf32>,
        %add3A_342 = arith.addf %add3A_318, %get3A_341 : vector<16xf32>
        %add3A_343 = arith.constant 6 : i32
        %add3A_344 = arith.addi %mul3A_211, %add3A_343 : i32
        %get3A_345 = arith.index_cast %add3A_344 : i32 to index
        %get3A_346 = arith.constant 0 : index
        %get3A_347 = tpu.vector_load %arg14[%get3A_345, %get3A_346] {strides = array<i32>} : memref<1280x64xf32, #tpu.memory_space<vmem>>, vector<16xf32>,
        %add3A_348 = arith.addf %add3A_324, %get3A_347 : vector<16xf32>
        %add3A_349 = arith.constant 6 : i32
        %add3A_350 = arith.addi %mul3A_211, %add3A_349 : i32
        %get3A_351 = arith.index_cast %add3A_350 : i32 to index
        %get3A_352 = arith.constant 16 : index
        %get3A_353 = tpu.vector_load %arg14[%get3A_351, %get3A_352] {strides = array<i32>} : memref<1280x64xf32, #tpu.memory_space<vmem>>, vector<16xf32>,
        %add3A_354 = arith.addf %add3A_330, %get3A_353 : vector<16xf32>
        %add3A_355 = arith.constant 6 : i32
        %add3A_356 = arith.addi %mul3A_211, %add3A_355 : i32
        %get3A_357 = arith.index_cast %add3A_356 : i32 to index
        %get3A_358 = arith.constant 32 : index
        %get3A_359 = tpu.vector_load %arg14[%get3A_357, %get3A_358] {strides = array<i32>} : memref<1280x64xf32, #tpu.memory_space<vmem>>, vector<16xf32>,
        %add3A_360 = arith.addf %add3A_336, %get3A_359 : vector<16xf32>
        %add3A_361 = arith.constant 6 : i32
        %add3A_362 = arith.addi %mul3A_211, %add3A_361 : i32
        %get3A_363 = arith.index_cast %add3A_362 : i32 to index
        %get3A_364 = arith.constant 48 : index
        %get3A_365 = tpu.vector_load %arg14[%get3A_363, %get3A_364] {strides = array<i32>} : memref<1280x64xf32, #tpu.memory_space<vmem>>, vector<16xf32>,
        %add3A_366 = arith.addf %add3A_342, %get3A_365 : vector<16xf32>
        %add3A_367 = arith.constant 7 : i32
        %add3A_368 = arith.addi %mul3A_211, %add3A_367 : i32
        %get3A_369 = arith.index_cast %add3A_368 : i32 to index
        %get3A_370 = arith.constant 0 : index
        %get3A_371 = tpu.vector_load %arg14[%get3A_369, %get3A_370] {strides = array<i32>} : memref<1280x64xf32, #tpu.memory_space<vmem>>, vector<16xf32>,
        %add3A_372 = arith.addf %add3A_348, %get3A_371 : vector<16xf32>
        %add3A_373 = arith.constant 7 : i32
        %add3A_374 = arith.addi %mul3A_211, %add3A_373 : i32
        %get3A_375 = arith.index_cast %add3A_374 : i32 to index
        %get3A_376 = arith.constant 16 : index
        %get3A_377 = tpu.vector_load %arg14[%get3A_375, %get3A_376] {strides = array<i32>} : memref<1280x64xf32, #tpu.memory_space<vmem>>, vector<16xf32>,
        %add3A_378 = arith.addf %add3A_354, %get3A_377 : vector<16xf32>
        %add3A_379 = arith.constant 7 : i32
        %add3A_380 = arith.addi %mul3A_211, %add3A_379 : i32
        %get3A_381 = arith.index_cast %add3A_380 : i32 to index
        %get3A_382 = arith.constant 32 : index
        %get3A_383 = tpu.vector_load %arg14[%get3A_381, %get3A_382] {strides = array<i32>} : memref<1280x64xf32, #tpu.memory_space<vmem>>, vector<16xf32>,
        %add3A_384 = arith.addf %add3A_360, %get3A_383 : vector<16xf32>
        %add3A_385 = arith.constant 7 : i32
        %add3A_386 = arith.addi %mul3A_211, %add3A_385 : i32
        %get3A_387 = arith.index_cast %add3A_386 : i32 to index
        %get3A_388 = arith.constant 48 : index
        %get3A_389 = tpu.vector_load %arg14[%get3A_387, %get3A_388] {strides = array<i32>} : memref<1280x64xf32, #tpu.memory_space<vmem>>, vector<16xf32>,
        %add3A_390 = arith.addf %add3A_366, %get3A_389 : vector<16xf32>
        %add3A_391 = arith.constant 8 : i32
        %add3A_392 = arith.addi %mul3A_211, %add3A_391 : i32
        %get3A_393 = arith.index_cast %add3A_392 : i32 to index
        %get3A_394 = arith.constant 0 : index
        %get3A_395 = tpu.vector_load %arg14[%get3A_393, %get3A_394] {strides = array<i32>} : memref<1280x64xf32, #tpu.memory_space<vmem>>, vector<16xf32>,
        %add3A_396 = arith.addf %add3A_372, %get3A_395 : vector<16xf32>
        %add3A_397 = arith.constant 8 : i32
        %add3A_398 = arith.addi %mul3A_211, %add3A_397 : i32
        %get3A_399 = arith.index_cast %add3A_398 : i32 to index
        %get3A_400 = arith.constant 16 : index
        %get3A_401 = tpu.vector_load %arg14[%get3A_399, %get3A_400] {strides = array<i32>} : memref<1280x64xf32, #tpu.memory_space<vmem>>, vector<16xf32>,
        %add3A_402 = arith.addf %add3A_378, %get3A_401 : vector<16xf32>
        %add3A_403 = arith.constant 8 : i32
        %add3A_404 = arith.addi %mul3A_211, %add3A_403 : i32
        %get3A_405 = arith.index_cast %add3A_404 : i32 to index
        %get3A_406 = arith.constant 32 : index
        %get3A_407 = tpu.vector_load %arg14[%get3A_405, %get3A_406] {strides = array<i32>} : memref<1280x64xf32, #tpu.memory_space<vmem>>, vector<16xf32>,
        %add3A_408 = arith.addf %add3A_384, %get3A_407 : vector<16xf32>
        %add3A_409 = arith.constant 8 : i32
        %add3A_410 = arith.addi %mul3A_211, %add3A_409 : i32
        %get3A_411 = arith.index_cast %add3A_410 : i32 to index
        %get3A_412 = arith.constant 48 : index
        %get3A_413 = tpu.vector_load %arg14[%get3A_411, %get3A_412] {strides = array<i32>} : memref<1280x64xf32, #tpu.memory_space<vmem>>, vector<16xf32>,
        %add3A_414 = arith.addf %add3A_390, %get3A_413 : vector<16xf32>
        %add3A_415 = arith.constant 9 : i32
        %add3A_416 = arith.addi %mul3A_211, %add3A_415 : i32
        %get3A_417 = arith.index_cast %add3A_416 : i32 to index
        %get3A_418 = arith.constant 0 : index
        %get3A_419 = tpu.vector_load %arg14[%get3A_417, %get3A_418] {strides = array<i32>} : memref<1280x64xf32, #tpu.memory_space<vmem>>, vector<16xf32>,
        %add3A_420 = arith.addf %add3A_396, %get3A_419 : vector<16xf32>
        %add3A_421 = arith.constant 9 : i32
        %add3A_422 = arith.addi %mul3A_211, %add3A_421 : i32
        %get3A_423 = arith.index_cast %add3A_422 : i32 to index
        %get3A_424 = arith.constant 16 : index
        %get3A_425 = tpu.vector_load %arg14[%get3A_423, %get3A_424] {strides = array<i32>} : memref<1280x64xf32, #tpu.memory_space<vmem>>, vector<16xf32>,
        %add3A_426 = arith.addf %add3A_402, %get3A_425 : vector<16xf32>
        %add3A_427 = arith.constant 9 : i32
        %add3A_428 = arith.addi %mul3A_211, %add3A_427 : i32
        %get3A_429 = arith.index_cast %add3A_428 : i32 to index
        %get3A_430 = arith.constant 32 : index
        %get3A_431 = tpu.vector_load %arg14[%get3A_429, %get3A_430] {strides = array<i32>} : memref<1280x64xf32, #tpu.memory_space<vmem>>, vector<16xf32>,
        %add3A_432 = arith.addf %add3A_408, %get3A_431 : vector<16xf32>
        %add3A_433 = arith.constant 9 : i32
        %add3A_434 = arith.addi %mul3A_211, %add3A_433 : i32
        %get3A_435 = arith.index_cast %add3A_434 : i32 to index
        %get3A_436 = arith.constant 48 : index
        %get3A_437 = tpu.vector_load %arg14[%get3A_435, %get3A_436] {strides = array<i32>} : memref<1280x64xf32, #tpu.memory_space<vmem>>, vector<16xf32>,
        %add3A_438 = arith.addf %add3A_414, %get3A_437 : vector<16xf32>
        %add3A_439 = arith.constant 10 : i32
        %add3A_440 = arith.addi %mul3A_211, %add3A_439 : i32
        %get3A_441 = arith.index_cast %add3A_440 : i32 to index
        %get3A_442 = arith.constant 0 : index
        %get3A_443 = tpu.vector_load %arg14[%get3A_441, %get3A_442] {strides = array<i32>} : memref<1280x64xf32, #tpu.memory_space<vmem>>, vector<16xf32>,
        %add3A_444 = arith.addf %add3A_420, %get3A_443 : vector<16xf32>
        %add3A_445 = arith.constant 10 : i32
        %add3A_446 = arith.addi %mul3A_211, %add3A_445 : i32
        %get3A_447 = arith.index_cast %add3A_446 : i32 to index
        %get3A_448 = arith.constant 16 : index
        %get3A_449 = tpu.vector_load %arg14[%get3A_447, %get3A_448] {strides = array<i32>} : memref<1280x64xf32, #tpu.memory_space<vmem>>, vector<16xf32>,
        %add3A_450 = arith.addf %add3A_426, %get3A_449 : vector<16xf32>
        %add3A_451 = arith.constant 10 : i32
        %add3A_452 = arith.addi %mul3A_211, %add3A_451 : i32
        %get3A_453 = arith.index_cast %add3A_452 : i32 to index
        %get3A_454 = arith.constant 32 : index
        %get3A_455 = tpu.vector_load %arg14[%get3A_453, %get3A_454] {strides = array<i32>} : memref<1280x64xf32, #tpu.memory_space<vmem>>, vector<16xf32>,
        %add3A_456 = arith.addf %add3A_432, %get3A_455 : vector<16xf32>
        %add3A_457 = arith.constant 10 : i32
        %add3A_458 = arith.addi %mul3A_211, %add3A_457 : i32
        %get3A_459 = arith.index_cast %add3A_458 : i32 to index
        %get3A_460 = arith.constant 48 : index
        %get3A_461 = tpu.vector_load %arg14[%get3A_459, %get3A_460] {strides = array<i32>} : memref<1280x64xf32, #tpu.memory_space<vmem>>, vector<16xf32>,
        %add3A_462 = arith.addf %add3A_438, %get3A_461 : vector<16xf32>
        %add3A_463 = arith.constant 11 : i32
        %add3A_464 = arith.addi %mul3A_211, %add3A_463 : i32
        %get3A_465 = arith.index_cast %add3A_464 : i32 to index
        %get3A_466 = arith.constant 0 : index
        %get3A_467 = tpu.vector_load %arg14[%get3A_465, %get3A_466] {strides = array<i32>} : memref<1280x64xf32, #tpu.memory_space<vmem>>, vector<16xf32>,
        %add3A_468 = arith.addf %add3A_444, %get3A_467 : vector<16xf32>
        %add3A_469 = arith.constant 11 : i32
        %add3A_470 = arith.addi %mul3A_211, %add3A_469 : i32
        %get3A_471 = arith.index_cast %add3A_470 : i32 to index
        %get3A_472 = arith.constant 16 : index
        %get3A_473 = tpu.vector_load %arg14[%get3A_471, %get3A_472] {strides = array<i32>} : memref<1280x64xf32, #tpu.memory_space<vmem>>, vector<16xf32>,
        %add3A_474 = arith.addf %add3A_450, %get3A_473 : vector<16xf32>
        %add3A_475 = arith.constant 11 : i32
        %add3A_476 = arith.addi %mul3A_211, %add3A_475 : i32
        %get3A_477 = arith.index_cast %add3A_476 : i32 to index
        %get3A_478 = arith.constant 32 : index
        %get3A_479 = tpu.vector_load %arg14[%get3A_477, %get3A_478] {strides = array<i32>} : memref<1280x64xf32, #tpu.memory_space<vmem>>, vector<16xf32>,
        %add3A_480 = arith.addf %add3A_456, %get3A_479 : vector<16xf32>
        %add3A_481 = arith.constant 11 : i32
        %add3A_482 = arith.addi %mul3A_211, %add3A_481 : i32
        %get3A_483 = arith.index_cast %add3A_482 : i32 to index
        %get3A_484 = arith.constant 48 : index
        %get3A_485 = tpu.vector_load %arg14[%get3A_483, %get3A_484] {strides = array<i32>} : memref<1280x64xf32, #tpu.memory_space<vmem>>, vector<16xf32>,
        %add3A_486 = arith.addf %add3A_462, %get3A_485 : vector<16xf32>
        %add3A_487 = arith.constant 12 : i32
        %add3A_488 = arith.addi %mul3A_211, %add3A_487 : i32
        %get3A_489 = arith.index_cast %add3A_488 : i32 to index
        %get3A_490 = arith.constant 0 : index
        %get3A_491 = tpu.vector_load %arg14[%get3A_489, %get3A_490] {strides = array<i32>} : memref<1280x64xf32, #tpu.memory_space<vmem>>, vector<16xf32>,
        %add3A_492 = arith.addf %add3A_468, %get3A_491 : vector<16xf32>
        %add3A_493 = arith.constant 12 : i32
        %add3A_494 = arith.addi %mul3A_211, %add3A_493 : i32
        %get3A_495 = arith.index_cast %add3A_494 : i32 to index
        %get3A_496 = arith.constant 16 : index
        %get3A_497 = tpu.vector_load %arg14[%get3A_495, %get3A_496] {strides = array<i32>} : memref<1280x64xf32, #tpu.memory_space<vmem>>, vector<16xf32>,
        %add3A_498 = arith.addf %add3A_474, %get3A_497 : vector<16xf32>
        %add3A_499 = arith.constant 12 : i32
        %add3A_500 = arith.addi %mul3A_211, %add3A_499 : i32
        %get3A_501 = arith.index_cast %add3A_500 : i32 to index
        %get3A_502 = arith.constant 32 : index
        %get3A_503 = tpu.vector_load %arg14[%get3A_501, %get3A_502] {strides = array<i32>} : memref<1280x64xf32, #tpu.memory_space<vmem>>, vector<16xf32>,
        %add3A_504 = arith.addf %add3A_480, %get3A_503 : vector<16xf32>
        %add3A_505 = arith.constant 12 : i32
        %add3A_506 = arith.addi %mul3A_211, %add3A_505 : i32
        %get3A_507 = arith.index_cast %add3A_506 : i32 to index
        %get3A_508 = arith.constant 48 : index
        %get3A_509 = tpu.vector_load %arg14[%get3A_507, %get3A_508] {strides = array<i32>} : memref<1280x64xf32, #tpu.memory_space<vmem>>, vector<16xf32>,
        %add3A_510 = arith.addf %add3A_486, %get3A_509 : vector<16xf32>
        %add3A_511 = arith.constant 13 : i32
        %add3A_512 = arith.addi %mul3A_211, %add3A_511 : i32
        %get3A_513 = arith.index_cast %add3A_512 : i32 to index
        %get3A_514 = arith.constant 0 : index
        %get3A_515 = tpu.vector_load %arg14[%get3A_513, %get3A_514] {strides = array<i32>} : memref<1280x64xf32, #tpu.memory_space<vmem>>, vector<16xf32>,
        %add3A_516 = arith.addf %add3A_492, %get3A_515 : vector<16xf32>
        %add3A_517 = arith.constant 13 : i32
        %add3A_518 = arith.addi %mul3A_211, %add3A_517 : i32
        %get3A_519 = arith.index_cast %add3A_518 : i32 to index
        %get3A_520 = arith.constant 16 : index
        %get3A_521 = tpu.vector_load %arg14[%get3A_519, %get3A_520] {strides = array<i32>} : memref<1280x64xf32, #tpu.memory_space<vmem>>, vector<16xf32>,
        %add3A_522 = arith.addf %add3A_498, %get3A_521 : vector<16xf32>
        %add3A_523 = arith.constant 13 : i32
        %add3A_524 = arith.addi %mul3A_211, %add3A_523 : i32
        %get3A_525 = arith.index_cast %add3A_524 : i32 to index
        %get3A_526 = arith.constant 32 : index
        %get3A_527 = tpu.vector_load %arg14[%get3A_525, %get3A_526] {strides = array<i32>} : memref<1280x64xf32, #tpu.memory_space<vmem>>, vector<16xf32>,
        %add3A_528 = arith.addf %add3A_504, %get3A_527 : vector<16xf32>
        %add3A_529 = arith.constant 13 : i32
        %add3A_530 = arith.addi %mul3A_211, %add3A_529 : i32
        %get3A_531 = arith.index_cast %add3A_530 : i32 to index
        %get3A_532 = arith.constant 48 : index
        %get3A_533 = tpu.vector_load %arg14[%get3A_531, %get3A_532] {strides = array<i32>} : memref<1280x64xf32, #tpu.memory_space<vmem>>, vector<16xf32>,
        %add3A_534 = arith.addf %add3A_510, %get3A_533 : vector<16xf32>
        %add3A_535 = arith.constant 14 : i32
        %add3A_536 = arith.addi %mul3A_211, %add3A_535 : i32
        %get3A_537 = arith.index_cast %add3A_536 : i32 to index
        %get3A_538 = arith.constant 0 : index
        %get3A_539 = tpu.vector_load %arg14[%get3A_537, %get3A_538] {strides = array<i32>} : memref<1280x64xf32, #tpu.memory_space<vmem>>, vector<16xf32>,
        %add3A_540 = arith.addf %add3A_516, %get3A_539 : vector<16xf32>
        %add3A_541 = arith.constant 14 : i32
        %add3A_542 = arith.addi %mul3A_211, %add3A_541 : i32
        %get3A_543 = arith.index_cast %add3A_542 : i32 to index
        %get3A_544 = arith.constant 16 : index
        %get3A_545 = tpu.vector_load %arg14[%get3A_543, %get3A_544] {strides = array<i32>} : memref<1280x64xf32, #tpu.memory_space<vmem>>, vector<16xf32>,
        %add3A_546 = arith.addf %add3A_522, %get3A_545 : vector<16xf32>
        %add3A_547 = arith.constant 14 : i32
        %add3A_548 = arith.addi %mul3A_211, %add3A_547 : i32
        %get3A_549 = arith.index_cast %add3A_548 : i32 to index
        %get3A_550 = arith.constant 32 : index
        %get3A_551 = tpu.vector_load %arg14[%get3A_549, %get3A_550] {strides = array<i32>} : memref<1280x64xf32, #tpu.memory_space<vmem>>, vector<16xf32>,
        %add3A_552 = arith.addf %add3A_528, %get3A_551 : vector<16xf32>
        %add3A_553 = arith.constant 14 : i32
        %add3A_554 = arith.addi %mul3A_211, %add3A_553 : i32
        %get3A_555 = arith.index_cast %add3A_554 : i32 to index
        %get3A_556 = arith.constant 48 : index
        %get3A_557 = tpu.vector_load %arg14[%get3A_555, %get3A_556] {strides = array<i32>} : memref<1280x64xf32, #tpu.memory_space<vmem>>, vector<16xf32>,
        %add3A_558 = arith.addf %add3A_534, %get3A_557 : vector<16xf32>
        %add3A_559 = arith.constant 15 : i32
        %add3A_560 = arith.addi %mul3A_211, %add3A_559 : i32
        %get3A_561 = arith.index_cast %add3A_560 : i32 to index
        %get3A_562 = arith.constant 0 : index
        %get3A_563 = tpu.vector_load %arg14[%get3A_561, %get3A_562] {strides = array<i32>} : memref<1280x64xf32, #tpu.memory_space<vmem>>, vector<16xf32>,
        %add3A_564 = arith.addf %add3A_540, %get3A_563 : vector<16xf32>
        %add3A_565 = arith.constant 15 : i32
        %add3A_566 = arith.addi %mul3A_211, %add3A_565 : i32
        %get3A_567 = arith.index_cast %add3A_566 : i32 to index
        %get3A_568 = arith.constant 16 : index
        %get3A_569 = tpu.vector_load %arg14[%get3A_567, %get3A_568] {strides = array<i32>} : memref<1280x64xf32, #tpu.memory_space<vmem>>, vector<16xf32>,
        %add3A_570 = arith.addf %add3A_546, %get3A_569 : vector<16xf32>
        %add3A_571 = arith.constant 15 : i32
        %add3A_572 = arith.addi %mul3A_211, %add3A_571 : i32
        %get3A_573 = arith.index_cast %add3A_572 : i32 to index
        %get3A_574 = arith.constant 32 : index
        %get3A_575 = tpu.vector_load %arg14[%get3A_573, %get3A_574] {strides = array<i32>} : memref<1280x64xf32, #tpu.memory_space<vmem>>, vector<16xf32>,
        %add3A_576 = arith.addf %add3A_552, %get3A_575 : vector<16xf32>
        %add3A_577 = arith.constant 15 : i32
        %add3A_578 = arith.addi %mul3A_211, %add3A_577 : i32
        %get3A_579 = arith.index_cast %add3A_578 : i32 to index
        %get3A_580 = arith.constant 48 : index
        %get3A_581 = tpu.vector_load %arg14[%get3A_579, %get3A_580] {strides = array<i32>} : memref<1280x64xf32, #tpu.memory_space<vmem>>, vector<16xf32>,
        %add3A_582 = arith.addf %add3A_558, %get3A_581 : vector<16xf32>
        %add3A_583 = arith.constant 16 : i32
        %add3A_584 = arith.addi %mul3A_211, %add3A_583 : i32
        %get3A_585 = arith.index_cast %add3A_584 : i32 to index
        %get3A_586 = arith.constant 0 : index
        %get3A_587 = tpu.vector_load %arg14[%get3A_585, %get3A_586] {strides = array<i32>} : memref<1280x64xf32, #tpu.memory_space<vmem>>, vector<16xf32>,
        %add3A_588 = arith.addf %add3A_564, %get3A_587 : vector<16xf32>
        %add3A_589 = arith.constant 16 : i32
        %add3A_590 = arith.addi %mul3A_211, %add3A_589 : i32
        %get3A_591 = arith.index_cast %add3A_590 : i32 to index
        %get3A_592 = arith.constant 16 : index
        %get3A_593 = tpu.vector_load %arg14[%get3A_591, %get3A_592] {strides = array<i32>} : memref<1280x64xf32, #tpu.memory_space<vmem>>, vector<16xf32>,
        %add3A_594 = arith.addf %add3A_570, %get3A_593 : vector<16xf32>
        %add3A_595 = arith.constant 16 : i32
        %add3A_596 = arith.addi %mul3A_211, %add3A_595 : i32
        %get3A_597 = arith.index_cast %add3A_596 : i32 to index
        %get3A_598 = arith.constant 32 : index
        %get3A_599 = tpu.vector_load %arg14[%get3A_597, %get3A_598] {strides = array<i32>} : memref<1280x64xf32, #tpu.memory_space<vmem>>, vector<16xf32>,
        %add3A_600 = arith.addf %add3A_576, %get3A_599 : vector<16xf32>
        %add3A_601 = arith.constant 16 : i32
        %add3A_602 = arith.addi %mul3A_211, %add3A_601 : i32
        %get3A_603 = arith.index_cast %add3A_602 : i32 to index
        %get3A_604 = arith.constant 48 : index
        %get3A_605 = tpu.vector_load %arg14[%get3A_603, %get3A_604] {strides = array<i32>} : memref<1280x64xf32, #tpu.memory_space<vmem>>, vector<16xf32>,
        %add3A_606 = arith.addf %add3A_582, %get3A_605 : vector<16xf32>
        %add3A_607 = arith.constant 17 : i32
        %add3A_608 = arith.addi %mul3A_211, %add3A_607 : i32
        %get3A_609 = arith.index_cast %add3A_608 : i32 to index
        %get3A_610 = arith.constant 0 : index
        %get3A_611 = tpu.vector_load %arg14[%get3A_609, %get3A_610] {strides = array<i32>} : memref<1280x64xf32, #tpu.memory_space<vmem>>, vector<16xf32>,
        %add3A_612 = arith.addf %add3A_588, %get3A_611 : vector<16xf32>
        %add3A_613 = arith.constant 17 : i32
        %add3A_614 = arith.addi %mul3A_211, %add3A_613 : i32
        %get3A_615 = arith.index_cast %add3A_614 : i32 to index
        %get3A_616 = arith.constant 16 : index
        %get3A_617 = tpu.vector_load %arg14[%get3A_615, %get3A_616] {strides = array<i32>} : memref<1280x64xf32, #tpu.memory_space<vmem>>, vector<16xf32>,
        %add3A_618 = arith.addf %add3A_594, %get3A_617 : vector<16xf32>
        %add3A_619 = arith.constant 17 : i32
        %add3A_620 = arith.addi %mul3A_211, %add3A_619 : i32
        %get3A_621 = arith.index_cast %add3A_620 : i32 to index
        %get3A_622 = arith.constant 32 : index
        %get3A_623 = tpu.vector_load %arg14[%get3A_621, %get3A_622] {strides = array<i32>} : memref<1280x64xf32, #tpu.memory_space<vmem>>, vector<16xf32>,
        %add3A_624 = arith.addf %add3A_600, %get3A_623 : vector<16xf32>
        %add3A_625 = arith.constant 17 : i32
        %add3A_626 = arith.addi %mul3A_211, %add3A_625 : i32
        %get3A_627 = arith.index_cast %add3A_626 : i32 to index
        %get3A_628 = arith.constant 48 : index
        %get3A_629 = tpu.vector_load %arg14[%get3A_627, %get3A_628] {strides = array<i32>} : memref<1280x64xf32, #tpu.memory_space<vmem>>, vector<16xf32>,
        %add3A_630 = arith.addf %add3A_606, %get3A_629 : vector<16xf32>
        %add3A_631 = arith.constant 18 : i32
        %add3A_632 = arith.addi %mul3A_211, %add3A_631 : i32
        %get3A_633 = arith.index_cast %add3A_632 : i32 to index
        %get3A_634 = arith.constant 0 : index
        %get3A_635 = tpu.vector_load %arg14[%get3A_633, %get3A_634] {strides = array<i32>} : memref<1280x64xf32, #tpu.memory_space<vmem>>, vector<16xf32>,
        %add3A_636 = arith.addf %add3A_612, %get3A_635 : vector<16xf32>
        %add3A_637 = arith.constant 18 : i32
        %add3A_638 = arith.addi %mul3A_211, %add3A_637 : i32
        %get3A_639 = arith.index_cast %add3A_638 : i32 to index
        %get3A_640 = arith.constant 16 : index
        %get3A_641 = tpu.vector_load %arg14[%get3A_639, %get3A_640] {strides = array<i32>} : memref<1280x64xf32, #tpu.memory_space<vmem>>, vector<16xf32>,
        %add3A_642 = arith.addf %add3A_618, %get3A_641 : vector<16xf32>
        %add3A_643 = arith.constant 18 : i32
        %add3A_644 = arith.addi %mul3A_211, %add3A_643 : i32
        %get3A_645 = arith.index_cast %add3A_644 : i32 to index
        %get3A_646 = arith.constant 32 : index
        %get3A_647 = tpu.vector_load %arg14[%get3A_645, %get3A_646] {strides = array<i32>} : memref<1280x64xf32, #tpu.memory_space<vmem>>, vector<16xf32>,
        %add3A_648 = arith.addf %add3A_624, %get3A_647 : vector<16xf32>
        %add3A_649 = arith.constant 18 : i32
        %add3A_650 = arith.addi %mul3A_211, %add3A_649 : i32
        %get3A_651 = arith.index_cast %add3A_650 : i32 to index
        %get3A_652 = arith.constant 48 : index
        %get3A_653 = tpu.vector_load %arg14[%get3A_651, %get3A_652] {strides = array<i32>} : memref<1280x64xf32, #tpu.memory_space<vmem>>, vector<16xf32>,
        %add3A_654 = arith.addf %add3A_630, %get3A_653 : vector<16xf32>
        %add3A_655 = arith.constant 19 : i32
        %add3A_656 = arith.addi %mul3A_211, %add3A_655 : i32
        %get3A_657 = arith.index_cast %add3A_656 : i32 to index
        %get3A_658 = arith.constant 0 : index
        %get3A_659 = tpu.vector_load %arg14[%get3A_657, %get3A_658] {strides = array<i32>} : memref<1280x64xf32, #tpu.memory_space<vmem>>, vector<16xf32>,
        %add3A_660 = arith.addf %add3A_636, %get3A_659 : vector<16xf32>
        %add3A_661 = arith.constant 19 : i32
        %add3A_662 = arith.addi %mul3A_211, %add3A_661 : i32
        %get3A_663 = arith.index_cast %add3A_662 : i32 to index
        %get3A_664 = arith.constant 16 : index
        %get3A_665 = tpu.vector_load %arg14[%get3A_663, %get3A_664] {strides = array<i32>} : memref<1280x64xf32, #tpu.memory_space<vmem>>, vector<16xf32>,
        %add3A_666 = arith.addf %add3A_642, %get3A_665 : vector<16xf32>
        %add3A_667 = arith.constant 19 : i32
        %add3A_668 = arith.addi %mul3A_211, %add3A_667 : i32
        %get3A_669 = arith.index_cast %add3A_668 : i32 to index
        %get3A_670 = arith.constant 32 : index
        %get3A_671 = tpu.vector_load %arg14[%get3A_669, %get3A_670] {strides = array<i32>} : memref<1280x64xf32, #tpu.memory_space<vmem>>, vector<16xf32>,
        %add3A_672 = arith.addf %add3A_648, %get3A_671 : vector<16xf32>
        %add3A_673 = arith.constant 19 : i32
        %add3A_674 = arith.addi %mul3A_211, %add3A_673 : i32
        %get3A_675 = arith.index_cast %add3A_674 : i32 to index
        %get3A_676 = arith.constant 48 : index
        %get3A_677 = tpu.vector_load %arg14[%get3A_675, %get3A_676] {strides = array<i32>} : memref<1280x64xf32, #tpu.memory_space<vmem>>, vector<16xf32>,
        %add3A_678 = arith.addf %add3A_654, %get3A_677 : vector<16xf32>
        %mul3A_679 = vector.broadcast %scan3A_16 : f32 to vector<16xf32>
        %mul3A_680 = arith.mulf %add3A_660, %mul3A_679 : vector<16xf32>
        %swap3A = arith.index_cast %scan3A_209 : i32 to index
        %swap3A_681 = arith.constant 0 : index
        %swap3A_682 = tpu.vector_load %arg15[%swap3A, %swap3A_681] {strides = array<i32>} : memref<64x64xf32, #tpu.memory_space<vmem>>, vector<16xf32>,
        tpu.vector_store %arg15[%swap3A, %swap3A_681], %mul3A_680 {strides = array<i32>} : memref<64x64xf32, #tpu.memory_space<vmem>>, vector<16xf32>,
        %mul3A_683 = vector.broadcast %scan3A_16 : f32 to vector<16xf32>
        %mul3A_684 = arith.mulf %add3A_666, %mul3A_683 : vector<16xf32>
        %swap3A_685 = arith.index_cast %scan3A_209 : i32 to index
        %swap3A_686 = arith.constant 16 : index
        %swap3A_687 = tpu.vector_load %arg15[%swap3A_685, %swap3A_686] {strides = array<i32>} : memref<64x64xf32, #tpu.memory_space<vmem>>, vector<16xf32>,
        tpu.vector_store %arg15[%swap3A_685, %swap3A_686], %mul3A_684 {strides = array<i32>} : memref<64x64xf32, #tpu.memory_space<vmem>>, vector<16xf32>,
        %mul3A_688 = vector.broadcast %scan3A_16 : f32 to vector<16xf32>
        %mul3A_689 = arith.mulf %add3A_672, %mul3A_688 : vector<16xf32>
        %swap3A_690 = arith.index_cast %scan3A_209 : i32 to index
        %swap3A_691 = arith.constant 32 : index
        %swap3A_692 = tpu.vector_load %arg15[%swap3A_690, %swap3A_691] {strides = array<i32>} : memref<64x64xf32, #tpu.memory_space<vmem>>, vector<16xf32>,
        tpu.vector_store %arg15[%swap3A_690, %swap3A_691], %mul3A_689 {strides = array<i32>} : memref<64x64xf32, #tpu.memory_space<vmem>>, vector<16xf32>,
        %mul3A_693 = vector.broadcast %scan3A_16 : f32 to vector<16xf32>
        %mul3A_694 = arith.mulf %add3A_678, %mul3A_693 : vector<16xf32>
        %swap3A_695 = arith.index_cast %scan3A_209 : i32 to index
        %swap3A_696 = arith.constant 48 : index
        %swap3A_697 = tpu.vector_load %arg15[%swap3A_695, %swap3A_696] {strides = array<i32>} : memref<64x64xf32, #tpu.memory_space<vmem>>, vector<16xf32>,
        tpu.vector_store %arg15[%swap3A_695, %swap3A_696], %mul3A_694 {strides = array<i32>} : memref<64x64xf32, #tpu.memory_space<vmem>>, vector<16xf32>,
      }
      %scan3A_208 = arith.constant 64 : i32
      "tpu.region"() ({
        %run_scoped3A = tpu.sem_alloc : memref<!tpu.dma_semaphore, #tpu.memory_space<semaphore_mem>>
        %dma_start3A_209 = arith.constant 0 : i32
        %dma_start3A_210 = tpu.memref_slice %arg9[%multiple_of3A, %dma_start3A_209] : memref<16384x64xf32, #tpu.memory_space<hbm>> -> memref<64x64xf32, #tpu.memory_space<hbm>>
        %dma_start3A_211 = arith.constant 0 : i32
        %dma_start3A_212 = tpu.memref_slice %arg9[%multiple_of3A, %dma_start3A_211] : memref<16384x64xf32, #tpu.memory_space<hbm>> -> memref<64x64xf32, #tpu.memory_space<hbm>>
        tpu.enqueue_dma source(%arg15 : memref<64x64xf32, #tpu.memory_space<vmem>>) target(%dma_start3A_212 : memref<64x64xf32, #tpu.memory_space<hbm>>) target_semaphore(%run_scoped3A : memref<!tpu.dma_semaphore, #tpu.memory_space<semaphore_mem>>)
        %dma_wait3A_213 = arith.constant 0 : i32
        %dma_wait3A_214 = tpu.memref_slice %arg9[%multiple_of3A, %dma_wait3A_213] : memref<16384x64xf32, #tpu.memory_space<hbm>> -> memref<64x64xf32, #tpu.memory_space<hbm>>
        %dma_wait3A_215 = arith.constant 0 : i32
        %dma_wait3A_216 = tpu.memref_slice %arg9[%multiple_of3A, %dma_wait3A_215] : memref<16384x64xf32, #tpu.memory_space<hbm>> -> memref<64x64xf32, #tpu.memory_space<hbm>>
        tpu.wait_dma2 semaphore(%run_scoped3A : memref<!tpu.dma_semaphore, #tpu.memory_space<semaphore_mem>>) src(%arg15 : memref<64x64xf32, #tpu.memory_space<vmem>>) dst(%dma_wait3A_216 : memref<64x64xf32, #tpu.memory_space<hbm>>)
        tpu.yield
      }) : () -> ()
    }
    %scan3A_21 = arith.constant 8 : i32
    %scan3A_22 = arith.constant 0 : i32
    %scan3A_23 = arith.constant 5.000000e-02 : f32
    %scan3A_24 = arith.constant 0 : i32
    %scan3A_25 = arith.constant 8 : i32
    %scan3A_26 = arith.addi %scan3A_24, %scan3A_25 : i32
    %scan3A_27 = arith.constant 1 : i32
    scf.for %scan3A_29 = %scan3A_24 to %scan3A_26 step %scan3A_27  : i32 {
      %mul3A_30 = arith.constant 64 : i32
      %mul3A_31 = arith.muli %scan3A_29, %mul3A_30 : i32
      %add3A_32 = arith.addi %mul3A_2, %mul3A_31 : i32
      %multiple_of3A = tpu.assume_multiple %add3A_32, 64 : i32
      "tpu.region"() ({
        %run_scoped3A = tpu.sem_alloc : memref<!tpu.dma_semaphore, #tpu.memory_space<semaphore_mem>>
        %dma_start3A_209 = tpu.memref_slice %arg4[%multiple_of3A] : memref<16384xi32, #tpu.memory_space<hbm>> -> memref<64xi32, #tpu.memory_space<hbm>>
        %dma_start3A_210 = tpu.memref_slice %arg4[%multiple_of3A] : memref<16384xi32, #tpu.memory_space<hbm>> -> memref<64xi32, #tpu.memory_space<hbm>>
        tpu.enqueue_dma source(%dma_start3A_210 : memref<64xi32, #tpu.memory_space<hbm>>) target(%arg11 : memref<64xi32, #tpu.memory_space<vmem>>) target_semaphore(%run_scoped3A : memref<!tpu.dma_semaphore, #tpu.memory_space<semaphore_mem>>)
        %dma_wait3A_211 = tpu.memref_slice %arg4[%multiple_of3A] : memref<16384xi32, #tpu.memory_space<hbm>> -> memref<64xi32, #tpu.memory_space<hbm>>
        %dma_wait3A_212 = tpu.memref_slice %arg4[%multiple_of3A] : memref<16384xi32, #tpu.memory_space<hbm>> -> memref<64xi32, #tpu.memory_space<hbm>>
        tpu.wait_dma2 semaphore(%run_scoped3A : memref<!tpu.dma_semaphore, #tpu.memory_space<semaphore_mem>>) src(%dma_wait3A_212 : memref<64xi32, #tpu.memory_space<hbm>>) dst(%arg11 : memref<64xi32, #tpu.memory_space<vmem>>)
        tpu.yield
      }) : () -> ()
      %dma_start3A = arith.constant 0 : i32
      %dma_start3A_33 = arith.constant 0 : i32
      %dma_start3A_34 = tpu.memref_slice %arg5[%dma_start3A, %dma_start3A_33] : memref<1000000x20xi32, #tpu.memory_space<hbm>> -> memref<1000000x20xi32, #tpu.memory_space<hbm>>
      tpu.enqueue_indirect_dma source(%dma_start3A_34 : memref<1000000x20xi32, #tpu.memory_space<hbm>>) target(%arg12 : memref<64x20xi32, #tpu.memory_space<vmem>>) offsets(%arg11 : memref<64xi32, #tpu.memory_space<vmem>>) semaphore(%arg18 : memref<!tpu.dma_semaphore, #tpu.memory_space<semaphore_mem>>)
      %dma_wait3A = arith.constant 0 : i32
      %dma_wait3A_35 = arith.constant 0 : i32
      %dma_wait3A_36 = tpu.memref_slice %arg5[%dma_wait3A, %dma_wait3A_35] : memref<1000000x20xi32, #tpu.memory_space<hbm>> -> memref<1000000x20xi32, #tpu.memory_space<hbm>>
      tpu.wait_indirect_dma semaphore(%arg18 : memref<!tpu.dma_semaphore, #tpu.memory_space<semaphore_mem>>) src(%dma_wait3A_36 : memref<1000000x20xi32, #tpu.memory_space<hbm>>) dst(%arg12 : memref<64x20xi32, #tpu.memory_space<vmem>>)
      %scan3A_37 = arith.constant 0 : i32
      %scan3A_38 = arith.constant 0 : i32
      %scan3A_39 = arith.constant 80 : i32
      %scan3A_40 = arith.addi %scan3A_38, %scan3A_39 : i32
      %scan3A_41 = arith.constant 1 : i32
      scf.for %scan3A_209 = %scan3A_38 to %scan3A_40 step %scan3A_41  : i32 {
        %mul3A_210 = arith.constant 16 : i32
        %mul3A_211 = arith.muli %scan3A_209, %mul3A_210 : i32
        %multiple_of3A_212 = tpu.assume_multiple %mul3A_211, 16 : i32
        %get3A = arith.index_cast %multiple_of3A_212 : i32 to index
        %get3A_213 = tpu.vector_load %arg16[%get3A] {strides = array<i32>} : memref<1280xi32, #tpu.memory_space<vmem>>, vector<16xi32>,
        %get3A_214 = arith.index_cast %multiple_of3A_212 : i32 to index
        %get3A_215 = tpu.vector_load %arg17[%get3A_214] {strides = array<i32>} : memref<1280xi32, #tpu.memory_space<vmem>>, vector<16xi32>,
        %gather3A = tpu.vector_load_idx %arg12[%get3A_213, %get3A_215] : memref<64x20xi32, #tpu.memory_space<vmem>>[vector<16xi32>, vector<16xi32>], vector<16xi32>,
        %swap3A = arith.index_cast %multiple_of3A_212 : i32 to index
        %swap3A_216 = tpu.vector_load %arg13[%swap3A] {strides = array<i32>} : memref<1280xi32, #tpu.memory_space<vmem>>, vector<16xi32>,
        tpu.vector_store %arg13[%swap3A], %gather3A {strides = array<i32>} : memref<1280xi32, #tpu.memory_space<vmem>>, vector<16xi32>,
      }
      %scan3A_42 = arith.constant 80 : i32
      %dma_start3A_43 = arith.constant 0 : i32
      %dma_start3A_44 = arith.constant 0 : i32
      %dma_start3A_45 = tpu.memref_slice %arg14[%dma_start3A_43, %dma_start3A_44] : memref<1280x64xf32, #tpu.memory_space<vmem>> -> memref<128x64xf32, #tpu.memory_space<vmem>>
      %dma_start3A_46 = arith.constant 0 : i32
      %dma_start3A_47 = tpu.memref_slice %arg13[%dma_start3A_46] : memref<1280xi32, #tpu.memory_space<vmem>> -> memref<128xi32, #tpu.memory_space<vmem>>
      %dma_start3A_48 = arith.constant 0 : i32
      %dma_start3A_49 = arith.constant 0 : i32
      %dma_start3A_50 = tpu.memref_slice %arg7[%dma_start3A_48, %dma_start3A_49] : memref<100000x64xf32, #tpu.memory_space<hbm>> -> memref<100000x64xf32, #tpu.memory_space<hbm>>
      tpu.enqueue_indirect_dma source(%dma_start3A_50 : memref<100000x64xf32, #tpu.memory_space<hbm>>) target(%dma_start3A_45 : memref<128x64xf32, #tpu.memory_space<vmem>>) offsets(%dma_start3A_47 : memref<128xi32, #tpu.memory_space<vmem>>) semaphore(%arg18 : memref<!tpu.dma_semaphore, #tpu.memory_space<semaphore_mem>>)
      %dma_start3A_51 = arith.constant 128 : i32
      %dma_start3A_52 = arith.constant 0 : i32
      %dma_start3A_53 = tpu.memref_slice %arg14[%dma_start3A_51, %dma_start3A_52] : memref<1280x64xf32, #tpu.memory_space<vmem>> -> memref<128x64xf32, #tpu.memory_space<vmem>>
      %dma_start3A_54 = arith.constant 128 : i32
      %dma_start3A_55 = tpu.memref_slice %arg13[%dma_start3A_54] : memref<1280xi32, #tpu.memory_space<vmem>> -> memref<128xi32, #tpu.memory_space<vmem>>
      %dma_start3A_56 = arith.constant 0 : i32
      %dma_start3A_57 = arith.constant 0 : i32
      %dma_start3A_58 = tpu.memref_slice %arg7[%dma_start3A_56, %dma_start3A_57] : memref<100000x64xf32, #tpu.memory_space<hbm>> -> memref<100000x64xf32, #tpu.memory_space<hbm>>
      tpu.enqueue_indirect_dma source(%dma_start3A_58 : memref<100000x64xf32, #tpu.memory_space<hbm>>) target(%dma_start3A_53 : memref<128x64xf32, #tpu.memory_space<vmem>>) offsets(%dma_start3A_55 : memref<128xi32, #tpu.memory_space<vmem>>) semaphore(%arg18 : memref<!tpu.dma_semaphore, #tpu.memory_space<semaphore_mem>>)
      %dma_start3A_59 = arith.constant 256 : i32
      %dma_start3A_60 = arith.constant 0 : i32
      %dma_start3A_61 = tpu.memref_slice %arg14[%dma_start3A_59, %dma_start3A_60] : memref<1280x64xf32, #tpu.memory_space<vmem>> -> memref<128x64xf32, #tpu.memory_space<vmem>>
      %dma_start3A_62 = arith.constant 256 : i32
      %dma_start3A_63 = tpu.memref_slice %arg13[%dma_start3A_62] : memref<1280xi32, #tpu.memory_space<vmem>> -> memref<128xi32, #tpu.memory_space<vmem>>
      %dma_start3A_64 = arith.constant 0 : i32
      %dma_start3A_65 = arith.constant 0 : i32
      %dma_start3A_66 = tpu.memref_slice %arg7[%dma_start3A_64, %dma_start3A_65] : memref<100000x64xf32, #tpu.memory_space<hbm>> -> memref<100000x64xf32, #tpu.memory_space<hbm>>
      tpu.enqueue_indirect_dma source(%dma_start3A_66 : memref<100000x64xf32, #tpu.memory_space<hbm>>) target(%dma_start3A_61 : memref<128x64xf32, #tpu.memory_space<vmem>>) offsets(%dma_start3A_63 : memref<128xi32, #tpu.memory_space<vmem>>) semaphore(%arg18 : memref<!tpu.dma_semaphore, #tpu.memory_space<semaphore_mem>>)
      %dma_start3A_67 = arith.constant 384 : i32
      %dma_start3A_68 = arith.constant 0 : i32
      %dma_start3A_69 = tpu.memref_slice %arg14[%dma_start3A_67, %dma_start3A_68] : memref<1280x64xf32, #tpu.memory_space<vmem>> -> memref<128x64xf32, #tpu.memory_space<vmem>>
      %dma_start3A_70 = arith.constant 384 : i32
      %dma_start3A_71 = tpu.memref_slice %arg13[%dma_start3A_70] : memref<1280xi32, #tpu.memory_space<vmem>> -> memref<128xi32, #tpu.memory_space<vmem>>
      %dma_start3A_72 = arith.constant 0 : i32
      %dma_start3A_73 = arith.constant 0 : i32
      %dma_start3A_74 = tpu.memref_slice %arg7[%dma_start3A_72, %dma_start3A_73] : memref<100000x64xf32, #tpu.memory_space<hbm>> -> memref<100000x64xf32, #tpu.memory_space<hbm>>
      tpu.enqueue_indirect_dma source(%dma_start3A_74 : memref<100000x64xf32, #tpu.memory_space<hbm>>) target(%dma_start3A_69 : memref<128x64xf32, #tpu.memory_space<vmem>>) offsets(%dma_start3A_71 : memref<128xi32, #tpu.memory_space<vmem>>) semaphore(%arg18 : memref<!tpu.dma_semaphore, #tpu.memory_space<semaphore_mem>>)
      %dma_start3A_75 = arith.constant 512 : i32
      %dma_start3A_76 = arith.constant 0 : i32
      %dma_start3A_77 = tpu.memref_slice %arg14[%dma_start3A_75, %dma_start3A_76] : memref<1280x64xf32, #tpu.memory_space<vmem>> -> memref<128x64xf32, #tpu.memory_space<vmem>>
      %dma_start3A_78 = arith.constant 512 : i32
      %dma_start3A_79 = tpu.memref_slice %arg13[%dma_start3A_78] : memref<1280xi32, #tpu.memory_space<vmem>> -> memref<128xi32, #tpu.memory_space<vmem>>
      %dma_start3A_80 = arith.constant 0 : i32
      %dma_start3A_81 = arith.constant 0 : i32
      %dma_start3A_82 = tpu.memref_slice %arg7[%dma_start3A_80, %dma_start3A_81] : memref<100000x64xf32, #tpu.memory_space<hbm>> -> memref<100000x64xf32, #tpu.memory_space<hbm>>
      tpu.enqueue_indirect_dma source(%dma_start3A_82 : memref<100000x64xf32, #tpu.memory_space<hbm>>) target(%dma_start3A_77 : memref<128x64xf32, #tpu.memory_space<vmem>>) offsets(%dma_start3A_79 : memref<128xi32, #tpu.memory_space<vmem>>) semaphore(%arg18 : memref<!tpu.dma_semaphore, #tpu.memory_space<semaphore_mem>>)
      %dma_start3A_83 = arith.constant 640 : i32
      %dma_start3A_84 = arith.constant 0 : i32
      %dma_start3A_85 = tpu.memref_slice %arg14[%dma_start3A_83, %dma_start3A_84] : memref<1280x64xf32, #tpu.memory_space<vmem>> -> memref<128x64xf32, #tpu.memory_space<vmem>>
      %dma_start3A_86 = arith.constant 640 : i32
      %dma_start3A_87 = tpu.memref_slice %arg13[%dma_start3A_86] : memref<1280xi32, #tpu.memory_space<vmem>> -> memref<128xi32, #tpu.memory_space<vmem>>
      %dma_start3A_88 = arith.constant 0 : i32
      %dma_start3A_89 = arith.constant 0 : i32
      %dma_start3A_90 = tpu.memref_slice %arg7[%dma_start3A_88, %dma_start3A_89] : memref<100000x64xf32, #tpu.memory_space<hbm>> -> memref<100000x64xf32, #tpu.memory_space<hbm>>
      tpu.enqueue_indirect_dma source(%dma_start3A_90 : memref<100000x64xf32, #tpu.memory_space<hbm>>) target(%dma_start3A_85 : memref<128x64xf32, #tpu.memory_space<vmem>>) offsets(%dma_start3A_87 : memref<128xi32, #tpu.memory_space<vmem>>) semaphore(%arg18 : memref<!tpu.dma_semaphore, #tpu.memory_space<semaphore_mem>>)
      %dma_start3A_91 = arith.constant 768 : i32
      %dma_start3A_92 = arith.constant 0 : i32
      %dma_start3A_93 = tpu.memref_slice %arg14[%dma_start3A_91, %dma_start3A_92] : memref<1280x64xf32, #tpu.memory_space<vmem>> -> memref<128x64xf32, #tpu.memory_space<vmem>>
      %dma_start3A_94 = arith.constant 768 : i32
      %dma_start3A_95 = tpu.memref_slice %arg13[%dma_start3A_94] : memref<1280xi32, #tpu.memory_space<vmem>> -> memref<128xi32, #tpu.memory_space<vmem>>
      %dma_start3A_96 = arith.constant 0 : i32
      %dma_start3A_97 = arith.constant 0 : i32
      %dma_start3A_98 = tpu.memref_slice %arg7[%dma_start3A_96, %dma_start3A_97] : memref<100000x64xf32, #tpu.memory_space<hbm>> -> memref<100000x64xf32, #tpu.memory_space<hbm>>
      tpu.enqueue_indirect_dma source(%dma_start3A_98 : memref<100000x64xf32, #tpu.memory_space<hbm>>) target(%dma_start3A_93 : memref<128x64xf32, #tpu.memory_space<vmem>>) offsets(%dma_start3A_95 : memref<128xi32, #tpu.memory_space<vmem>>) semaphore(%arg18 : memref<!tpu.dma_semaphore, #tpu.memory_space<semaphore_mem>>)
      %dma_start3A_99 = arith.constant 896 : i32
      %dma_start3A_100 = arith.constant 0 : i32
      %dma_start3A_101 = tpu.memref_slice %arg14[%dma_start3A_99, %dma_start3A_100] : memref<1280x64xf32, #tpu.memory_space<vmem>> -> memref<128x64xf32, #tpu.memory_space<vmem>>
      %dma_start3A_102 = arith.constant 896 : i32
      %dma_start3A_103 = tpu.memref_slice %arg13[%dma_start3A_102] : memref<1280xi32, #tpu.memory_space<vmem>> -> memref<128xi32, #tpu.memory_space<vmem>>
      %dma_start3A_104 = arith.constant 0 : i32
      %dma_start3A_105 = arith.constant 0 : i32
      %dma_start3A_106 = tpu.memref_slice %arg7[%dma_start3A_104, %dma_start3A_105] : memref<100000x64xf32, #tpu.memory_space<hbm>> -> memref<100000x64xf32, #tpu.memory_space<hbm>>
      tpu.enqueue_indirect_dma source(%dma_start3A_106 : memref<100000x64xf32, #tpu.memory_space<hbm>>) target(%dma_start3A_101 : memref<128x64xf32, #tpu.memory_space<vmem>>) offsets(%dma_start3A_103 : memref<128xi32, #tpu.memory_space<vmem>>) semaphore(%arg18 : memref<!tpu.dma_semaphore, #tpu.memory_space<semaphore_mem>>)
      %dma_start3A_107 = arith.constant 1024 : i32
      %dma_start3A_108 = arith.constant 0 : i32
      %dma_start3A_109 = tpu.memref_slice %arg14[%dma_start3A_107, %dma_start3A_108] : memref<1280x64xf32, #tpu.memory_space<vmem>> -> memref<128x64xf32, #tpu.memory_space<vmem>>
      %dma_start3A_110 = arith.constant 1024 : i32
      %dma_start3A_111 = tpu.memref_slice %arg13[%dma_start3A_110] : memref<1280xi32, #tpu.memory_space<vmem>> -> memref<128xi32, #tpu.memory_space<vmem>>
      %dma_start3A_112 = arith.constant 0 : i32
      %dma_start3A_113 = arith.constant 0 : i32
      %dma_start3A_114 = tpu.memref_slice %arg7[%dma_start3A_112, %dma_start3A_113] : memref<100000x64xf32, #tpu.memory_space<hbm>> -> memref<100000x64xf32, #tpu.memory_space<hbm>>
      tpu.enqueue_indirect_dma source(%dma_start3A_114 : memref<100000x64xf32, #tpu.memory_space<hbm>>) target(%dma_start3A_109 : memref<128x64xf32, #tpu.memory_space<vmem>>) offsets(%dma_start3A_111 : memref<128xi32, #tpu.memory_space<vmem>>) semaphore(%arg18 : memref<!tpu.dma_semaphore, #tpu.memory_space<semaphore_mem>>)
      %dma_start3A_115 = arith.constant 1152 : i32
      %dma_start3A_116 = arith.constant 0 : i32
      %dma_start3A_117 = tpu.memref_slice %arg14[%dma_start3A_115, %dma_start3A_116] : memref<1280x64xf32, #tpu.memory_space<vmem>> -> memref<128x64xf32, #tpu.memory_space<vmem>>
      %dma_start3A_118 = arith.constant 1152 : i32
      %dma_start3A_119 = tpu.memref_slice %arg13[%dma_start3A_118] : memref<1280xi32, #tpu.memory_space<vmem>> -> memref<128xi32, #tpu.memory_space<vmem>>
      %dma_start3A_120 = arith.constant 0 : i32
      %dma_start3A_121 = arith.constant 0 : i32
      %dma_start3A_122 = tpu.memref_slice %arg7[%dma_start3A_120, %dma_start3A_121] : memref<100000x64xf32, #tpu.memory_space<hbm>> -> memref<100000x64xf32, #tpu.memory_space<hbm>>
      tpu.enqueue_indirect_dma source(%dma_start3A_122 : memref<100000x64xf32, #tpu.memory_space<hbm>>) target(%dma_start3A_117 : memref<128x64xf32, #tpu.memory_space<vmem>>) offsets(%dma_start3A_119 : memref<128xi32, #tpu.memory_space<vmem>>) semaphore(%arg18 : memref<!tpu.dma_semaphore, #tpu.memory_space<semaphore_mem>>)
      %dma_wait3A_123 = arith.constant 0 : i32
      %dma_wait3A_124 = arith.constant 0 : i32
      %dma_wait3A_125 = tpu.memref_slice %arg14[%dma_wait3A_123, %dma_wait3A_124] : memref<1280x64xf32, #tpu.memory_space<vmem>> -> memref<128x64xf32, #tpu.memory_space<vmem>>
      %dma_wait3A_126 = arith.constant 0 : i32
      %dma_wait3A_127 = tpu.memref_slice %arg13[%dma_wait3A_126] : memref<1280xi32, #tpu.memory_space<vmem>> -> memref<128xi32, #tpu.memory_space<vmem>>
      %dma_wait3A_128 = arith.constant 0 : i32
      %dma_wait3A_129 = arith.constant 0 : i32
      %dma_wait3A_130 = tpu.memref_slice %arg7[%dma_wait3A_128, %dma_wait3A_129] : memref<100000x64xf32, #tpu.memory_space<hbm>> -> memref<100000x64xf32, #tpu.memory_space<hbm>>
      tpu.wait_indirect_dma semaphore(%arg18 : memref<!tpu.dma_semaphore, #tpu.memory_space<semaphore_mem>>) src(%dma_wait3A_130 : memref<100000x64xf32, #tpu.memory_space<hbm>>) dst(%dma_wait3A_125 : memref<128x64xf32, #tpu.memory_space<vmem>>)
      %dma_wait3A_131 = arith.constant 128 : i32
      %dma_wait3A_132 = arith.constant 0 : i32
      %dma_wait3A_133 = tpu.memref_slice %arg14[%dma_wait3A_131, %dma_wait3A_132] : memref<1280x64xf32, #tpu.memory_space<vmem>> -> memref<128x64xf32, #tpu.memory_space<vmem>>
      %dma_wait3A_134 = arith.constant 128 : i32
      %dma_wait3A_135 = tpu.memref_slice %arg13[%dma_wait3A_134] : memref<1280xi32, #tpu.memory_space<vmem>> -> memref<128xi32, #tpu.memory_space<vmem>>
      %dma_wait3A_136 = arith.constant 0 : i32
      %dma_wait3A_137 = arith.constant 0 : i32
      %dma_wait3A_138 = tpu.memref_slice %arg7[%dma_wait3A_136, %dma_wait3A_137] : memref<100000x64xf32, #tpu.memory_space<hbm>> -> memref<100000x64xf32, #tpu.memory_space<hbm>>
      tpu.wait_indirect_dma semaphore(%arg18 : memref<!tpu.dma_semaphore, #tpu.memory_space<semaphore_mem>>) src(%dma_wait3A_138 : memref<100000x64xf32, #tpu.memory_space<hbm>>) dst(%dma_wait3A_133 : memref<128x64xf32, #tpu.memory_space<vmem>>)
      %dma_wait3A_139 = arith.constant 256 : i32
      %dma_wait3A_140 = arith.constant 0 : i32
      %dma_wait3A_141 = tpu.memref_slice %arg14[%dma_wait3A_139, %dma_wait3A_140] : memref<1280x64xf32, #tpu.memory_space<vmem>> -> memref<128x64xf32, #tpu.memory_space<vmem>>
      %dma_wait3A_142 = arith.constant 256 : i32
      %dma_wait3A_143 = tpu.memref_slice %arg13[%dma_wait3A_142] : memref<1280xi32, #tpu.memory_space<vmem>> -> memref<128xi32, #tpu.memory_space<vmem>>
      %dma_wait3A_144 = arith.constant 0 : i32
      %dma_wait3A_145 = arith.constant 0 : i32
      %dma_wait3A_146 = tpu.memref_slice %arg7[%dma_wait3A_144, %dma_wait3A_145] : memref<100000x64xf32, #tpu.memory_space<hbm>> -> memref<100000x64xf32, #tpu.memory_space<hbm>>
      tpu.wait_indirect_dma semaphore(%arg18 : memref<!tpu.dma_semaphore, #tpu.memory_space<semaphore_mem>>) src(%dma_wait3A_146 : memref<100000x64xf32, #tpu.memory_space<hbm>>) dst(%dma_wait3A_141 : memref<128x64xf32, #tpu.memory_space<vmem>>)
      %dma_wait3A_147 = arith.constant 384 : i32
      %dma_wait3A_148 = arith.constant 0 : i32
      %dma_wait3A_149 = tpu.memref_slice %arg14[%dma_wait3A_147, %dma_wait3A_148] : memref<1280x64xf32, #tpu.memory_space<vmem>> -> memref<128x64xf32, #tpu.memory_space<vmem>>
      %dma_wait3A_150 = arith.constant 384 : i32
      %dma_wait3A_151 = tpu.memref_slice %arg13[%dma_wait3A_150] : memref<1280xi32, #tpu.memory_space<vmem>> -> memref<128xi32, #tpu.memory_space<vmem>>
      %dma_wait3A_152 = arith.constant 0 : i32
      %dma_wait3A_153 = arith.constant 0 : i32
      %dma_wait3A_154 = tpu.memref_slice %arg7[%dma_wait3A_152, %dma_wait3A_153] : memref<100000x64xf32, #tpu.memory_space<hbm>> -> memref<100000x64xf32, #tpu.memory_space<hbm>>
      tpu.wait_indirect_dma semaphore(%arg18 : memref<!tpu.dma_semaphore, #tpu.memory_space<semaphore_mem>>) src(%dma_wait3A_154 : memref<100000x64xf32, #tpu.memory_space<hbm>>) dst(%dma_wait3A_149 : memref<128x64xf32, #tpu.memory_space<vmem>>)
      %dma_wait3A_155 = arith.constant 512 : i32
      %dma_wait3A_156 = arith.constant 0 : i32
      %dma_wait3A_157 = tpu.memref_slice %arg14[%dma_wait3A_155, %dma_wait3A_156] : memref<1280x64xf32, #tpu.memory_space<vmem>> -> memref<128x64xf32, #tpu.memory_space<vmem>>
      %dma_wait3A_158 = arith.constant 512 : i32
      %dma_wait3A_159 = tpu.memref_slice %arg13[%dma_wait3A_158] : memref<1280xi32, #tpu.memory_space<vmem>> -> memref<128xi32, #tpu.memory_space<vmem>>
      %dma_wait3A_160 = arith.constant 0 : i32
      %dma_wait3A_161 = arith.constant 0 : i32
      %dma_wait3A_162 = tpu.memref_slice %arg7[%dma_wait3A_160, %dma_wait3A_161] : memref<100000x64xf32, #tpu.memory_space<hbm>> -> memref<100000x64xf32, #tpu.memory_space<hbm>>
      tpu.wait_indirect_dma semaphore(%arg18 : memref<!tpu.dma_semaphore, #tpu.memory_space<semaphore_mem>>) src(%dma_wait3A_162 : memref<100000x64xf32, #tpu.memory_space<hbm>>) dst(%dma_wait3A_157 : memref<128x64xf32, #tpu.memory_space<vmem>>)
      %dma_wait3A_163 = arith.constant 640 : i32
      %dma_wait3A_164 = arith.constant 0 : i32
      %dma_wait3A_165 = tpu.memref_slice %arg14[%dma_wait3A_163, %dma_wait3A_164] : memref<1280x64xf32, #tpu.memory_space<vmem>> -> memref<128x64xf32, #tpu.memory_space<vmem>>
      %dma_wait3A_166 = arith.constant 640 : i32
      %dma_wait3A_167 = tpu.memref_slice %arg13[%dma_wait3A_166] : memref<1280xi32, #tpu.memory_space<vmem>> -> memref<128xi32, #tpu.memory_space<vmem>>
      %dma_wait3A_168 = arith.constant 0 : i32
      %dma_wait3A_169 = arith.constant 0 : i32
      %dma_wait3A_170 = tpu.memref_slice %arg7[%dma_wait3A_168, %dma_wait3A_169] : memref<100000x64xf32, #tpu.memory_space<hbm>> -> memref<100000x64xf32, #tpu.memory_space<hbm>>
      tpu.wait_indirect_dma semaphore(%arg18 : memref<!tpu.dma_semaphore, #tpu.memory_space<semaphore_mem>>) src(%dma_wait3A_170 : memref<100000x64xf32, #tpu.memory_space<hbm>>) dst(%dma_wait3A_165 : memref<128x64xf32, #tpu.memory_space<vmem>>)
      %dma_wait3A_171 = arith.constant 768 : i32
      %dma_wait3A_172 = arith.constant 0 : i32
      %dma_wait3A_173 = tpu.memref_slice %arg14[%dma_wait3A_171, %dma_wait3A_172] : memref<1280x64xf32, #tpu.memory_space<vmem>> -> memref<128x64xf32, #tpu.memory_space<vmem>>
      %dma_wait3A_174 = arith.constant 768 : i32
      %dma_wait3A_175 = tpu.memref_slice %arg13[%dma_wait3A_174] : memref<1280xi32, #tpu.memory_space<vmem>> -> memref<128xi32, #tpu.memory_space<vmem>>
      %dma_wait3A_176 = arith.constant 0 : i32
      %dma_wait3A_177 = arith.constant 0 : i32
      %dma_wait3A_178 = tpu.memref_slice %arg7[%dma_wait3A_176, %dma_wait3A_177] : memref<100000x64xf32, #tpu.memory_space<hbm>> -> memref<100000x64xf32, #tpu.memory_space<hbm>>
      tpu.wait_indirect_dma semaphore(%arg18 : memref<!tpu.dma_semaphore, #tpu.memory_space<semaphore_mem>>) src(%dma_wait3A_178 : memref<100000x64xf32, #tpu.memory_space<hbm>>) dst(%dma_wait3A_173 : memref<128x64xf32, #tpu.memory_space<vmem>>)
      %dma_wait3A_179 = arith.constant 896 : i32
      %dma_wait3A_180 = arith.constant 0 : i32
      %dma_wait3A_181 = tpu.memref_slice %arg14[%dma_wait3A_179, %dma_wait3A_180] : memref<1280x64xf32, #tpu.memory_space<vmem>> -> memref<128x64xf32, #tpu.memory_space<vmem>>
      %dma_wait3A_182 = arith.constant 896 : i32
      %dma_wait3A_183 = tpu.memref_slice %arg13[%dma_wait3A_182] : memref<1280xi32, #tpu.memory_space<vmem>> -> memref<128xi32, #tpu.memory_space<vmem>>
      %dma_wait3A_184 = arith.constant 0 : i32
      %dma_wait3A_185 = arith.constant 0 : i32
      %dma_wait3A_186 = tpu.memref_slice %arg7[%dma_wait3A_184, %dma_wait3A_185] : memref<100000x64xf32, #tpu.memory_space<hbm>> -> memref<100000x64xf32, #tpu.memory_space<hbm>>
      tpu.wait_indirect_dma semaphore(%arg18 : memref<!tpu.dma_semaphore, #tpu.memory_space<semaphore_mem>>) src(%dma_wait3A_186 : memref<100000x64xf32, #tpu.memory_space<hbm>>) dst(%dma_wait3A_181 : memref<128x64xf32, #tpu.memory_space<vmem>>)
      %dma_wait3A_187 = arith.constant 1024 : i32
      %dma_wait3A_188 = arith.constant 0 : i32
      %dma_wait3A_189 = tpu.memref_slice %arg14[%dma_wait3A_187, %dma_wait3A_188] : memref<1280x64xf32, #tpu.memory_space<vmem>> -> memref<128x64xf32, #tpu.memory_space<vmem>>
      %dma_wait3A_190 = arith.constant 1024 : i32
      %dma_wait3A_191 = tpu.memref_slice %arg13[%dma_wait3A_190] : memref<1280xi32, #tpu.memory_space<vmem>> -> memref<128xi32, #tpu.memory_space<vmem>>
      %dma_wait3A_192 = arith.constant 0 : i32
      %dma_wait3A_193 = arith.constant 0 : i32
      %dma_wait3A_194 = tpu.memref_slice %arg7[%dma_wait3A_192, %dma_wait3A_193] : memref<100000x64xf32, #tpu.memory_space<hbm>> -> memref<100000x64xf32, #tpu.memory_space<hbm>>
      tpu.wait_indirect_dma semaphore(%arg18 : memref<!tpu.dma_semaphore, #tpu.memory_space<semaphore_mem>>) src(%dma_wait3A_194 : memref<100000x64xf32, #tpu.memory_space<hbm>>) dst(%dma_wait3A_189 : memref<128x64xf32, #tpu.memory_space<vmem>>)
      %dma_wait3A_195 = arith.constant 1152 : i32
      %dma_wait3A_196 = arith.constant 0 : i32
      %dma_wait3A_197 = tpu.memref_slice %arg14[%dma_wait3A_195, %dma_wait3A_196] : memref<1280x64xf32, #tpu.memory_space<vmem>> -> memref<128x64xf32, #tpu.memory_space<vmem>>
      %dma_wait3A_198 = arith.constant 1152 : i32
      %dma_wait3A_199 = tpu.memref_slice %arg13[%dma_wait3A_198] : memref<1280xi32, #tpu.memory_space<vmem>> -> memref<128xi32, #tpu.memory_space<vmem>>
      %dma_wait3A_200 = arith.constant 0 : i32
      %dma_wait3A_201 = arith.constant 0 : i32
      %dma_wait3A_202 = tpu.memref_slice %arg7[%dma_wait3A_200, %dma_wait3A_201] : memref<100000x64xf32, #tpu.memory_space<hbm>> -> memref<100000x64xf32, #tpu.memory_space<hbm>>
      tpu.wait_indirect_dma semaphore(%arg18 : memref<!tpu.dma_semaphore, #tpu.memory_space<semaphore_mem>>) src(%dma_wait3A_202 : memref<100000x64xf32, #tpu.memory_space<hbm>>) dst(%dma_wait3A_197 : memref<128x64xf32, #tpu.memory_space<vmem>>)
      %scan3A_203 = arith.constant 0 : i32
      %scan3A_204 = arith.constant 0 : i32
      %scan3A_205 = arith.constant 64 : i32
      %scan3A_206 = arith.addi %scan3A_204, %scan3A_205 : i32
      %scan3A_207 = arith.constant 1 : i32
      scf.for %scan3A_209 = %scan3A_204 to %scan3A_206 step %scan3A_207  : i32 {
        %mul3A_210 = arith.constant 20 : i32
        %mul3A_211 = arith.muli %scan3A_209, %mul3A_210 : i32
        %get3A = arith.index_cast %mul3A_211 : i32 to index
        %get3A_212 = arith.constant 0 : index
        %get3A_213 = tpu.vector_load %arg14[%get3A, %get3A_212] {strides = array<i32>} : memref<1280x64xf32, #tpu.memory_space<vmem>>, vector<16xf32>,
        %get3A_214 = arith.index_cast %mul3A_211 : i32 to index
        %get3A_215 = arith.constant 16 : index
        %get3A_216 = tpu.vector_load %arg14[%get3A_214, %get3A_215] {strides = array<i32>} : memref<1280x64xf32, #tpu.memory_space<vmem>>, vector<16xf32>,
        %get3A_217 = arith.index_cast %mul3A_211 : i32 to index
        %get3A_218 = arith.constant 32 : index
        %get3A_219 = tpu.vector_load %arg14[%get3A_217, %get3A_218] {strides = array<i32>} : memref<1280x64xf32, #tpu.memory_space<vmem>>, vector<16xf32>,
        %get3A_220 = arith.index_cast %mul3A_211 : i32 to index
        %get3A_221 = arith.constant 48 : index
        %get3A_222 = tpu.vector_load %arg14[%get3A_220, %get3A_221] {strides = array<i32>} : memref<1280x64xf32, #tpu.memory_space<vmem>>, vector<16xf32>,
        %add3A_223 = arith.constant 1 : i32
        %add3A_224 = arith.addi %mul3A_211, %add3A_223 : i32
        %get3A_225 = arith.index_cast %add3A_224 : i32 to index
        %get3A_226 = arith.constant 0 : index
        %get3A_227 = tpu.vector_load %arg14[%get3A_225, %get3A_226] {strides = array<i32>} : memref<1280x64xf32, #tpu.memory_space<vmem>>, vector<16xf32>,
        %add3A_228 = arith.addf %get3A_213, %get3A_227 : vector<16xf32>
        %add3A_229 = arith.constant 1 : i32
        %add3A_230 = arith.addi %mul3A_211, %add3A_229 : i32
        %get3A_231 = arith.index_cast %add3A_230 : i32 to index
        %get3A_232 = arith.constant 16 : index
        %get3A_233 = tpu.vector_load %arg14[%get3A_231, %get3A_232] {strides = array<i32>} : memref<1280x64xf32, #tpu.memory_space<vmem>>, vector<16xf32>,
        %add3A_234 = arith.addf %get3A_216, %get3A_233 : vector<16xf32>
        %add3A_235 = arith.constant 1 : i32
        %add3A_236 = arith.addi %mul3A_211, %add3A_235 : i32
        %get3A_237 = arith.index_cast %add3A_236 : i32 to index
        %get3A_238 = arith.constant 32 : index
        %get3A_239 = tpu.vector_load %arg14[%get3A_237, %get3A_238] {strides = array<i32>} : memref<1280x64xf32, #tpu.memory_space<vmem>>, vector<16xf32>,
        %add3A_240 = arith.addf %get3A_219, %get3A_239 : vector<16xf32>
        %add3A_241 = arith.constant 1 : i32
        %add3A_242 = arith.addi %mul3A_211, %add3A_241 : i32
        %get3A_243 = arith.index_cast %add3A_242 : i32 to index
        %get3A_244 = arith.constant 48 : index
        %get3A_245 = tpu.vector_load %arg14[%get3A_243, %get3A_244] {strides = array<i32>} : memref<1280x64xf32, #tpu.memory_space<vmem>>, vector<16xf32>,
        %add3A_246 = arith.addf %get3A_222, %get3A_245 : vector<16xf32>
        %add3A_247 = arith.constant 2 : i32
        %add3A_248 = arith.addi %mul3A_211, %add3A_247 : i32
        %get3A_249 = arith.index_cast %add3A_248 : i32 to index
        %get3A_250 = arith.constant 0 : index
        %get3A_251 = tpu.vector_load %arg14[%get3A_249, %get3A_250] {strides = array<i32>} : memref<1280x64xf32, #tpu.memory_space<vmem>>, vector<16xf32>,
        %add3A_252 = arith.addf %add3A_228, %get3A_251 : vector<16xf32>
        %add3A_253 = arith.constant 2 : i32
        %add3A_254 = arith.addi %mul3A_211, %add3A_253 : i32
        %get3A_255 = arith.index_cast %add3A_254 : i32 to index
        %get3A_256 = arith.constant 16 : index
        %get3A_257 = tpu.vector_load %arg14[%get3A_255, %get3A_256] {strides = array<i32>} : memref<1280x64xf32, #tpu.memory_space<vmem>>, vector<16xf32>,
        %add3A_258 = arith.addf %add3A_234, %get3A_257 : vector<16xf32>
        %add3A_259 = arith.constant 2 : i32
        %add3A_260 = arith.addi %mul3A_211, %add3A_259 : i32
        %get3A_261 = arith.index_cast %add3A_260 : i32 to index
        %get3A_262 = arith.constant 32 : index
        %get3A_263 = tpu.vector_load %arg14[%get3A_261, %get3A_262] {strides = array<i32>} : memref<1280x64xf32, #tpu.memory_space<vmem>>, vector<16xf32>,
        %add3A_264 = arith.addf %add3A_240, %get3A_263 : vector<16xf32>
        %add3A_265 = arith.constant 2 : i32
        %add3A_266 = arith.addi %mul3A_211, %add3A_265 : i32
        %get3A_267 = arith.index_cast %add3A_266 : i32 to index
        %get3A_268 = arith.constant 48 : index
        %get3A_269 = tpu.vector_load %arg14[%get3A_267, %get3A_268] {strides = array<i32>} : memref<1280x64xf32, #tpu.memory_space<vmem>>, vector<16xf32>,
        %add3A_270 = arith.addf %add3A_246, %get3A_269 : vector<16xf32>
        %add3A_271 = arith.constant 3 : i32
        %add3A_272 = arith.addi %mul3A_211, %add3A_271 : i32
        %get3A_273 = arith.index_cast %add3A_272 : i32 to index
        %get3A_274 = arith.constant 0 : index
        %get3A_275 = tpu.vector_load %arg14[%get3A_273, %get3A_274] {strides = array<i32>} : memref<1280x64xf32, #tpu.memory_space<vmem>>, vector<16xf32>,
        %add3A_276 = arith.addf %add3A_252, %get3A_275 : vector<16xf32>
        %add3A_277 = arith.constant 3 : i32
        %add3A_278 = arith.addi %mul3A_211, %add3A_277 : i32
        %get3A_279 = arith.index_cast %add3A_278 : i32 to index
        %get3A_280 = arith.constant 16 : index
        %get3A_281 = tpu.vector_load %arg14[%get3A_279, %get3A_280] {strides = array<i32>} : memref<1280x64xf32, #tpu.memory_space<vmem>>, vector<16xf32>,
        %add3A_282 = arith.addf %add3A_258, %get3A_281 : vector<16xf32>
        %add3A_283 = arith.constant 3 : i32
        %add3A_284 = arith.addi %mul3A_211, %add3A_283 : i32
        %get3A_285 = arith.index_cast %add3A_284 : i32 to index
        %get3A_286 = arith.constant 32 : index
        %get3A_287 = tpu.vector_load %arg14[%get3A_285, %get3A_286] {strides = array<i32>} : memref<1280x64xf32, #tpu.memory_space<vmem>>, vector<16xf32>,
        %add3A_288 = arith.addf %add3A_264, %get3A_287 : vector<16xf32>
        %add3A_289 = arith.constant 3 : i32
        %add3A_290 = arith.addi %mul3A_211, %add3A_289 : i32
        %get3A_291 = arith.index_cast %add3A_290 : i32 to index
        %get3A_292 = arith.constant 48 : index
        %get3A_293 = tpu.vector_load %arg14[%get3A_291, %get3A_292] {strides = array<i32>} : memref<1280x64xf32, #tpu.memory_space<vmem>>, vector<16xf32>,
        %add3A_294 = arith.addf %add3A_270, %get3A_293 : vector<16xf32>
        %add3A_295 = arith.constant 4 : i32
        %add3A_296 = arith.addi %mul3A_211, %add3A_295 : i32
        %get3A_297 = arith.index_cast %add3A_296 : i32 to index
        %get3A_298 = arith.constant 0 : index
        %get3A_299 = tpu.vector_load %arg14[%get3A_297, %get3A_298] {strides = array<i32>} : memref<1280x64xf32, #tpu.memory_space<vmem>>, vector<16xf32>,
        %add3A_300 = arith.addf %add3A_276, %get3A_299 : vector<16xf32>
        %add3A_301 = arith.constant 4 : i32
        %add3A_302 = arith.addi %mul3A_211, %add3A_301 : i32
        %get3A_303 = arith.index_cast %add3A_302 : i32 to index
        %get3A_304 = arith.constant 16 : index
        %get3A_305 = tpu.vector_load %arg14[%get3A_303, %get3A_304] {strides = array<i32>} : memref<1280x64xf32, #tpu.memory_space<vmem>>, vector<16xf32>,
        %add3A_306 = arith.addf %add3A_282, %get3A_305 : vector<16xf32>
        %add3A_307 = arith.constant 4 : i32
        %add3A_308 = arith.addi %mul3A_211, %add3A_307 : i32
        %get3A_309 = arith.index_cast %add3A_308 : i32 to index
        %get3A_310 = arith.constant 32 : index
        %get3A_311 = tpu.vector_load %arg14[%get3A_309, %get3A_310] {strides = array<i32>} : memref<1280x64xf32, #tpu.memory_space<vmem>>, vector<16xf32>,
        %add3A_312 = arith.addf %add3A_288, %get3A_311 : vector<16xf32>
        %add3A_313 = arith.constant 4 : i32
        %add3A_314 = arith.addi %mul3A_211, %add3A_313 : i32
        %get3A_315 = arith.index_cast %add3A_314 : i32 to index
        %get3A_316 = arith.constant 48 : index
        %get3A_317 = tpu.vector_load %arg14[%get3A_315, %get3A_316] {strides = array<i32>} : memref<1280x64xf32, #tpu.memory_space<vmem>>, vector<16xf32>,
        %add3A_318 = arith.addf %add3A_294, %get3A_317 : vector<16xf32>
        %add3A_319 = arith.constant 5 : i32
        %add3A_320 = arith.addi %mul3A_211, %add3A_319 : i32
        %get3A_321 = arith.index_cast %add3A_320 : i32 to index
        %get3A_322 = arith.constant 0 : index
        %get3A_323 = tpu.vector_load %arg14[%get3A_321, %get3A_322] {strides = array<i32>} : memref<1280x64xf32, #tpu.memory_space<vmem>>, vector<16xf32>,
        %add3A_324 = arith.addf %add3A_300, %get3A_323 : vector<16xf32>
        %add3A_325 = arith.constant 5 : i32
        %add3A_326 = arith.addi %mul3A_211, %add3A_325 : i32
        %get3A_327 = arith.index_cast %add3A_326 : i32 to index
        %get3A_328 = arith.constant 16 : index
        %get3A_329 = tpu.vector_load %arg14[%get3A_327, %get3A_328] {strides = array<i32>} : memref<1280x64xf32, #tpu.memory_space<vmem>>, vector<16xf32>,
        %add3A_330 = arith.addf %add3A_306, %get3A_329 : vector<16xf32>
        %add3A_331 = arith.constant 5 : i32
        %add3A_332 = arith.addi %mul3A_211, %add3A_331 : i32
        %get3A_333 = arith.index_cast %add3A_332 : i32 to index
        %get3A_334 = arith.constant 32 : index
        %get3A_335 = tpu.vector_load %arg14[%get3A_333, %get3A_334] {strides = array<i32>} : memref<1280x64xf32, #tpu.memory_space<vmem>>, vector<16xf32>,
        %add3A_336 = arith.addf %add3A_312, %get3A_335 : vector<16xf32>
        %add3A_337 = arith.constant 5 : i32
        %add3A_338 = arith.addi %mul3A_211, %add3A_337 : i32
        %get3A_339 = arith.index_cast %add3A_338 : i32 to index
        %get3A_340 = arith.constant 48 : index
        %get3A_341 = tpu.vector_load %arg14[%get3A_339, %get3A_340] {strides = array<i32>} : memref<1280x64xf32, #tpu.memory_space<vmem>>, vector<16xf32>,
        %add3A_342 = arith.addf %add3A_318, %get3A_341 : vector<16xf32>
        %add3A_343 = arith.constant 6 : i32
        %add3A_344 = arith.addi %mul3A_211, %add3A_343 : i32
        %get3A_345 = arith.index_cast %add3A_344 : i32 to index
        %get3A_346 = arith.constant 0 : index
        %get3A_347 = tpu.vector_load %arg14[%get3A_345, %get3A_346] {strides = array<i32>} : memref<1280x64xf32, #tpu.memory_space<vmem>>, vector<16xf32>,
        %add3A_348 = arith.addf %add3A_324, %get3A_347 : vector<16xf32>
        %add3A_349 = arith.constant 6 : i32
        %add3A_350 = arith.addi %mul3A_211, %add3A_349 : i32
        %get3A_351 = arith.index_cast %add3A_350 : i32 to index
        %get3A_352 = arith.constant 16 : index
        %get3A_353 = tpu.vector_load %arg14[%get3A_351, %get3A_352] {strides = array<i32>} : memref<1280x64xf32, #tpu.memory_space<vmem>>, vector<16xf32>,
        %add3A_354 = arith.addf %add3A_330, %get3A_353 : vector<16xf32>
        %add3A_355 = arith.constant 6 : i32
        %add3A_356 = arith.addi %mul3A_211, %add3A_355 : i32
        %get3A_357 = arith.index_cast %add3A_356 : i32 to index
        %get3A_358 = arith.constant 32 : index
        %get3A_359 = tpu.vector_load %arg14[%get3A_357, %get3A_358] {strides = array<i32>} : memref<1280x64xf32, #tpu.memory_space<vmem>>, vector<16xf32>,
        %add3A_360 = arith.addf %add3A_336, %get3A_359 : vector<16xf32>
        %add3A_361 = arith.constant 6 : i32
        %add3A_362 = arith.addi %mul3A_211, %add3A_361 : i32
        %get3A_363 = arith.index_cast %add3A_362 : i32 to index
        %get3A_364 = arith.constant 48 : index
        %get3A_365 = tpu.vector_load %arg14[%get3A_363, %get3A_364] {strides = array<i32>} : memref<1280x64xf32, #tpu.memory_space<vmem>>, vector<16xf32>,
        %add3A_366 = arith.addf %add3A_342, %get3A_365 : vector<16xf32>
        %add3A_367 = arith.constant 7 : i32
        %add3A_368 = arith.addi %mul3A_211, %add3A_367 : i32
        %get3A_369 = arith.index_cast %add3A_368 : i32 to index
        %get3A_370 = arith.constant 0 : index
        %get3A_371 = tpu.vector_load %arg14[%get3A_369, %get3A_370] {strides = array<i32>} : memref<1280x64xf32, #tpu.memory_space<vmem>>, vector<16xf32>,
        %add3A_372 = arith.addf %add3A_348, %get3A_371 : vector<16xf32>
        %add3A_373 = arith.constant 7 : i32
        %add3A_374 = arith.addi %mul3A_211, %add3A_373 : i32
        %get3A_375 = arith.index_cast %add3A_374 : i32 to index
        %get3A_376 = arith.constant 16 : index
        %get3A_377 = tpu.vector_load %arg14[%get3A_375, %get3A_376] {strides = array<i32>} : memref<1280x64xf32, #tpu.memory_space<vmem>>, vector<16xf32>,
        %add3A_378 = arith.addf %add3A_354, %get3A_377 : vector<16xf32>
        %add3A_379 = arith.constant 7 : i32
        %add3A_380 = arith.addi %mul3A_211, %add3A_379 : i32
        %get3A_381 = arith.index_cast %add3A_380 : i32 to index
        %get3A_382 = arith.constant 32 : index
        %get3A_383 = tpu.vector_load %arg14[%get3A_381, %get3A_382] {strides = array<i32>} : memref<1280x64xf32, #tpu.memory_space<vmem>>, vector<16xf32>,
        %add3A_384 = arith.addf %add3A_360, %get3A_383 : vector<16xf32>
        %add3A_385 = arith.constant 7 : i32
        %add3A_386 = arith.addi %mul3A_211, %add3A_385 : i32
        %get3A_387 = arith.index_cast %add3A_386 : i32 to index
        %get3A_388 = arith.constant 48 : index
        %get3A_389 = tpu.vector_load %arg14[%get3A_387, %get3A_388] {strides = array<i32>} : memref<1280x64xf32, #tpu.memory_space<vmem>>, vector<16xf32>,
        %add3A_390 = arith.addf %add3A_366, %get3A_389 : vector<16xf32>
        %add3A_391 = arith.constant 8 : i32
        %add3A_392 = arith.addi %mul3A_211, %add3A_391 : i32
        %get3A_393 = arith.index_cast %add3A_392 : i32 to index
        %get3A_394 = arith.constant 0 : index
        %get3A_395 = tpu.vector_load %arg14[%get3A_393, %get3A_394] {strides = array<i32>} : memref<1280x64xf32, #tpu.memory_space<vmem>>, vector<16xf32>,
        %add3A_396 = arith.addf %add3A_372, %get3A_395 : vector<16xf32>
        %add3A_397 = arith.constant 8 : i32
        %add3A_398 = arith.addi %mul3A_211, %add3A_397 : i32
        %get3A_399 = arith.index_cast %add3A_398 : i32 to index
        %get3A_400 = arith.constant 16 : index
        %get3A_401 = tpu.vector_load %arg14[%get3A_399, %get3A_400] {strides = array<i32>} : memref<1280x64xf32, #tpu.memory_space<vmem>>, vector<16xf32>,
        %add3A_402 = arith.addf %add3A_378, %get3A_401 : vector<16xf32>
        %add3A_403 = arith.constant 8 : i32
        %add3A_404 = arith.addi %mul3A_211, %add3A_403 : i32
        %get3A_405 = arith.index_cast %add3A_404 : i32 to index
        %get3A_406 = arith.constant 32 : index
        %get3A_407 = tpu.vector_load %arg14[%get3A_405, %get3A_406] {strides = array<i32>} : memref<1280x64xf32, #tpu.memory_space<vmem>>, vector<16xf32>,
        %add3A_408 = arith.addf %add3A_384, %get3A_407 : vector<16xf32>
        %add3A_409 = arith.constant 8 : i32
        %add3A_410 = arith.addi %mul3A_211, %add3A_409 : i32
        %get3A_411 = arith.index_cast %add3A_410 : i32 to index
        %get3A_412 = arith.constant 48 : index
        %get3A_413 = tpu.vector_load %arg14[%get3A_411, %get3A_412] {strides = array<i32>} : memref<1280x64xf32, #tpu.memory_space<vmem>>, vector<16xf32>,
        %add3A_414 = arith.addf %add3A_390, %get3A_413 : vector<16xf32>
        %add3A_415 = arith.constant 9 : i32
        %add3A_416 = arith.addi %mul3A_211, %add3A_415 : i32
        %get3A_417 = arith.index_cast %add3A_416 : i32 to index
        %get3A_418 = arith.constant 0 : index
        %get3A_419 = tpu.vector_load %arg14[%get3A_417, %get3A_418] {strides = array<i32>} : memref<1280x64xf32, #tpu.memory_space<vmem>>, vector<16xf32>,
        %add3A_420 = arith.addf %add3A_396, %get3A_419 : vector<16xf32>
        %add3A_421 = arith.constant 9 : i32
        %add3A_422 = arith.addi %mul3A_211, %add3A_421 : i32
        %get3A_423 = arith.index_cast %add3A_422 : i32 to index
        %get3A_424 = arith.constant 16 : index
        %get3A_425 = tpu.vector_load %arg14[%get3A_423, %get3A_424] {strides = array<i32>} : memref<1280x64xf32, #tpu.memory_space<vmem>>, vector<16xf32>,
        %add3A_426 = arith.addf %add3A_402, %get3A_425 : vector<16xf32>
        %add3A_427 = arith.constant 9 : i32
        %add3A_428 = arith.addi %mul3A_211, %add3A_427 : i32
        %get3A_429 = arith.index_cast %add3A_428 : i32 to index
        %get3A_430 = arith.constant 32 : index
        %get3A_431 = tpu.vector_load %arg14[%get3A_429, %get3A_430] {strides = array<i32>} : memref<1280x64xf32, #tpu.memory_space<vmem>>, vector<16xf32>,
        %add3A_432 = arith.addf %add3A_408, %get3A_431 : vector<16xf32>
        %add3A_433 = arith.constant 9 : i32
        %add3A_434 = arith.addi %mul3A_211, %add3A_433 : i32
        %get3A_435 = arith.index_cast %add3A_434 : i32 to index
        %get3A_436 = arith.constant 48 : index
        %get3A_437 = tpu.vector_load %arg14[%get3A_435, %get3A_436] {strides = array<i32>} : memref<1280x64xf32, #tpu.memory_space<vmem>>, vector<16xf32>,
        %add3A_438 = arith.addf %add3A_414, %get3A_437 : vector<16xf32>
        %add3A_439 = arith.constant 10 : i32
        %add3A_440 = arith.addi %mul3A_211, %add3A_439 : i32
        %get3A_441 = arith.index_cast %add3A_440 : i32 to index
        %get3A_442 = arith.constant 0 : index
        %get3A_443 = tpu.vector_load %arg14[%get3A_441, %get3A_442] {strides = array<i32>} : memref<1280x64xf32, #tpu.memory_space<vmem>>, vector<16xf32>,
        %add3A_444 = arith.addf %add3A_420, %get3A_443 : vector<16xf32>
        %add3A_445 = arith.constant 10 : i32
        %add3A_446 = arith.addi %mul3A_211, %add3A_445 : i32
        %get3A_447 = arith.index_cast %add3A_446 : i32 to index
        %get3A_448 = arith.constant 16 : index
        %get3A_449 = tpu.vector_load %arg14[%get3A_447, %get3A_448] {strides = array<i32>} : memref<1280x64xf32, #tpu.memory_space<vmem>>, vector<16xf32>,
        %add3A_450 = arith.addf %add3A_426, %get3A_449 : vector<16xf32>
        %add3A_451 = arith.constant 10 : i32
        %add3A_452 = arith.addi %mul3A_211, %add3A_451 : i32
        %get3A_453 = arith.index_cast %add3A_452 : i32 to index
        %get3A_454 = arith.constant 32 : index
        %get3A_455 = tpu.vector_load %arg14[%get3A_453, %get3A_454] {strides = array<i32>} : memref<1280x64xf32, #tpu.memory_space<vmem>>, vector<16xf32>,
        %add3A_456 = arith.addf %add3A_432, %get3A_455 : vector<16xf32>
        %add3A_457 = arith.constant 10 : i32
        %add3A_458 = arith.addi %mul3A_211, %add3A_457 : i32
        %get3A_459 = arith.index_cast %add3A_458 : i32 to index
        %get3A_460 = arith.constant 48 : index
        %get3A_461 = tpu.vector_load %arg14[%get3A_459, %get3A_460] {strides = array<i32>} : memref<1280x64xf32, #tpu.memory_space<vmem>>, vector<16xf32>,
        %add3A_462 = arith.addf %add3A_438, %get3A_461 : vector<16xf32>
        %add3A_463 = arith.constant 11 : i32
        %add3A_464 = arith.addi %mul3A_211, %add3A_463 : i32
        %get3A_465 = arith.index_cast %add3A_464 : i32 to index
        %get3A_466 = arith.constant 0 : index
        %get3A_467 = tpu.vector_load %arg14[%get3A_465, %get3A_466] {strides = array<i32>} : memref<1280x64xf32, #tpu.memory_space<vmem>>, vector<16xf32>,
        %add3A_468 = arith.addf %add3A_444, %get3A_467 : vector<16xf32>
        %add3A_469 = arith.constant 11 : i32
        %add3A_470 = arith.addi %mul3A_211, %add3A_469 : i32
        %get3A_471 = arith.index_cast %add3A_470 : i32 to index
        %get3A_472 = arith.constant 16 : index
        %get3A_473 = tpu.vector_load %arg14[%get3A_471, %get3A_472] {strides = array<i32>} : memref<1280x64xf32, #tpu.memory_space<vmem>>, vector<16xf32>,
        %add3A_474 = arith.addf %add3A_450, %get3A_473 : vector<16xf32>
        %add3A_475 = arith.constant 11 : i32
        %add3A_476 = arith.addi %mul3A_211, %add3A_475 : i32
        %get3A_477 = arith.index_cast %add3A_476 : i32 to index
        %get3A_478 = arith.constant 32 : index
        %get3A_479 = tpu.vector_load %arg14[%get3A_477, %get3A_478] {strides = array<i32>} : memref<1280x64xf32, #tpu.memory_space<vmem>>, vector<16xf32>,
        %add3A_480 = arith.addf %add3A_456, %get3A_479 : vector<16xf32>
        %add3A_481 = arith.constant 11 : i32
        %add3A_482 = arith.addi %mul3A_211, %add3A_481 : i32
        %get3A_483 = arith.index_cast %add3A_482 : i32 to index
        %get3A_484 = arith.constant 48 : index
        %get3A_485 = tpu.vector_load %arg14[%get3A_483, %get3A_484] {strides = array<i32>} : memref<1280x64xf32, #tpu.memory_space<vmem>>, vector<16xf32>,
        %add3A_486 = arith.addf %add3A_462, %get3A_485 : vector<16xf32>
        %add3A_487 = arith.constant 12 : i32
        %add3A_488 = arith.addi %mul3A_211, %add3A_487 : i32
        %get3A_489 = arith.index_cast %add3A_488 : i32 to index
        %get3A_490 = arith.constant 0 : index
        %get3A_491 = tpu.vector_load %arg14[%get3A_489, %get3A_490] {strides = array<i32>} : memref<1280x64xf32, #tpu.memory_space<vmem>>, vector<16xf32>,
        %add3A_492 = arith.addf %add3A_468, %get3A_491 : vector<16xf32>
        %add3A_493 = arith.constant 12 : i32
        %add3A_494 = arith.addi %mul3A_211, %add3A_493 : i32
        %get3A_495 = arith.index_cast %add3A_494 : i32 to index
        %get3A_496 = arith.constant 16 : index
        %get3A_497 = tpu.vector_load %arg14[%get3A_495, %get3A_496] {strides = array<i32>} : memref<1280x64xf32, #tpu.memory_space<vmem>>, vector<16xf32>,
        %add3A_498 = arith.addf %add3A_474, %get3A_497 : vector<16xf32>
        %add3A_499 = arith.constant 12 : i32
        %add3A_500 = arith.addi %mul3A_211, %add3A_499 : i32
        %get3A_501 = arith.index_cast %add3A_500 : i32 to index
        %get3A_502 = arith.constant 32 : index
        %get3A_503 = tpu.vector_load %arg14[%get3A_501, %get3A_502] {strides = array<i32>} : memref<1280x64xf32, #tpu.memory_space<vmem>>, vector<16xf32>,
        %add3A_504 = arith.addf %add3A_480, %get3A_503 : vector<16xf32>
        %add3A_505 = arith.constant 12 : i32
        %add3A_506 = arith.addi %mul3A_211, %add3A_505 : i32
        %get3A_507 = arith.index_cast %add3A_506 : i32 to index
        %get3A_508 = arith.constant 48 : index
        %get3A_509 = tpu.vector_load %arg14[%get3A_507, %get3A_508] {strides = array<i32>} : memref<1280x64xf32, #tpu.memory_space<vmem>>, vector<16xf32>,
        %add3A_510 = arith.addf %add3A_486, %get3A_509 : vector<16xf32>
        %add3A_511 = arith.constant 13 : i32
        %add3A_512 = arith.addi %mul3A_211, %add3A_511 : i32
        %get3A_513 = arith.index_cast %add3A_512 : i32 to index
        %get3A_514 = arith.constant 0 : index
        %get3A_515 = tpu.vector_load %arg14[%get3A_513, %get3A_514] {strides = array<i32>} : memref<1280x64xf32, #tpu.memory_space<vmem>>, vector<16xf32>,
        %add3A_516 = arith.addf %add3A_492, %get3A_515 : vector<16xf32>
        %add3A_517 = arith.constant 13 : i32
        %add3A_518 = arith.addi %mul3A_211, %add3A_517 : i32
        %get3A_519 = arith.index_cast %add3A_518 : i32 to index
        %get3A_520 = arith.constant 16 : index
        %get3A_521 = tpu.vector_load %arg14[%get3A_519, %get3A_520] {strides = array<i32>} : memref<1280x64xf32, #tpu.memory_space<vmem>>, vector<16xf32>,
        %add3A_522 = arith.addf %add3A_498, %get3A_521 : vector<16xf32>
        %add3A_523 = arith.constant 13 : i32
        %add3A_524 = arith.addi %mul3A_211, %add3A_523 : i32
        %get3A_525 = arith.index_cast %add3A_524 : i32 to index
        %get3A_526 = arith.constant 32 : index
        %get3A_527 = tpu.vector_load %arg14[%get3A_525, %get3A_526] {strides = array<i32>} : memref<1280x64xf32, #tpu.memory_space<vmem>>, vector<16xf32>,
        %add3A_528 = arith.addf %add3A_504, %get3A_527 : vector<16xf32>
        %add3A_529 = arith.constant 13 : i32
        %add3A_530 = arith.addi %mul3A_211, %add3A_529 : i32
        %get3A_531 = arith.index_cast %add3A_530 : i32 to index
        %get3A_532 = arith.constant 48 : index
        %get3A_533 = tpu.vector_load %arg14[%get3A_531, %get3A_532] {strides = array<i32>} : memref<1280x64xf32, #tpu.memory_space<vmem>>, vector<16xf32>,
        %add3A_534 = arith.addf %add3A_510, %get3A_533 : vector<16xf32>
        %add3A_535 = arith.constant 14 : i32
        %add3A_536 = arith.addi %mul3A_211, %add3A_535 : i32
        %get3A_537 = arith.index_cast %add3A_536 : i32 to index
        %get3A_538 = arith.constant 0 : index
        %get3A_539 = tpu.vector_load %arg14[%get3A_537, %get3A_538] {strides = array<i32>} : memref<1280x64xf32, #tpu.memory_space<vmem>>, vector<16xf32>,
        %add3A_540 = arith.addf %add3A_516, %get3A_539 : vector<16xf32>
        %add3A_541 = arith.constant 14 : i32
        %add3A_542 = arith.addi %mul3A_211, %add3A_541 : i32
        %get3A_543 = arith.index_cast %add3A_542 : i32 to index
        %get3A_544 = arith.constant 16 : index
        %get3A_545 = tpu.vector_load %arg14[%get3A_543, %get3A_544] {strides = array<i32>} : memref<1280x64xf32, #tpu.memory_space<vmem>>, vector<16xf32>,
        %add3A_546 = arith.addf %add3A_522, %get3A_545 : vector<16xf32>
        %add3A_547 = arith.constant 14 : i32
        %add3A_548 = arith.addi %mul3A_211, %add3A_547 : i32
        %get3A_549 = arith.index_cast %add3A_548 : i32 to index
        %get3A_550 = arith.constant 32 : index
        %get3A_551 = tpu.vector_load %arg14[%get3A_549, %get3A_550] {strides = array<i32>} : memref<1280x64xf32, #tpu.memory_space<vmem>>, vector<16xf32>,
        %add3A_552 = arith.addf %add3A_528, %get3A_551 : vector<16xf32>
        %add3A_553 = arith.constant 14 : i32
        %add3A_554 = arith.addi %mul3A_211, %add3A_553 : i32
        %get3A_555 = arith.index_cast %add3A_554 : i32 to index
        %get3A_556 = arith.constant 48 : index
        %get3A_557 = tpu.vector_load %arg14[%get3A_555, %get3A_556] {strides = array<i32>} : memref<1280x64xf32, #tpu.memory_space<vmem>>, vector<16xf32>,
        %add3A_558 = arith.addf %add3A_534, %get3A_557 : vector<16xf32>
        %add3A_559 = arith.constant 15 : i32
        %add3A_560 = arith.addi %mul3A_211, %add3A_559 : i32
        %get3A_561 = arith.index_cast %add3A_560 : i32 to index
        %get3A_562 = arith.constant 0 : index
        %get3A_563 = tpu.vector_load %arg14[%get3A_561, %get3A_562] {strides = array<i32>} : memref<1280x64xf32, #tpu.memory_space<vmem>>, vector<16xf32>,
        %add3A_564 = arith.addf %add3A_540, %get3A_563 : vector<16xf32>
        %add3A_565 = arith.constant 15 : i32
        %add3A_566 = arith.addi %mul3A_211, %add3A_565 : i32
        %get3A_567 = arith.index_cast %add3A_566 : i32 to index
        %get3A_568 = arith.constant 16 : index
        %get3A_569 = tpu.vector_load %arg14[%get3A_567, %get3A_568] {strides = array<i32>} : memref<1280x64xf32, #tpu.memory_space<vmem>>, vector<16xf32>,
        %add3A_570 = arith.addf %add3A_546, %get3A_569 : vector<16xf32>
        %add3A_571 = arith.constant 15 : i32
        %add3A_572 = arith.addi %mul3A_211, %add3A_571 : i32
        %get3A_573 = arith.index_cast %add3A_572 : i32 to index
        %get3A_574 = arith.constant 32 : index
        %get3A_575 = tpu.vector_load %arg14[%get3A_573, %get3A_574] {strides = array<i32>} : memref<1280x64xf32, #tpu.memory_space<vmem>>, vector<16xf32>,
        %add3A_576 = arith.addf %add3A_552, %get3A_575 : vector<16xf32>
        %add3A_577 = arith.constant 15 : i32
        %add3A_578 = arith.addi %mul3A_211, %add3A_577 : i32
        %get3A_579 = arith.index_cast %add3A_578 : i32 to index
        %get3A_580 = arith.constant 48 : index
        %get3A_581 = tpu.vector_load %arg14[%get3A_579, %get3A_580] {strides = array<i32>} : memref<1280x64xf32, #tpu.memory_space<vmem>>, vector<16xf32>,
        %add3A_582 = arith.addf %add3A_558, %get3A_581 : vector<16xf32>
        %add3A_583 = arith.constant 16 : i32
        %add3A_584 = arith.addi %mul3A_211, %add3A_583 : i32
        %get3A_585 = arith.index_cast %add3A_584 : i32 to index
        %get3A_586 = arith.constant 0 : index
        %get3A_587 = tpu.vector_load %arg14[%get3A_585, %get3A_586] {strides = array<i32>} : memref<1280x64xf32, #tpu.memory_space<vmem>>, vector<16xf32>,
        %add3A_588 = arith.addf %add3A_564, %get3A_587 : vector<16xf32>
        %add3A_589 = arith.constant 16 : i32
        %add3A_590 = arith.addi %mul3A_211, %add3A_589 : i32
        %get3A_591 = arith.index_cast %add3A_590 : i32 to index
        %get3A_592 = arith.constant 16 : index
        %get3A_593 = tpu.vector_load %arg14[%get3A_591, %get3A_592] {strides = array<i32>} : memref<1280x64xf32, #tpu.memory_space<vmem>>, vector<16xf32>,
        %add3A_594 = arith.addf %add3A_570, %get3A_593 : vector<16xf32>
        %add3A_595 = arith.constant 16 : i32
        %add3A_596 = arith.addi %mul3A_211, %add3A_595 : i32
        %get3A_597 = arith.index_cast %add3A_596 : i32 to index
        %get3A_598 = arith.constant 32 : index
        %get3A_599 = tpu.vector_load %arg14[%get3A_597, %get3A_598] {strides = array<i32>} : memref<1280x64xf32, #tpu.memory_space<vmem>>, vector<16xf32>,
        %add3A_600 = arith.addf %add3A_576, %get3A_599 : vector<16xf32>
        %add3A_601 = arith.constant 16 : i32
        %add3A_602 = arith.addi %mul3A_211, %add3A_601 : i32
        %get3A_603 = arith.index_cast %add3A_602 : i32 to index
        %get3A_604 = arith.constant 48 : index
        %get3A_605 = tpu.vector_load %arg14[%get3A_603, %get3A_604] {strides = array<i32>} : memref<1280x64xf32, #tpu.memory_space<vmem>>, vector<16xf32>,
        %add3A_606 = arith.addf %add3A_582, %get3A_605 : vector<16xf32>
        %add3A_607 = arith.constant 17 : i32
        %add3A_608 = arith.addi %mul3A_211, %add3A_607 : i32
        %get3A_609 = arith.index_cast %add3A_608 : i32 to index
        %get3A_610 = arith.constant 0 : index
        %get3A_611 = tpu.vector_load %arg14[%get3A_609, %get3A_610] {strides = array<i32>} : memref<1280x64xf32, #tpu.memory_space<vmem>>, vector<16xf32>,
        %add3A_612 = arith.addf %add3A_588, %get3A_611 : vector<16xf32>
        %add3A_613 = arith.constant 17 : i32
        %add3A_614 = arith.addi %mul3A_211, %add3A_613 : i32
        %get3A_615 = arith.index_cast %add3A_614 : i32 to index
        %get3A_616 = arith.constant 16 : index
        %get3A_617 = tpu.vector_load %arg14[%get3A_615, %get3A_616] {strides = array<i32>} : memref<1280x64xf32, #tpu.memory_space<vmem>>, vector<16xf32>,
        %add3A_618 = arith.addf %add3A_594, %get3A_617 : vector<16xf32>
        %add3A_619 = arith.constant 17 : i32
        %add3A_620 = arith.addi %mul3A_211, %add3A_619 : i32
        %get3A_621 = arith.index_cast %add3A_620 : i32 to index
        %get3A_622 = arith.constant 32 : index
        %get3A_623 = tpu.vector_load %arg14[%get3A_621, %get3A_622] {strides = array<i32>} : memref<1280x64xf32, #tpu.memory_space<vmem>>, vector<16xf32>,
        %add3A_624 = arith.addf %add3A_600, %get3A_623 : vector<16xf32>
        %add3A_625 = arith.constant 17 : i32
        %add3A_626 = arith.addi %mul3A_211, %add3A_625 : i32
        %get3A_627 = arith.index_cast %add3A_626 : i32 to index
        %get3A_628 = arith.constant 48 : index
        %get3A_629 = tpu.vector_load %arg14[%get3A_627, %get3A_628] {strides = array<i32>} : memref<1280x64xf32, #tpu.memory_space<vmem>>, vector<16xf32>,
        %add3A_630 = arith.addf %add3A_606, %get3A_629 : vector<16xf32>
        %add3A_631 = arith.constant 18 : i32
        %add3A_632 = arith.addi %mul3A_211, %add3A_631 : i32
        %get3A_633 = arith.index_cast %add3A_632 : i32 to index
        %get3A_634 = arith.constant 0 : index
        %get3A_635 = tpu.vector_load %arg14[%get3A_633, %get3A_634] {strides = array<i32>} : memref<1280x64xf32, #tpu.memory_space<vmem>>, vector<16xf32>,
        %add3A_636 = arith.addf %add3A_612, %get3A_635 : vector<16xf32>
        %add3A_637 = arith.constant 18 : i32
        %add3A_638 = arith.addi %mul3A_211, %add3A_637 : i32
        %get3A_639 = arith.index_cast %add3A_638 : i32 to index
        %get3A_640 = arith.constant 16 : index
        %get3A_641 = tpu.vector_load %arg14[%get3A_639, %get3A_640] {strides = array<i32>} : memref<1280x64xf32, #tpu.memory_space<vmem>>, vector<16xf32>,
        %add3A_642 = arith.addf %add3A_618, %get3A_641 : vector<16xf32>
        %add3A_643 = arith.constant 18 : i32
        %add3A_644 = arith.addi %mul3A_211, %add3A_643 : i32
        %get3A_645 = arith.index_cast %add3A_644 : i32 to index
        %get3A_646 = arith.constant 32 : index
        %get3A_647 = tpu.vector_load %arg14[%get3A_645, %get3A_646] {strides = array<i32>} : memref<1280x64xf32, #tpu.memory_space<vmem>>, vector<16xf32>,
        %add3A_648 = arith.addf %add3A_624, %get3A_647 : vector<16xf32>
        %add3A_649 = arith.constant 18 : i32
        %add3A_650 = arith.addi %mul3A_211, %add3A_649 : i32
        %get3A_651 = arith.index_cast %add3A_650 : i32 to index
        %get3A_652 = arith.constant 48 : index
        %get3A_653 = tpu.vector_load %arg14[%get3A_651, %get3A_652] {strides = array<i32>} : memref<1280x64xf32, #tpu.memory_space<vmem>>, vector<16xf32>,
        %add3A_654 = arith.addf %add3A_630, %get3A_653 : vector<16xf32>
        %add3A_655 = arith.constant 19 : i32
        %add3A_656 = arith.addi %mul3A_211, %add3A_655 : i32
        %get3A_657 = arith.index_cast %add3A_656 : i32 to index
        %get3A_658 = arith.constant 0 : index
        %get3A_659 = tpu.vector_load %arg14[%get3A_657, %get3A_658] {strides = array<i32>} : memref<1280x64xf32, #tpu.memory_space<vmem>>, vector<16xf32>,
        %add3A_660 = arith.addf %add3A_636, %get3A_659 : vector<16xf32>
        %add3A_661 = arith.constant 19 : i32
        %add3A_662 = arith.addi %mul3A_211, %add3A_661 : i32
        %get3A_663 = arith.index_cast %add3A_662 : i32 to index
        %get3A_664 = arith.constant 16 : index
        %get3A_665 = tpu.vector_load %arg14[%get3A_663, %get3A_664] {strides = array<i32>} : memref<1280x64xf32, #tpu.memory_space<vmem>>, vector<16xf32>,
        %add3A_666 = arith.addf %add3A_642, %get3A_665 : vector<16xf32>
        %add3A_667 = arith.constant 19 : i32
        %add3A_668 = arith.addi %mul3A_211, %add3A_667 : i32
        %get3A_669 = arith.index_cast %add3A_668 : i32 to index
        %get3A_670 = arith.constant 32 : index
        %get3A_671 = tpu.vector_load %arg14[%get3A_669, %get3A_670] {strides = array<i32>} : memref<1280x64xf32, #tpu.memory_space<vmem>>, vector<16xf32>,
        %add3A_672 = arith.addf %add3A_648, %get3A_671 : vector<16xf32>
        %add3A_673 = arith.constant 19 : i32
        %add3A_674 = arith.addi %mul3A_211, %add3A_673 : i32
        %get3A_675 = arith.index_cast %add3A_674 : i32 to index
        %get3A_676 = arith.constant 48 : index
        %get3A_677 = tpu.vector_load %arg14[%get3A_675, %get3A_676] {strides = array<i32>} : memref<1280x64xf32, #tpu.memory_space<vmem>>, vector<16xf32>,
        %add3A_678 = arith.addf %add3A_654, %get3A_677 : vector<16xf32>
        %mul3A_679 = vector.broadcast %scan3A_23 : f32 to vector<16xf32>
        %mul3A_680 = arith.mulf %add3A_660, %mul3A_679 : vector<16xf32>
        %swap3A = arith.index_cast %scan3A_209 : i32 to index
        %swap3A_681 = arith.constant 0 : index
        %swap3A_682 = tpu.vector_load %arg15[%swap3A, %swap3A_681] {strides = array<i32>} : memref<64x64xf32, #tpu.memory_space<vmem>>, vector<16xf32>,
        tpu.vector_store %arg15[%swap3A, %swap3A_681], %mul3A_680 {strides = array<i32>} : memref<64x64xf32, #tpu.memory_space<vmem>>, vector<16xf32>,
        %mul3A_683 = vector.broadcast %scan3A_23 : f32 to vector<16xf32>
        %mul3A_684 = arith.mulf %add3A_666, %mul3A_683 : vector<16xf32>
        %swap3A_685 = arith.index_cast %scan3A_209 : i32 to index
        %swap3A_686 = arith.constant 16 : index
        %swap3A_687 = tpu.vector_load %arg15[%swap3A_685, %swap3A_686] {strides = array<i32>} : memref<64x64xf32, #tpu.memory_space<vmem>>, vector<16xf32>,
        tpu.vector_store %arg15[%swap3A_685, %swap3A_686], %mul3A_684 {strides = array<i32>} : memref<64x64xf32, #tpu.memory_space<vmem>>, vector<16xf32>,
        %mul3A_688 = vector.broadcast %scan3A_23 : f32 to vector<16xf32>
        %mul3A_689 = arith.mulf %add3A_672, %mul3A_688 : vector<16xf32>
        %swap3A_690 = arith.index_cast %scan3A_209 : i32 to index
        %swap3A_691 = arith.constant 32 : index
        %swap3A_692 = tpu.vector_load %arg15[%swap3A_690, %swap3A_691] {strides = array<i32>} : memref<64x64xf32, #tpu.memory_space<vmem>>, vector<16xf32>,
        tpu.vector_store %arg15[%swap3A_690, %swap3A_691], %mul3A_689 {strides = array<i32>} : memref<64x64xf32, #tpu.memory_space<vmem>>, vector<16xf32>,
        %mul3A_693 = vector.broadcast %scan3A_23 : f32 to vector<16xf32>
        %mul3A_694 = arith.mulf %add3A_678, %mul3A_693 : vector<16xf32>
        %swap3A_695 = arith.index_cast %scan3A_209 : i32 to index
        %swap3A_696 = arith.constant 48 : index
        %swap3A_697 = tpu.vector_load %arg15[%swap3A_695, %swap3A_696] {strides = array<i32>} : memref<64x64xf32, #tpu.memory_space<vmem>>, vector<16xf32>,
        tpu.vector_store %arg15[%swap3A_695, %swap3A_696], %mul3A_694 {strides = array<i32>} : memref<64x64xf32, #tpu.memory_space<vmem>>, vector<16xf32>,
      }
      %scan3A_208 = arith.constant 64 : i32
      "tpu.region"() ({
        %run_scoped3A = tpu.sem_alloc : memref<!tpu.dma_semaphore, #tpu.memory_space<semaphore_mem>>
        %dma_start3A_209 = arith.constant 0 : i32
        %dma_start3A_210 = tpu.memref_slice %arg10[%multiple_of3A, %dma_start3A_209] : memref<16384x64xf32, #tpu.memory_space<hbm>> -> memref<64x64xf32, #tpu.memory_space<hbm>>
        %dma_start3A_211 = arith.constant 0 : i32
        %dma_start3A_212 = tpu.memref_slice %arg10[%multiple_of3A, %dma_start3A_211] : memref<16384x64xf32, #tpu.memory_space<hbm>> -> memref<64x64xf32, #tpu.memory_space<hbm>>
        tpu.enqueue_dma source(%arg15 : memref<64x64xf32, #tpu.memory_space<vmem>>) target(%dma_start3A_212 : memref<64x64xf32, #tpu.memory_space<hbm>>) target_semaphore(%run_scoped3A : memref<!tpu.dma_semaphore, #tpu.memory_space<semaphore_mem>>)
        %dma_wait3A_213 = arith.constant 0 : i32
        %dma_wait3A_214 = tpu.memref_slice %arg10[%multiple_of3A, %dma_wait3A_213] : memref<16384x64xf32, #tpu.memory_space<hbm>> -> memref<64x64xf32, #tpu.memory_space<hbm>>
        %dma_wait3A_215 = arith.constant 0 : i32
        %dma_wait3A_216 = tpu.memref_slice %arg10[%multiple_of3A, %dma_wait3A_215] : memref<16384x64xf32, #tpu.memory_space<hbm>> -> memref<64x64xf32, #tpu.memory_space<hbm>>
        tpu.wait_dma2 semaphore(%run_scoped3A : memref<!tpu.dma_semaphore, #tpu.memory_space<semaphore_mem>>) src(%arg15 : memref<64x64xf32, #tpu.memory_space<vmem>>) dst(%dma_wait3A_216 : memref<64x64xf32, #tpu.memory_space<hbm>>)
        tpu.yield
      }) : () -> ()
    }
    %scan3A_28 = arith.constant 8 : i32
    return
  }
}

module attributes {stable_mosaic.version = 14 : i64} {
  func.func @body(%arg0: memref<16384x64xf32, #tpu.memory_space<vmem>>, %arg1: memref<16384x64xf32, #tpu.memory_space<vmem>>, %arg2: memref<16384x64xf32, #tpu.memory_space<vmem>>, %arg3: memref<1x1xf32, #tpu.memory_space<smem>>) attributes {dimension_semantics = [], scalar_prefetch = 0 : i64, scratch_operands = 0 : i64, tpu.core_type = #tpu.core_type<tc>} {
    %get3A = arith.constant 0 : index
    %get3A_0 = arith.constant 0 : index
    %get3A_1 = vector.load %arg0[%get3A, %get3A_0] : memref<16384x64xf32, #tpu.memory_space<vmem>>, vector<16384x64xf32>
    %get3A_2 = arith.constant 0 : index
    %get3A_3 = arith.constant 0 : index
    %get3A_4 = vector.load %arg1[%get3A_2, %get3A_3] : memref<16384x64xf32, #tpu.memory_space<vmem>>, vector<16384x64xf32>
    %get3A_5 = arith.constant 0 : index
    %get3A_6 = arith.constant 0 : index
    %get3A_7 = vector.load %arg2[%get3A_5, %get3A_6] : memref<16384x64xf32, #tpu.memory_space<vmem>>, vector<16384x64xf32>
    %mul3A = arith.mulf %get3A_1, %get3A_4 : vector<16384x64xf32>
    %reduce_sum3A = arith.constant dense<0.000000e+00> : vector<16384xf32>
    %reduce_sum3A_8 = vector.multi_reduction <add>, %mul3A, %reduce_sum3A [1] : vector<16384x64xf32> to vector<16384xf32>
    %mul3A_9 = arith.mulf %get3A_1, %get3A_7 : vector<16384x64xf32>
    %reduce_sum3A_10 = arith.constant dense<0.000000e+00> : vector<16384xf32>
    %reduce_sum3A_11 = vector.multi_reduction <add>, %mul3A_9, %reduce_sum3A_10 [1] : vector<16384x64xf32> to vector<16384xf32>
    %min3A = arith.constant 0.000000e+00 : f32
    %min3A_12 = vector.broadcast %min3A : f32 to vector<16384xf32>
    %min3A_13 = arith.minimumf %reduce_sum3A_8, %min3A_12 : vector<16384xf32>
    %abs3A = math.absf %reduce_sum3A_8 : vector<16384xf32>
    %neg3A = arith.constant 0.000000e+00 : f32
    %neg3A_14 = vector.broadcast %neg3A : f32 to vector<16384xf32>
    %neg3A_15 = arith.subf %neg3A_14, %abs3A : vector<16384xf32>
    %exp3A = math.exp %neg3A_15 : vector<16384xf32>
    %log1p3A = math.log1p %exp3A : vector<16384xf32>
    %sub3A = arith.subf %min3A_13, %log1p3A : vector<16384xf32>
    %neg3A_16 = arith.constant 0.000000e+00 : f32
    %neg3A_17 = vector.broadcast %neg3A_16 : f32 to vector<16384xf32>
    %neg3A_18 = arith.subf %neg3A_17, %reduce_sum3A_11 : vector<16384xf32>
    %min3A_19 = arith.constant 0.000000e+00 : f32
    %min3A_20 = vector.broadcast %min3A_19 : f32 to vector<16384xf32>
    %min3A_21 = arith.minimumf %neg3A_18, %min3A_20 : vector<16384xf32>
    %abs3A_22 = math.absf %neg3A_18 : vector<16384xf32>
    %neg3A_23 = arith.constant 0.000000e+00 : f32
    %neg3A_24 = vector.broadcast %neg3A_23 : f32 to vector<16384xf32>
    %neg3A_25 = arith.subf %neg3A_24, %abs3A_22 : vector<16384xf32>
    %exp3A_26 = math.exp %neg3A_25 : vector<16384xf32>
    %log1p3A_27 = math.log1p %exp3A_26 : vector<16384xf32>
    %sub3A_28 = arith.subf %min3A_21, %log1p3A_27 : vector<16384xf32>
    %add3A = arith.addf %sub3A, %sub3A_28 : vector<16384xf32>
    %neg3A_29 = arith.constant 0.000000e+00 : f32
    %neg3A_30 = vector.broadcast %neg3A_29 : f32 to vector<16384xf32>
    %neg3A_31 = arith.subf %neg3A_30, %add3A : vector<16384xf32>
    %reduce_sum3A_32 = vector.shape_cast %neg3A_31 : vector<16384xf32> to vector<1x16384xf32>
    %reduce_sum3A_33 = arith.constant dense<0.000000e+00> : vector<1xf32>
    %reduce_sum3A_34 = vector.multi_reduction <add>, %reduce_sum3A_32, %reduce_sum3A_33 [1] : vector<1x16384xf32> to vector<1xf32>
    %reduce_sum3A_35 = vector.shape_cast %reduce_sum3A_34 : vector<1xf32> to vector<1x1xf32>
    %reduce_sum3A_36 = vector.extract %reduce_sum3A_35[0, 0] : f32 from vector<1x1xf32>
    %mul3A_37 = arith.constant 6.10351563E-5 : f32
    %mul3A_38 = arith.mulf %reduce_sum3A_36, %mul3A_37 : f32
    %swap3A = arith.constant 0 : index
    %swap3A_39 = arith.constant 0 : index
    %swap3A_40 = memref.load %arg3[%swap3A, %swap3A_39] : memref<1x1xf32, #tpu.memory_space<smem>>
    memref.store %mul3A_38, %arg3[%swap3A, %swap3A_39] : memref<1x1xf32, #tpu.memory_space<smem>>
    return
  }
}

</mosaic_0001>

<sc_bundles>
// kernel: kernel.4.cloned.1.call-start
scs
__scs_entry_jumppad:
0x0: {  	(pc) =	sbr.rel $0x88, $3  }
0x1: {  	(tag) =	ssettag $0x0;
	lr =	simm.s32 $0x1  }
0x2: {  	[smem:$0x3F9B] =	sst lr;
	_ =	strace $0xD0000000  }
0x3: {  	_ = 	snop  }
0x4: {  	_ = 	snop  }
0x5: {  	_ = 	snop  }
0x6: {  	_ = 	snop  }
0x7: {  	_ = 	snop  }
__scs_overlays_trampoline_lowered:
0x8: {  	[smem:$0x3FAA] =	sst s0  }
0x9: {  	[smem:$0x3FAB] =	sst s1  }
0xa: {  	[smem:$0x3FAC] =	sst s2  }
0xb: {  	[smem:$0x3FAD] =	sst s3  }
0xc: {  	[smem:$0x3FAE] =	sst s4  }
0xd: {  	[smem:$0x3FAF] =	sst s5  }
0xe: {  	[smem:$0x3FB0] =	sst s6  }
0xf: {  	[smem:$0x3FB1] =	sst s7  }
0x10: {  	[smem:$0x3FB2] =	sst s8  }
0x11: {  	[smem:$0x3FB3] =	sst s9;
	s0 =	simm.s32 @!p0 $0x0  }
0x12: {  	s1 =	sld [smem:$0x3F99];
	s0 =	simm.s32 @p0 $0x1  }
0x13: {  	[smem:$0x3FB4] =	sst s0;
	s0 =	simm.s32 @!p1 $0x0  }
0x14: {  	s2 =	sld [smem:$0x3F98];
	s0 =	simm.s32 @p1 $0x1  }
0x15: {  	[smem:$0x3FB5] =	sst s0;
	s0 =	simm.s32 @!p2 $0x0  }
0x16: {  	s3 =	sld [smem:$0x3FDB];
	s0 =	simm.s32 @p2 $0x1  }
0x17: {  	s4 =	simm.s32 $0x1BF5;
	[smem:$0x3FB7] =	sst s0  }
0x18: {  	s0 =	sld [smem:$0x3F9A];
	_ =	swait.ge [sflag:s4], $0x0  }
0x19: {  	s7 =	sld [smem:$0x3F9B]  }
0x1a: {  	s8 =	sadd.s32 $0xFFFFE003, lr  }
0x1b: {  	s9 =	sadd.s32 $0xFFFFFEF7, lr;
	s5 =	simm.s32 $0xFFFFFFFF;
	p2 =	slt.u32 s8, $0xFFFFF086  }
0x1c: {  	p1 =	slt.u32 s9, $0xF7A;
	s5 =	simm.s32 @!p2 $0x0  }
0x1d: {  	s5 =	simm.s32 @p1 $0x1;
	p0 =	seq.s32 s7, s2  }
0x1e: {  	s7 =	smul.u32 @!p0 $0xF7A, s2;
	p2 =	seq.s32 @!p0 s5, $0x0  }
0x1f: {  	s9 =	smul.u32 $0xF7A, s1;
	s8 =	simm.s32 @!p0 $0x1BF5;
	p2 =	por !p2, p0  }
0x20: {  	[sflag:s8] =	ssyncset.s32 @!p0 $0xFFFFF086;
	s6 =	sadd.s32 @!p0 s3, s7;
	s7 =	simm.s32 @!p0 $0x108  }
0x21: {  	s3 =	sadd.s32 s3, s9;
	s6 =	sadd.s32 @!p0 $0x88, s6;
	s7 =	simm.s32 @p2 $0x1082  }
0x22: {  	[simem:s7], [sflag:s8] =	dma.local @!p0 [hbm:s6], $0xF7A  }
0x23: {  	s9 =	sor.u32 $0xD0000000, s2;
	s6 =	simm.s32 $0x108;
	_ =	swait.ge @!p0 [sflag:s8], $0x0  }
0x24: {  	s3 =	sadd.s32 $0x88, s3;
	s6 =	simm.s32 @!p1 $0x1082;
	[sflag:s4] =	ssyncset.s32 $0xFFFFF086  }
0x25: {  	[simem:s6], [sflag:s4] =	dma.local [hbm:s3], $0xF7A  }
0x26: {  	[smem:$0x3F9B] =	sst s1;
	(tag) =	ssettag s2;
	_ =	strace s9  }
0x27: {  	s1 =	sld [smem:$0x3FAB]  }
0x28: {  	s2 =	sld [smem:$0x3FAC]  }
0x29: {  	s4 =	sld [smem:$0x3FAE]  }
0x2a: {  	p0 =	seq.s32 s5, $0x0;
	s5 =	sld [smem:$0x3FAF]  }
0x2b: {  	s6 =	sld [smem:$0x3FB0]  }
0x2c: {  	s7 =	sld [smem:$0x3FB1]  }
0x2d: {  	s3 =	simm.s32 $0x108;
	s8 =	sld [smem:$0x3FB2]  }
0x2e: {  	s3 =	simm.s32 @!p0 $0x1082;
	s9 =	sld [smem:$0x3FB3]  }
0x2f: {  	lr =	sadd.s32 s0, s3;
	s0 =	sld [smem:$0x3FAA]  }
0x30: {  	s3 =	sld [smem:$0x3FAD]  }
0x31: {  	[smem:$0x3FB6] =	sst s10  }
0x32: {  	s10 =	sld [smem:$0x3FB4];
	_ =	sdelay $0x3  }
0x33: {  	p0 =	seq.s32 s10, $0x1;
	s10 =	sld [smem:$0x3FB6];
	_ =	sdelay $0x3  }
0x34: {  	[smem:$0x3FB6] =	sst s10  }
0x35: {  	s10 =	sld [smem:$0x3FB5];
	_ =	sdelay $0x3  }
0x36: {  	p1 =	seq.s32 s10, $0x1;
	s10 =	sld [smem:$0x3FB6];
	_ =	sdelay $0x3  }
0x37: {  	[smem:$0x3FB6] =	sst s10  }
0x38: {  	s10 =	sld [smem:$0x3FB7]  }
0x39: {  	_ = 	snop;
	(pc) =	sbr.ind lr, $3  }
0x3a: {  	_ = 	snop  }
0x3b: {  	_ = 	snop  }
0x3c: {  	p2 =	seq.s32 s10, $0x1;
	s10 =	sld [smem:$0x3FB6]  }
0x3d: {  	_ =	shalt  }
0x3e: {  	_ =	shalt  }
0x3f: {  	_ =	shalt  }
0x40: {  	_ =	shalt  }
0x41: {  	_ =	shalt  }
0x42: {  	_ =	shalt  }
0x43: {  	_ =	shalt  }
0x44: {  	_ =	shalt  }
0x45: {  	_ =	shalt  }
0x46: {  	_ =	shalt  }
0x47: {  	_ =	shalt  }
0x48: {  	_ =	shalt  }
0x49: {  	_ =	shalt  }
0x4a: {  	_ =	shalt  }
0x4b: {  	_ =	shalt  }
0x4c: {  	_ =	shalt  }
0x4d: {  	_ =	shalt  }
0x4e: {  	_ =	shalt  }
0x4f: {  	_ =	shalt  }
0x50: {  	_ =	shalt  }
0x51: {  	_ =	shalt  }
0x52: {  	_ =	shalt  }
0x53: {  	_ =	shalt  }
0x54: {  	_ =	shalt  }
0x55: {  	_ =	shalt  }
0x56: {  	_ =	shalt  }
0x57: {  	_ =	shalt  }
0x58: {  	_ =	shalt  }
0x59: {  	_ =	shalt  }
0x5a: {  	_ =	shalt  }
0x5b: {  	_ =	shalt  }
0x5c: {  	_ =	shalt  }
0x5d: {  	_ =	shalt  }
0x5e: {  	_ =	shalt  }
0x5f: {  	_ =	shalt  }
0x60: {  	_ =	shalt  }
0x61: {  	_ =	shalt  }
0x62: {  	_ =	shalt  }
0x63: {  	_ =	shalt  }
0x64: {  	_ =	shalt  }
0x65: {  	_ =	shalt  }
0x66: {  	_ =	shalt  }
0x67: {  	_ =	shalt  }
0x68: {  	_ =	shalt  }
0x69: {  	_ =	shalt  }
0x6a: {  	_ =	shalt  }
0x6b: {  	_ =	shalt  }
0x6c: {  	_ =	shalt  }
0x6d: {  	_ =	shalt  }
0x6e: {  	_ =	shalt  }
0x6f: {  	_ =	shalt  }
0x70: {  	_ =	shalt  }
0x71: {  	_ =	shalt  }
0x72: {  	_ =	shalt  }
0x73: {  	_ =	shalt  }
0x74: {  	_ =	shalt  }
0x75: {  	_ =	shalt  }
0x76: {  	_ =	shalt  }
0x77: {  	_ =	shalt  }
0x78: {  	_ =	shalt  }
0x79: {  	_ =	shalt  }
0x7a: {  	_ =	shalt  }
0x7b: {  	_ =	shalt  }
0x7c: {  	_ =	shalt  }
0x7d: {  	_ =	shalt  }
0x7e: {  	_ =	shalt  }
0x7f: {  	_ =	shalt  }
0x80: {  	_ =	shalt  }
0x81: {  	_ =	shalt  }
0x82: {  	_ =	shalt  }
0x83: {  	_ =	shalt  }
0x84: {  	_ =	shalt  }
0x85: {  	_ =	shalt  }
0x86: {  	_ =	shalt  }
0x87: {  	_ =	shalt  }
.Lfunc_end0:
.L_simem_size_0:
called_computation_lowered:
.L_overlay_start_0:
0x88: {  	s2 =	sld [smem:$0x3FD9]  }
0x89: {  	s3 =	sld [smem:$0x3FFE];
	_ =	sdelay $0x1  }
0x8a: {  	s1 =	srdreg.scid  }
0x8b: {  	s0 =	sand.u32 $0x1, s1  }
0x8c: {  	s17 =	sshll.u32 s0, $0xA;
	s2 =	sadd.s32 s3, s2  }
0x8d: {  	s2 =	sadd.s32 s2, s17  }
0x8e: {  	[smem:$0x3FC2] =	sst s2  }
0x8f: {  	_ = 	snop  }
0x90: {  	s2 =	sld [smem:$0x3FC9]  }
0x91: {  	s18 =	sld [smem:$0x3FC8]  }
0x92: {  	s4 =	sld [smem:$0x3FC7];
	(tm) =	ssettm $0x1  }
0x93: {  	s5 =	sld [smem:$0x3FFB];
	_ =	sdelay $0x3  }
0x94: {  	_ =	strace s5  }
0x95: {  	s5 =	sld [smem:$0x3FFC];
	_ =	sdelay $0x3  }
0x96: {  	_ =	strace s5  }
0x97: {  	s5 =	sld [smem:$0x3FFD];
	_ =	sdelay $0x3  }
0x98: {  	_ =	strace s5  }
0x99: {  	_ =	strace $0x8FFFFFFF  }
0x9a: {  	s19 =	sld [smem:$0x3FDB];
	_ =	sdelay $0x1  }
0x9b: {  	s6 =	simm.s32 $_scs_section_size  }
0x9c: {  	s7 =	simm.s32 $_size__tile_overlayer_lowered;
	s8 =	simm.s32 $_tile_overlayer_lowered  }
0x9d: {  	s22 =	simm.s32 $0x1BFF;
	s21 =	sshll.u32 s8, $0x1;
	s5 =	sadd.s32 s6, s19  }
0x9e: {  	s9 =	simm.s32 $0x0;
	s20 =	sshll.u32 s7, $0x1;
	s7 =	sadd.s32 s21, s5  }
0x9f: {  	[timem:s9], [sflag:s22] =	dma.local [hbm:s7], s20  }
0xa0: {  	_ =	swait.ge [sflag:s22], s20  }
0xa1: {  	s6 =	ssub.s32 $0x0, s20;
	[sflag:s22] =	ssyncset.done $0x0  }
0xa2: {  	[sflag:s22] =	ssyncadd.s32 s6;
	_ =	sdelay $0x1  }
0xa3: {  	s23 =	simm.s32 $0x1B8B  }
0xa4: {  	_ =	swait.ge [sflag:s23], $0x1  }
0xa5: {  	[sflag:s23] =	ssyncset.done $0x0  }
0xa6: {  	s25 =	simm.s32 $0x1B8E;
	s24 =	sld [smem:$0x3FFE];
	[sflag:s23] =	ssyncadd.s32 $0xFFFFFFFF  }
0xa7: {  	s26 =	simm.s32 $execute0_lowered;
	[smem:$0x3FD2] =	sst s25  }
0xa8: {  	s7 =	sshll.u32 s26, $0x1;
	_ =	strace $0x80000046;
	[dreg:$0x1] =	wrdreg $0xFFFFFFFF  }
0xa9: {  	s28 =	simm.s32 $_size_execute0_lowered;
	s5 =	sadd.s32 s5, s7;
	[dreg:$0x0] =	wrdreg $0x0  }
0xaa: {  	s7 =	sshll.u32 s28, $0x1;
	[dreg:$0x2] =	wrdreg s5  }
0xab: {  	[dreg:$0x3] =	wrdreg s7  }
0xac: {  	[dreg:$0x4] =	wrdreg $0xC0  }
0xad: {  	_ =	task [dreg:s9], $0x5FFFF  }
0xae: {  	[dreg:$0x1] =	wrdreg $0xFFFFFFFF  }
0xaf: {  	[dreg:$0x0] =	wrdreg $0x60  }
0xb0: {  	[dreg:$0x2] =	wrdreg s2  }
0xb1: {  	[dreg:$0x3] =	wrdreg s18  }
0xb2: {  	[dreg:$0x4] =	wrdreg s4  }
0xb3: {  	[dreg:$0x5] =	wrdreg s24  }
0xb4: {  	[dreg:$0x6] =	wrdreg $0x9  }
0xb5: {  	_ =	task.clear_ibuf [dreg:s9], $0x7FFFF;
	_ =	strace $0x90000046  }
0xb6: {  	s29 =	simm.s32 $0x9;
	_ =	strace $0x80000048  }
0xb7: {  	_ =	swait.ge [sflag:s29], $0x1  }
0xb8: {  	[sflag:s29] =	ssyncadd.s32 $0xFFFFFFFF  }
0xb9: {  	_ =	strace $0x90000048  }
0xba: {  	_ =	sfence  }
0xbb: {  	s30 =	sld [smem:$0x0];
	_ =	sdelay $0x2  }
0xbc: {  	s31 =	sshll.u32 s1, $0xD;
	s1 =	sshrl.u32 s1, $0x2  }
0xbd: {  	s3 =	sand.u32 $0x4000, s31;
	s1 =	sadd.s32 s1, s30  }
0xbe: {  	s0 =	sor.u32 s3, s0;
	s1 =	sshll.u32 s1, $0x11  }
0xbf: {  	s0 =	sor.u32 s1, s0  }
0xc0: {  	s0 =	sadd.s32 $0x8F2B, s0  }
0xc1: {  	[sflag:s0] =	ssyncadd.remote.s32 $0x1  }
0xc2: {  	_ =	sfence.sel $0xFFFF  }
0xc3: {  	[dreg:$0x0] =	wrdreg $0xFFFFFFFF;
	(pc) =	sbr.abs _section_cstart, $3  }
0xc4: {  	[dreg:$0x1] =	wrdreg $0xFFFFFFFF  }
0xc5: {  	_ =	task.clear_ibuf [dreg:s9], $0x2FFFF;
	_ =	strace $0x9FFFFFFF  }
0xc6: {  	(tm) =	ssettm $0x7FFFFFFF  }
0xc7: {  	_ =	shalt  }
tec
execute0_lowered:
.L_overlay_start_1:
0x0: {  	(tag) =	ssettag $0x1  }
0x1: {  	s0 =	rddreg [dreg:$0x3];
	s1 =	simm.s32 $0x0;
	s23 =	srdreg.scid  }
0x2: {  	s4 =	stileid.u32;
	s14 =	simm.s32 $0x2;
	s15 =	simm.s32 $0x40  }
0x3: {  	s16 =	simm.s32 $0x1;
	s17 =	simm.s32 $0x80;
	s28 =	simm.s32 $0x8B40  }
0x4: {  	s29 =	simm.s32 $0x8C0;
	s30 =	simm.s32 $0xAB40;
	s31 =	simm.s32 $0x940  }
0x5: {  	s7 =	simm.s32 $0x9C0;
	s13 =	simm.s32 $0xEB40;
	s9 =	simm.s32 $0x14B40  }
0x6: {  	s11 =	simm.s32 $0x0;
	[smem:$0x7FF] =	sst s1;
	s6 =	sadd.s32 $0x527600, s0  }
0x7: {  	s5 =	sadd.s32 $0xE00, s0;
	s8 =	sadd.s32 $0x464000, s0;
	s2 =	sadd.s32 $0x31D600, s0  }
0x8: {  	s1 =	sand.u32 $0x1, s23;
	s24 =	sadd.s32 $0x2FD600, s0;
	s4 =	sshll.u32 s4, $0xA  }
0x9: {  	s0 =	sadd.s32 $0x2DD600, s0;
	_ =	strace $0x80000047;
	[dreg:$0x5] =	wrdreg s2  }
0xa: {  	s23 =	simm.s32 $0x4B40;
	[dreg:$0x6] =	wrdreg s24;
	s25 =	ssub.s32 $0x2, s1  }
0xb: {  	s1 =	sshll.u32 s1, $0x9;
	[dreg:$0x7] =	wrdreg s0;
	s24 =	simm.s32 $0x7C0  }
0xc: {  	s2 =	simm.s32 $0x10B40;
	s3 =	sshrl.u32 s25, $0x1;
	s12 =	sor.u32 s1, s4  }
0xd: {  	v0 =	vlaneseq.u32;
	s1 =	simm.s32 $0xA40;
	s4 =	simm.s32 $0x12B40;
	s26 =	ssub.s32 s25, s3  }
0xe: {  	v1 =	vmul.u32 $0xFFFFFFFF, v0;
	s25 =	simm.s32 $0x6B40;
	s3 =	simm.s32 $0xAC0;
	s0 =	smax.u32 s26, $0x1  }
0xf: {  	v2 =	vimm.s32 $0x0;
	s26 =	simm.s32 $0x840;
	[dreg:$0x8] =	wrdreg s0;
	s0 =	simm.s32 $0xCB40  }
.LBB2_1:
0x10: {  	s22 =	simm.s32 $0x0  }
0x11: {  	v5 =	vor.u32 s22, v0  }
0x12: {  	v3 =	vmulhi.u32 $0xCCCCCCCD, v5  }
0x13: {  	s10 =	simm.s32 $0x10  }
0x14: {  	v4 =	vshrl.u32 v3, $0x4;
	v3 =	vor.u32 s10, v0  }
0x15: {  	v6 =	vmov s22;
	v7 =	vmul.u32 $0xFFFFFFEC, v4;
	v9 =	vmulhi.u32 $0xCCCCCCCD, v3  }
0x16: {  	v8 =	vsub.s32 v1, v6  }
0x17: {  	vm0 =	veq.s32 v6, v0;
	vm1 =	vne.s32 v7, v8;
	v6 =	vshrl.u32 v9, $0x4  }
0x18: {  	v8 =	vmov s10;
	vm0 =	vmand vm0, vm1;
	v9 =	vmul.u32 $0xFFFFFFEC, v6  }
0x19: {  	s19 =	simm.s32 $0x20;
	v10 =	vsub.s32 v1, v8;
	vm14 =	veq.s32 v8, v0;
	v7 =	vsel vm0, $0xFFFFFFFF, v2  }
0x1a: {  	v7 =	vadd.s32 v7, v4;
	v4 =	vor.u32 s19, v0;
	vm15 =	vne.s32 v9, v10  }
0x1b: {  	v8 =	vmul.u32 $0xFFFFFFEC, v7;
	v9 =	vmulhi.u32 $0xCCCCCCCD, v4;
	vm0 =	vmand vm14, vm15  }
0x1c: {  	[dreg:$0x9] =	wrdreg s11;
	s11 =	simm.s32 $0x15B40;
	v10 =	vsel vm0, $0xFFFFFFFF, v2  }
0x1d: {  	s10 =	simm.s32 $0x16040;
	[tilespmem:s11+$0x0] =	vst v7;
	v8 =	vadd.s32 v5, v8;
	v5 =	vshrl.u32 v9, $0x4;
	v6 =	vadd.s32 v10, v6  }
0x1e: {  	s18 =	simm.s32 $0x30;
	[tilespmem:s10+$0x0] =	vst v8;
	v8 =	vmov s19;
	v9 =	vmul.u32 $0xFFFFFFEC, v5;
	v7 =	vmul.u32 $0xFFFFFFEC, v6  }
.LBB2_2:
0x1f: {  	v10 =	vor.u32 s18, v0;
	v11 =	vsub.s32 v1, v8;
	s11 =	sadd.s32 $0x10, s11;
	s19 =	smov.u32 s18;
	p0 =	sne.s32 s18, $0x4F0  }
.Ltmp0:
0x20: {  	s18 =	sadd.s32 $0x10, s18;
	vm0 =	veq.s32 v8, v0;
	s10 =	sadd.s32 $0x10, s10;
	vm1 =	vne.s32 v9, v11;
	v8 =	vadd.s32 v3, v7;
	[tilespmem:s11+$0x0] =	vst v6;
	(pc) =	sbr.rel @p0 .LBB2_2-.Ltmp0, $4  }
0x21: {  	v7 =	vmulhi.u32 $0xCCCCCCCD, v10;
	v3 =	vmovc v4;
	v4 =	vmov v10;
	vm0 =	vmand vm0, vm1;
	[tilespmem:s10+$0x0] =	vst v8  }
0x22: {  	v6 =	vsel vm0, $0xFFFFFFFF, v2  }
0x23: {  	v6 =	vadd.s32 v6, v5;
	v5 =	vshrl.u32 v7, $0x4  }
0x24: {  	v8 =	vmov s19;
	v9 =	vmul.u32 $0xFFFFFFEC, v5;
	v7 =	vmul.u32 $0xFFFFFFEC, v6  }
0x25: {  	v10 =	vsub.s32 v1, v8  }
0x26: {  	vm0 =	veq.s32 v8, v0;
	vm1 =	vne.s32 v9, v10  }
0x27: {  	vm0 =	vmand vm0, vm1  }
0x28: {  	v62 =	vsel vm0, $0xFFFFFFFF, v2  }
0x29: {  	s11 =	sadd.s32 $0x10, s11;
	v5 =	vadd.s32 v62, v5  }
0x2a: {  	s10 =	sadd.s32 $0x10, s10;
	v3 =	vadd.s32 v3, v7;
	[tilespmem:s11+$0x0] =	vst v6;
	v63 =	vmul.u32 $0xFFFFFFEC, v5  }
0x2b: {  	s11 =	sadd.s32 $0x10, s11;
	[tilespmem:s10+$0x0] =	vst v3  }
0x2c: {  	s10 =	sadd.s32 $0x10, s10;
	[tilespmem:s11+$0x0] =	vst v5;
	v3 =	vadd.s32 v4, v63  }
0x2d: {  	s11 =	simm.s32 $0x0;
	[tilespmem:s10+$0x0] =	vst v3;
	s10 =	simm.s32 $0x0  }
.LBB2_4:
0x2e: {  	s18 =	sshll.u32 s11, $0x6  }
0x2f: {  	s18 =	sadd.s32 s12, s18  }
0x30: {  	s20 =	rddreg [dreg:$0x0];
	s19 =	sshrl.u32 s18, $0x3  }
0x31: {  	s19 =	sadd.s32 s20, s19  }
0x32: {  	[tilespmem:s10], [sflag:$0x2] =	stream.linear.gather [hbm4b:s19+s10], $0x40, $0x38;
	[tilespmem:$0x16540] =	vst v63  }
0x33: {  	_ =	swait.ge [sflag:s14], $0x40  }
0x34: {  	p2 =	por $0x1, $0x1;
	[sflag:s14] =	ssyncset.done $0x0  }
.Ltmp1:
0x35: {  	[sflag:s14] =	ssyncadd.s32 $0xFFFFFFC0;
	(pc) =	sbr.rel @!p2 .LBB2_5-.Ltmp1, $4  }
0x36: {  	[tilespmem:s15], [sflag:$0x1] =	stream.indirect.gather [hbm4b:s5+s15], $0x14, s10, s15, $0xb8;
	[tilespmem:$0x16540] =	vst v63  }
0x37: {  	_ =	swait.ge [sflag:s16], $0x500  }
0x38: {  	p0 =	por $0x0, $0x0;
	[sflag:s16] =	ssyncset.done $0x0  }
0x39: {  	p1 =	por $0x0, $0x0;
	s19 =	simm.s32 $0x0;
	[sflag:s16] =	ssyncadd.s32 $0xFFFFFB00  }
0x3a: {  	v4 =	vld [tilespmem:s19+$0x15B40]  }
0x3b: {  	v3 =	vld [tilespmem:s19+$0x16040];
	p2 =	por $0x1, $0x1  }
.Ltmp2:
0x3c: {  	_ = 	snop;
	(pc) =	sbr.rel @!p2 .LBB2_7-.Ltmp2, $2  }
0x3d: {  	_ =	sdelay $0x2  }
0x3e: {  	s21 =	simm.s32 $0x10;
	p0 =	por $0x1, $0x1;
	v4 =	vmul.u32 $0x18, v4;
	v6 =	vand.u32 $0xFFFFFFF8, v3  }
0x3f: {  	_ = 	snop  }
0x40: {  	v5 =	vld [tilespmem:s21+$0x15B40];
	v7 =	vand.u32 $0x7, v3;
	v4 =	vadd.s32 v4, v6  }
0x41: {  	v3 =	vld [tilespmem:s21+$0x16040];
	p2 =	por $0x1, $0x1;
	v7 =	vor.u32 v7, v4  }
.Ltmp3:
0x42: {  	_ = 	snop;
	(pc) =	sbr.rel @!p2 .LBB2_9-.Ltmp3, $3  }
0x43: {  	_ =	sdelay $0x1  }
0x44: {  	v4 =	vmul.u32 $0x18, v5  }
0x45: {  	s20 =	simm.s32 $0x20;
	s22 =	simm.s32 $0xC0;
	p1 =	por $0x1, $0x1;
	v6 =	vand.u32 $0xFFFFFFF8, v3;
	v5 =	vld.idx.msk [tilespmem:v7+s15+$0x0], $0xffff  }
.LBB2_10:
0x46: {  	p2 =	sne.s32 s22, $0x13C0;
	v7 =	vld [tilespmem:s20+$0x15B40];
	v8 =	vand.u32 $0x7, v3;
	v4 =	vadd.s32 v4, v6  }
0x47: {  	v3 =	vld [tilespmem:s20+$0x16040];
	v8 =	vor.u32 v8, v4  }
.Ltmp4:
0x48: {  	(pc) =	sbr.rel @p2 .LBB2_10-.Ltmp4, $3  }
0x49: {  	_ =	sdelay $0x1  }
0x4a: {  	v4 =	vmul.u32 $0x18, v7;
	[tilespmem:s19+$0x640] =	vst v5;
	s19 =	smov.u32 s21;
	s21 =	smov.u32 s20  }
0x4b: {  	s20 =	sshra.s32 s22, $0x2;
	s22 =	sadd.s32 $0x40, s22;
	v6 =	vand.u32 $0xFFFFFFF8, v3;
	v5 =	vld.idx.msk [tilespmem:v8+s15+$0x0], $0xffff  }
0x4c: {  	s22 =	smov.u32 s19;
	s19 =	smov.u32 s21  }
.LBB2_12:
0x4d: {  	v7 =	vld [tilespmem:s20+$0x15B40];
	v3 =	vand.u32 @p0 $0x7, v3;
	v4 =	vadd.s32 @p0 v4, v6  }
0x4e: {  	v56 =	vld [tilespmem:s20+$0x16040];
	v3 =	vor.u32 @p0 v3, v4;
	_ =	sdelay $0x3  }
0x4f: {  	[tilespmem:s22+$0x640] =	vst @p1 v5;
	v4 =	vmul.u32 $0x18, v7  }
0x50: {  	v5 =	vand.u32 $0xFFFFFFF8, v56;
	v3 =	vld.idx.msk @p0 [tilespmem:v3+s15+$0x0], $0xffff  }
0x51: {  	v6 =	vand.u32 $0x7, v56;
	v4 =	vadd.s32 v4, v5  }
0x52: {  	v4 =	vor.u32 v6, v4;
	_ =	sdelay $0x2  }
0x53: {  	s19 =	smov.u32 @p0 s19;
	v3 =	vpsel p0, v3, v0  }
0x54: {  	[tilespmem:s19+$0x640] =	vst @p0 v3  }
0x55: {  	v3 =	vld.idx.msk [tilespmem:v4+s15+$0x0], $0xffff;
	_ =	sdelay $0x4  }
0x56: {  	s21 =	simm.s32 $0x640;
	s22 =	simm.s32 $0xB40;
	[tilespmem:s20+$0x640] =	vst v3  }
0x57: {  	[tilespmem:s22], [sflag:$0x1] =	stream.indirect.gather [hbm4b:s6+s17], $0x40, s21, s17, $0xb8;
	[tilespmem:$0x16540] =	vst v63  }
0x58: {  	s20 =	simm.s32 $0x6C0;
	s21 =	simm.s32 $0x2B40  }
0x59: {  	[tilespmem:s21], [sflag:$0x1] =	stream.indirect.gather [hbm4b:s6+s17], $0x40, s20, s17, $0xb8;
	[tilespmem:$0x16540] =	vst v63  }
0x5a: {  	s22 =	simm.s32 $0x740  }
0x5b: {  	[tilespmem:s23], [sflag:$0x1] =	stream.indirect.gather [hbm4b:s6+s17], $0x40, s22, s17, $0xb8;
	[tilespmem:$0x16540] =	vst v63  }
0x5c: {  	_ = 	snop  }
0x5d: {  	[tilespmem:s25], [sflag:$0x1] =	stream.indirect.gather [hbm4b:s6+s17], $0x40, s24, s17, $0xb8;
	[tilespmem:$0x16540] =	vst v63  }
0x5e: {  	_ = 	snop  }
0x5f: {  	[tilespmem:s28], [sflag:$0x1] =	stream.indirect.gather [hbm4b:s6+s17], $0x40, s26, s17, $0xb8;
	[tilespmem:$0x16540] =	vst v63  }
0x60: {  	_ = 	snop  }
0x61: {  	[tilespmem:s30], [sflag:$0x1] =	stream.indirect.gather [hbm4b:s6+s17], $0x40, s29, s17, $0xb8;
	[tilespmem:$0x16540] =	vst v63  }
0x62: {  	_ = 	snop  }
0x63: {  	[tilespmem:s0], [sflag:$0x1] =	stream.indirect.gather [hbm4b:s6+s17], $0x40, s31, s17, $0xb8;
	[tilespmem:$0x16540] =	vst v63  }
0x64: {  	_ = 	snop  }
0x65: {  	[tilespmem:s13], [sflag:$0x1] =	stream.indirect.gather [hbm4b:s6+s17], $0x40, s7, s17, $0xb8;
	[tilespmem:$0x16540] =	vst v63  }
0x66: {  	_ = 	snop  }
0x67: {  	[tilespmem:s2], [sflag:$0x1] =	stream.indirect.gather [hbm4b:s6+s17], $0x40, s1, s17, $0xb8;
	[tilespmem:$0x16540] =	vst v63  }
0x68: {  	_ = 	snop  }
0x69: {  	[tilespmem:s4], [sflag:$0x1] =	stream.indirect.gather [hbm4b:s6+s17], $0x40, s3, s17, $0xb8;
	[tilespmem:$0x16540] =	vst v63  }
0x6a: {  	_ =	swait.ge [sflag:s16], $0x2000  }
0x6b: {  	[sflag:s16] =	ssyncset.done $0x0  }
0x6c: {  	[sflag:s16] =	ssyncadd.s32 $0xFFFFE000  }
0x6d: {  	_ =	swait.ge [sflag:s16], $0x2000  }
0x6e: {  	[sflag:s16] =	ssyncset.done $0x0  }
0x6f: {  	[sflag:s16] =	ssyncadd.s32 $0xFFFFE000  }
0x70: {  	_ =	swait.ge [sflag:s16], $0x2000  }
0x71: {  	[sflag:s16] =	ssyncset.done $0x0  }
0x72: {  	[sflag:s16] =	ssyncadd.s32 $0xFFFFE000  }
0x73: {  	_ =	swait.ge [sflag:s16], $0x2000  }
0x74: {  	[sflag:s16] =	ssyncset.done $0x0  }
0x75: {  	[sflag:s16] =	ssyncadd.s32 $0xFFFFE000  }
0x76: {  	_ =	swait.ge [sflag:s16], $0x2000  }
0x77: {  	[sflag:s16] =	ssyncset.done $0x0  }
0x78: {  	[sflag:s16] =	ssyncadd.s32 $0xFFFFE000  }
0x79: {  	_ =	swait.ge [sflag:s16], $0x2000  }
0x7a: {  	[sflag:s16] =	ssyncset.done $0x0  }
0x7b: {  	[sflag:s16] =	ssyncadd.s32 $0xFFFFE000  }
0x7c: {  	_ =	swait.ge [sflag:s16], $0x2000  }
0x7d: {  	[sflag:s16] =	ssyncset.done $0x0  }
0x7e: {  	[sflag:s16] =	ssyncadd.s32 $0xFFFFE000  }
0x7f: {  	_ =	swait.ge [sflag:s16], $0x2000  }
0x80: {  	[sflag:s16] =	ssyncset.done $0x0  }
0x81: {  	[sflag:s16] =	ssyncadd.s32 $0xFFFFE000  }
0x82: {  	_ =	swait.ge [sflag:s16], $0x2000  }
0x83: {  	[sflag:s16] =	ssyncset.done $0x0  }
0x84: {  	[sflag:s16] =	ssyncadd.s32 $0xFFFFE000  }
0x85: {  	_ =	swait.ge [sflag:s16], $0x2000  }
0x86: {  	[sflag:s16] =	ssyncset.done $0x0  }
0x87: {  	s19 =	simm.s32 $0xDC0;
	[sflag:s16] =	ssyncadd.s32 $0xFFFFE000  }
0x88: {  	v3 =	vld [tilespmem:s19+$0x1F0]  }
0x89: {  	v4 =	vld [tilespmem:s19+$0x1C0]  }
0x8a: {  	v5 =	vld [tilespmem:s19+$0x1B0]  }
0x8b: {  	v6 =	vld [tilespmem:s19+$0x180]  }
0x8c: {  	v7 =	vld [tilespmem:s19+$0x170]  }
0x8d: {  	v8 =	vld [tilespmem:s19+$0x140]  }
0x8e: {  	v9 =	vld [tilespmem:s19+$0x130]  }
0x8f: {  	v10 =	vld [tilespmem:s19+$0x100]  }
0x90: {  	v11 =	vld [tilespmem:s19+$0xF0]  }
0x91: {  	v12 =	vld [tilespmem:s19+$0xC0]  }
0x92: {  	v13 =	vld [tilespmem:s19+$0x80]  }
0x93: {  	v14 =	vld [tilespmem:s19+$0x70]  }
0x94: {  	v15 =	vld [tilespmem:s19+$0x40]  }
0x95: {  	v16 =	vld [tilespmem:s19+$0x30]  }
0x96: {  	v17 =	vld [tilespmem:s19+$0x0]  }
0x97: {  	v18 =	vld [tilespmem:s19+$0xFFFFFFF0]  }
0x98: {  	v19 =	vld [tilespmem:s19+$0xFFFFFFC0]  }
0x99: {  	v20 =	vld [tilespmem:s19+$0xFFFFFFB0]  }
0x9a: {  	v21 =	vld [tilespmem:s19+$0xFFFFFF80]  }
0x9b: {  	v22 =	vld [tilespmem:s19+$0xFFFFFF70]  }
0x9c: {  	v23 =	vld [tilespmem:s19+$0xFFFFFF40]  }
0x9d: {  	v24 =	vld [tilespmem:s19+$0xFFFFFF30]  }
0x9e: {  	v25 =	vld [tilespmem:s19+$0xFFFFFF00]  }
0x9f: {  	v26 =	vld [tilespmem:s19+$0xFFFFFEF0]  }
0xa0: {  	v27 =	vld [tilespmem:s19+$0xFFFFFEC0]  }
0xa1: {  	v28 =	vld [tilespmem:s19+$0xFFFFFEB0]  }
0xa2: {  	v29 =	vld [tilespmem:s19+$0xFFFFFE80]  }
0xa3: {  	v30 =	vld [tilespmem:s19+$0xFFFFFE70]  }
0xa4: {  	v31 =	vld [tilespmem:s19+$0xFFFFFE40]  }
0xa5: {  	v32 =	vld [tilespmem:s19+$0xFFFFFE00]  }
0xa6: {  	v33 =	vld [tilespmem:s19+$0xFFFFFE30]  }
0xa7: {  	v34 =	vld [tilespmem:s19+$0xFFFFFE60]  }
0xa8: {  	v35 =	vld [tilespmem:s19+$0xFFFFFDC0]  }
0xa9: {  	v36 =	vld [tilespmem:s19+$0xFFFFFDB0]  }
0xaa: {  	v37 =	vld [tilespmem:s19+$0xFFFFFD80]  }
0xab: {  	v38 =	vld [tilespmem:s19+$0xFFFFFDF0]  }
0xac: {  	v39 =	vld [tilespmem:s19+$0x200]  }
0xad: {  	v40 =	vld [tilespmem:s19+$0x230]  }
0xae: {  	v41 =	vld [tilespmem:s19+$0x240]  }
0xaf: {  	v42 =	vld [tilespmem:s19+$0x270]  }
0xb0: {  	v43 =	vld [tilespmem:s19+$0xFFFFFDE0]  }
0xb1: {  	v44 =	vld [tilespmem:s19+$0xFFFFFDD0]  }
0xb2: {  	v45 =	vld [tilespmem:s19+$0xFFFFFDA0]  }
0xb3: {  	v46 =	vld [tilespmem:s19+$0xFFFFFD90]  }
0xb4: {  	v57 =	vld [tilespmem:s19+$0xFFFFFE20]  }
0xb5: {  	v47 =	vld [tilespmem:s19+$0xFFFFFE10];
	v35 =	vadd.f32 v35, v37  }
0xb6: {  	v58 =	vld [tilespmem:s19+$0xFFFFFE50];
	v36 =	vadd.f32 v38, v36  }
0xb7: {  	v60 =	vld [tilespmem:s19+$0xFFFFFEA0];
	v59 =	vadd.f32 v43, v45;
	v32 =	vadd.f32 v32, v35  }
0xb8: {  	v62 =	vld [tilespmem:s19+$0xFFFFFE90];
	v61 =	vadd.f32 v44, v46;
	v33 =	vadd.f32 v33, v36  }
0xb9: {  	v63 =	vld [tilespmem:s19+$0xFFFFFEE0];
	v37 =	vadd.f32 v57, v59;
	v31 =	vadd.f32 v31, v32  }
0xba: {  	v48 =	vld [tilespmem:s19+$0xFFFFFF10];
	v44 =	vadd.f32 v47, v61;
	v30 =	vadd.f32 v30, v33  }
0xbb: {  	v45 =	vld [tilespmem:s19+$0xFFFFFED0];
	v34 =	vadd.f32 v34, v37;
	v29 =	vadd.f32 v29, v31  }
0xbc: {  	v46 =	vld [tilespmem:s19+$0xFFFFFF20];
	v47 =	vadd.f32 v58, v44;
	v28 =	vadd.f32 v28, v30  }
0xbd: {  	v49 =	vld [tilespmem:s19+$0xFFFFFF60];
	v32 =	vadd.f32 v60, v34;
	v27 =	vadd.f32 v27, v29  }
0xbe: {  	v52 =	vld [tilespmem:s19+$0xFFFFFF50];
	v50 =	vadd.f32 v62, v47;
	v26 =	vadd.f32 v26, v28  }
0xbf: {  	v53 =	vld [tilespmem:s19+$0xFFFFFFA0];
	v51 =	vadd.f32 v63, v32;
	v25 =	vadd.f32 v25, v27  }
0xc0: {  	v56 =	vld [tilespmem:s19+$0xFFFFFF90];
	v54 =	vadd.f32 v45, v50;
	v24 =	vadd.f32 v24, v26  }
0xc1: {  	v43 =	vld [tilespmem:s19+$0xB0];
	v55 =	vadd.f32 v46, v51;
	v23 =	vadd.f32 v23, v25  }
0xc2: {  	v57 =	vld [tilespmem:s19+$0xFFFFFFE0];
	v58 =	vadd.f32 v48, v54;
	v22 =	vadd.f32 v22, v24  }
0xc3: {  	v60 =	vld [tilespmem:s19+$0xFFFFFFD0];
	v59 =	vadd.f32 v49, v55;
	v21 =	vadd.f32 v21, v23  }
0xc4: {  	v61 =	vld [tilespmem:s19+$0x20];
	v62 =	vadd.f32 v52, v58;
	v20 =	vadd.f32 v20, v22  }
0xc5: {  	v28 =	vld [tilespmem:s19+$0x10];
	v63 =	vadd.f32 v53, v59;
	v19 =	vadd.f32 v19, v21  }
0xc6: {  	v30 =	vld [tilespmem:s19+$0x60];
	v31 =	vadd.f32 v56, v62;
	v18 =	vadd.f32 v18, v20  }
0xc7: {  	v33 =	vld [tilespmem:s19+$0x50];
	v32 =	vadd.f32 v57, v63;
	v17 =	vadd.f32 v17, v19  }
0xc8: {  	v34 =	vld [tilespmem:s19+$0xA0];
	v35 =	vadd.f32 v60, v31;
	v16 =	vadd.f32 v16, v18  }
0xc9: {  	v37 =	vld [tilespmem:s19+$0x90];
	v36 =	vadd.f32 v61, v32;
	v15 =	vadd.f32 v15, v17  }
0xca: {  	v38 =	vld [tilespmem:s19+$0xE0];
	v44 =	vadd.f32 v28, v35;
	v14 =	vadd.f32 v14, v16  }
0xcb: {  	v46 =	vld [tilespmem:s19+$0xD0];
	v45 =	vadd.f32 v30, v36;
	v13 =	vadd.f32 v13, v15  }
0xcc: {  	v47 =	vld [tilespmem:s19+$0x120];
	v16 =	vadd.f32 v33, v44;
	v14 =	vadd.f32 v43, v14  }
0xcd: {  	v48 =	vld [tilespmem:s19+$0x110];
	v17 =	vadd.f32 v34, v45;
	v12 =	vadd.f32 v12, v13  }
0xce: {  	v49 =	vld [tilespmem:s19+$0x160];
	v50 =	vadd.f32 v37, v16;
	v11 =	vadd.f32 v11, v14  }
0xcf: {  	v51 =	vld [tilespmem:s19+$0x150];
	v15 =	vadd.f32 v38, v17;
	v10 =	vadd.f32 v10, v12  }
0xd0: {  	v52 =	vld [tilespmem:s19+$0x1A0];
	v53 =	vadd.f32 v46, v50;
	v9 =	vadd.f32 v9, v11  }
0xd1: {  	v54 =	vld [tilespmem:s19+$0x190];
	v13 =	vadd.f32 v47, v15;
	v8 =	vadd.f32 v8, v10  }
0xd2: {  	v55 =	vld [tilespmem:s19+$0x1E0];
	v56 =	vadd.f32 v48, v53;
	v7 =	vadd.f32 v7, v9  }
0xd3: {  	v58 =	vld [tilespmem:s19+$0x1D0];
	v57 =	vadd.f32 v49, v13;
	v6 =	vadd.f32 v6, v8  }
0xd4: {  	v59 =	vld [tilespmem:s19+$0x220];
	v60 =	vadd.f32 v51, v56;
	v5 =	vadd.f32 v5, v7  }
0xd5: {  	v62 =	vld [tilespmem:s19+$0x210];
	v61 =	vadd.f32 v52, v57;
	v4 =	vadd.f32 v4, v6  }
0xd6: {  	v7 =	vadd.f32 v54, v60;
	v3 =	vadd.f32 v3, v5;
	v5 =	vld [tilespmem:s19+$0x260]  }
0xd7: {  	v8 =	vadd.f32 v55, v61;
	v4 =	vadd.f32 v39, v4  }
0xd8: {  	v63 =	vld [tilespmem:s19+$0x250];
	v7 =	vadd.f32 v58, v7;
	v3 =	vadd.f32 v40, v3  }
0xd9: {  	v6 =	vadd.f32 v59, v8;
	v4 =	vadd.f32 v41, v4  }
0xda: {  	v3 =	vadd.f32 v42, v3  }
0xdb: {  	v7 =	vadd.f32 v62, v7;
	v5 =	vadd.f32 v5, v6;
	v4 =	vmul.f32 $5.000000070e-02, v4  }
0xdc: {  	s21 =	simm.s32 $0x0;
	v3 =	vmul.f32 $5.000000070e-02, v3  }
0xdd: {  	v5 =	vmul.f32 $5.000000070e-02, v5;
	[tilespmem:s21+$0x14B40] =	vst v4;
	v4 =	vadd.f32 v63, v7  }
0xde: {  	[tilespmem:s21+$0x14B70] =	vst v3  }
0xdf: {  	s20 =	simm.s32 $0x100;
	[tilespmem:s21+$0x14B60] =	vst v5;
	v3 =	vmul.f32 $5.000000070e-02, v4  }
.LBB2_13:
0xe0: {  	p0 =	sne.s32 s20, $0x3F00  }
0xe1: {  	[tilespmem:s21+$0x14B50] =	vst v3;
	s19 =	sadd.s32 $0x500, s19;
	s21 =	smov.u32 s20;
	s20 =	sadd.s32 $0x100, s20  }
0xe2: {  	v3 =	vld [tilespmem:s19+$0x1F0]  }
0xe3: {  	v4 =	vld [tilespmem:s19+$0x1C0]  }
0xe4: {  	v5 =	vld [tilespmem:s19+$0x1B0]  }
0xe5: {  	v6 =	vld [tilespmem:s19+$0x180]  }
0xe6: {  	v7 =	vld [tilespmem:s19+$0x170]  }
0xe7: {  	v8 =	vld [tilespmem:s19+$0x140]  }
0xe8: {  	v9 =	vld [tilespmem:s19+$0x130]  }
0xe9: {  	v10 =	vld [tilespmem:s19+$0x100]  }
0xea: {  	v11 =	vld [tilespmem:s19+$0xF0]  }
0xeb: {  	v12 =	vld [tilespmem:s19+$0xC0]  }
0xec: {  	v14 =	vld [tilespmem:s19+$0x80]  }
0xed: {  	v18 =	vld [tilespmem:s19+$0x70]  }
0xee: {  	v19 =	vld [tilespmem:s19+$0x40]  }
0xef: {  	v20 =	vld [tilespmem:s19+$0x30]  }
0xf0: {  	v21 =	vld [tilespmem:s19+$0x0]  }
0xf1: {  	v22 =	vld [tilespmem:s19+$0xFFFFFFF0]  }
0xf2: {  	v23 =	vld [tilespmem:s19+$0xFFFFFFC0]  }
0xf3: {  	v24 =	vld [tilespmem:s19+$0xFFFFFFB0]  }
0xf4: {  	v25 =	vld [tilespmem:s19+$0xFFFFFF80]  }
0xf5: {  	v26 =	vld [tilespmem:s19+$0xFFFFFF70]  }
0xf6: {  	v27 =	vld [tilespmem:s19+$0xFFFFFF40]  }
0xf7: {  	v28 =	vld [tilespmem:s19+$0xFFFFFF30]  }
0xf8: {  	v29 =	vld [tilespmem:s19+$0xFFFFFF00]  }
0xf9: {  	v30 =	vld [tilespmem:s19+$0xFFFFFEF0]  }
0xfa: {  	v31 =	vld [tilespmem:s19+$0xFFFFFEC0]  }
0xfb: {  	v32 =	vld [tilespmem:s19+$0xFFFFFEB0]  }
0xfc: {  	v33 =	vld [tilespmem:s19+$0xFFFFFE80]  }
0xfd: {  	v34 =	vld [tilespmem:s19+$0xFFFFFE70]  }
0xfe: {  	v35 =	vld [tilespmem:s19+$0xFFFFFE40]  }
0xff: {  	v36 =	vld [tilespmem:s19+$0xFFFFFE00]  }
0x100: {  	v37 =	vld [tilespmem:s19+$0xFFFFFE30]  }
0x101: {  	v38 =	vld [tilespmem:s19+$0xFFFFFE60]  }
0x102: {  	v13 =	vld [tilespmem:s19+$0xFFFFFDC0]  }
0x103: {  	v39 =	vld [tilespmem:s19+$0xFFFFFDB0]  }
0x104: {  	v40 =	vld [tilespmem:s19+$0xFFFFFD80]  }
0x105: {  	v41 =	vld [tilespmem:s19+$0xFFFFFDF0]  }
0x106: {  	v17 =	vld [tilespmem:s19+$0x200]  }
0x107: {  	v16 =	vld [tilespmem:s19+$0x230]  }
0x108: {  	v15 =	vld [tilespmem:s19+$0x240]  }
0x109: {  	v40 =	vadd.f32 v13, v40;
	v13 =	vld [tilespmem:s19+$0x270]  }
0x10a: {  	v42 =	vld [tilespmem:s19+$0xFFFFFDE0];
	v39 =	vadd.f32 v41, v39  }
0x10b: {  	v41 =	vld [tilespmem:s19+$0xFFFFFDD0];
	v36 =	vadd.f32 v36, v40  }
0x10c: {  	v40 =	vld [tilespmem:s19+$0xFFFFFDA0];
	v37 =	vadd.f32 v37, v39  }
0x10d: {  	v39 =	vld [tilespmem:s19+$0xFFFFFD90];
	v35 =	vadd.f32 v35, v36  }
0x10e: {  	v36 =	vld [tilespmem:s19+$0xFFFFFE20];
	v34 =	vadd.f32 v34, v37  }
0x10f: {  	v37 =	vld [tilespmem:s19+$0xFFFFFE10];
	v33 =	vadd.f32 v33, v35  }
0x110: {  	v35 =	vld [tilespmem:s19+$0xFFFFFE50];
	v32 =	vadd.f32 v32, v34  }
0x111: {  	v34 =	vadd.f32 v42, v40;
	v40 =	vld [tilespmem:s19+$0xB0]  }
0x112: {  	v31 =	vadd.f32 v31, v33;
	v39 =	vadd.f32 v41, v39;
	v41 =	vld [tilespmem:s19+$0xFFFFFEA0]  }
0x113: {  	v30 =	vadd.f32 v30, v32;
	v33 =	vadd.f32 v36, v34;
	v34 =	vld [tilespmem:s19+$0xFFFFFE90]  }
0x114: {  	v29 =	vadd.f32 v29, v31;
	v32 =	vadd.f32 v37, v39;
	v36 =	vld [tilespmem:s19+$0xFFFFFEE0]  }
0x115: {  	v28 =	vadd.f32 v28, v30;
	v31 =	vadd.f32 v38, v33;
	v33 =	vld [tilespmem:s19+$0xFFFFFED0]  }
0x116: {  	v27 =	vadd.f32 v27, v29;
	v30 =	vadd.f32 v35, v32;
	v32 =	vld [tilespmem:s19+$0xFFFFFF20]  }
0x117: {  	v26 =	vadd.f32 v26, v28;
	v29 =	vadd.f32 v41, v31;
	v31 =	vld [tilespmem:s19+$0xFFFFFF10]  }
0x118: {  	v25 =	vadd.f32 v25, v27;
	v28 =	vadd.f32 v34, v30;
	v30 =	vld [tilespmem:s19+$0xFFFFFF60]  }
0x119: {  	v24 =	vadd.f32 v24, v26;
	v27 =	vadd.f32 v36, v29;
	v29 =	vld [tilespmem:s19+$0xFFFFFF50]  }
0x11a: {  	v23 =	vadd.f32 v23, v25;
	v26 =	vadd.f32 v33, v28;
	v28 =	vld [tilespmem:s19+$0xFFFFFFA0]  }
0x11b: {  	v22 =	vadd.f32 v22, v24;
	v25 =	vadd.f32 v32, v27;
	v27 =	vld [tilespmem:s19+$0xFFFFFF90]  }
0x11c: {  	v21 =	vadd.f32 v21, v23;
	v24 =	vadd.f32 v31, v26;
	v26 =	vld [tilespmem:s19+$0xFFFFFFE0]  }
0x11d: {  	v20 =	vadd.f32 v20, v22;
	v23 =	vadd.f32 v30, v25;
	v25 =	vld [tilespmem:s19+$0xFFFFFFD0]  }
0x11e: {  	v19 =	vadd.f32 v19, v21;
	v22 =	vadd.f32 v29, v24;
	v24 =	vld [tilespmem:s19+$0x20]  }
0x11f: {  	v18 =	vadd.f32 v18, v20;
	v21 =	vadd.f32 v28, v23;
	v23 =	vld [tilespmem:s19+$0x10]  }
0x120: {  	v14 =	vadd.f32 v14, v19;
	v20 =	vadd.f32 v27, v22;
	v22 =	vld [tilespmem:s19+$0x60]  }
0x121: {  	v18 =	vadd.f32 v40, v18;
	v19 =	vadd.f32 v26, v21;
	v21 =	vld [tilespmem:s19+$0x50]  }
0x122: {  	v12 =	vadd.f32 v12, v14;
	v20 =	vadd.f32 v25, v20;
	v25 =	vld [tilespmem:s19+$0xA0]  }
0x123: {  	v11 =	vadd.f32 v11, v18;
	v14 =	vadd.f32 v24, v19;
	v19 =	vld [tilespmem:s19+$0x90]  }
0x124: {  	v10 =	vadd.f32 v10, v12;
	v18 =	vadd.f32 v23, v20;
	v20 =	vld [tilespmem:s19+$0xE0]  }
0x125: {  	v9 =	vadd.f32 v9, v11;
	v12 =	vadd.f32 v22, v14;
	v14 =	vld [tilespmem:s19+$0xD0]  }
0x126: {  	v8 =	vadd.f32 v8, v10;
	v11 =	vadd.f32 v21, v18;
	v18 =	vld [tilespmem:s19+$0x120]  }
0x127: {  	v7 =	vadd.f32 v7, v9;
	v10 =	vadd.f32 v25, v12;
	v12 =	vld [tilespmem:s19+$0x110]  }
0x128: {  	v6 =	vadd.f32 v6, v8;
	v9 =	vadd.f32 v19, v11;
	v11 =	vld [tilespmem:s19+$0x160]  }
0x129: {  	v5 =	vadd.f32 v5, v7;
	v8 =	vadd.f32 v20, v10;
	v10 =	vld [tilespmem:s19+$0x150]  }
0x12a: {  	v4 =	vadd.f32 v4, v6;
	v7 =	vadd.f32 v14, v9;
	v9 =	vld [tilespmem:s19+$0x1A0]  }
0x12b: {  	v3 =	vadd.f32 v3, v5;
	v6 =	vadd.f32 v18, v8;
	v8 =	vld [tilespmem:s19+$0x190]  }
0x12c: {  	v4 =	vadd.f32 v17, v4;
	v5 =	vadd.f32 v12, v7;
	v7 =	vld [tilespmem:s19+$0x1E0]  }
0x12d: {  	v3 =	vadd.f32 v16, v3;
	v6 =	vadd.f32 v11, v6;
	v11 =	vld [tilespmem:s19+$0x1D0]  }
0x12e: {  	v4 =	vadd.f32 v15, v4;
	v5 =	vadd.f32 v10, v5;
	v10 =	vld [tilespmem:s19+$0x220]  }
0x12f: {  	v3 =	vadd.f32 v13, v3;
	v6 =	vadd.f32 v9, v6;
	v9 =	vld [tilespmem:s19+$0x210]  }
0x130: {  	v4 =	vmul.f32 $5.000000070e-02, v4;
	v5 =	vadd.f32 v8, v5;
	v8 =	vld [tilespmem:s19+$0x260]  }
0x131: {  	s21 =	sshra.s32 s21, $0x2;
	v3 =	vmul.f32 $5.000000070e-02, v3;
	v6 =	vadd.f32 v7, v6;
	v7 =	vld [tilespmem:s19+$0x250]  }
0x132: {  	v5 =	vadd.f32 v11, v5;
	[tilespmem:s21+$0x14B40] =	vst v4  }
0x133: {  	v4 =	vadd.f32 v10, v6;
	[tilespmem:s21+$0x14B70] =	vst v3  }
0x134: {  	v3 =	vadd.f32 v9, v5  }
.Ltmp5:
0x135: {  	v4 =	vadd.f32 v8, v4;
	(pc) =	sbr.rel @p0 .LBB2_13-.Ltmp5, $4  }
0x136: {  	v3 =	vadd.f32 v7, v3  }
0x137: {  	v4 =	vmul.f32 $5.000000070e-02, v4  }
0x138: {  	v3 =	vmul.f32 $5.000000070e-02, v3  }
0x139: {  	[tilespmem:s21+$0x14B60] =	vst v4  }
0x13a: {  	s18 =	sshll.u32 s18, $0x3;
	s19 =	rddreg [dreg:$0x5];
	s11 =	sadd.s32 $0x1, s11  }
0x13b: {  	[tilespmem:s21+$0x14B50] =	vst v3;
	s19 =	sadd.s32 s19, s18;
	s18 =	simm.s32 $0x0;
	p0 =	sne.s32 s11, $0x8  }
0x13c: {  	[hbm4b:s19+s18] =	stream.linear.scatter [tilespmem:s9], [sflag:$0x2], $0x1000, $0x38;
	[tilespmem:$0x16540] =	vst v63  }
.Ltmp6:
0x13d: {  	_ = 	snop;
	(pc) =	sbr.rel @p0 .LBB2_4-.Ltmp6, $4  }
.Ltmp7:
0x13e: {  	_ = 	snop;
	(pc) =	sbr.rel @!p0 .LBB2_15-.Ltmp7, $4  }
0x13f: {  	_ =	swait.ge [sflag:s14], $0x1000  }
0x140: {  	[sflag:s14] =	ssyncset.done $0x0  }
0x141: {  	[sflag:s14] =	ssyncadd.s32 $0xFFFFF000  }
0x142: {  	_ = 	snop  }
.LBB2_5:
.Ltmp8:
0x143: {  	(pc) =	sbr.rel .LBB2_12-.Ltmp8, $2  }
0x144: {  	_ =	sdelay $0x2  }
0x145: {  	s20 =	simm.s32 $0x0  }
.LBB2_7:
.Ltmp9:
0x146: {  	(pc) =	sbr.rel .LBB2_12-.Ltmp9, $2  }
0x147: {  	_ =	sdelay $0x2  }
0x148: {  	s20 =	simm.s32 $0x10  }
.LBB2_9:
.Ltmp10:
0x149: {  	(pc) =	sbr.rel .LBB2_12-.Ltmp10, $2  }
0x14a: {  	_ =	sdelay $0x2  }
0x14b: {  	s22 =	simm.s32 $0x0;
	s19 =	simm.s32 $0x10  }
.LBB2_15:
0x14c: {  	s11 =	simm.s32 $0x0  }
.LBB2_16:
0x14d: {  	s10 =	sshll.u32 s11, $0x6  }
0x14e: {  	s10 =	sadd.s32 s12, s10  }
0x14f: {  	s20 =	rddreg [dreg:$0x1];
	s19 =	sshrl.u32 s10, $0x3  }
0x150: {  	s19 =	sadd.s32 s20, s19  }
0x151: {  	[tilespmem:s18], [sflag:$0x2] =	stream.linear.gather [hbm4b:s19+s18], $0x40, $0x38;
	[tilespmem:$0x16540] =	vst v63  }
0x152: {  	_ =	swait.ge [sflag:s14], $0x40  }
0x153: {  	[sflag:s14] =	ssyncset.done $0x0  }
0x154: {  	[sflag:s14] =	ssyncadd.s32 $0xFFFFFFC0  }
0x155: {  	[tilespmem:s15], [sflag:$0x1] =	stream.indirect.gather [hbm4b:s5+s15], $0x14, s18, s15, $0xb8;
	[tilespmem:$0x16540] =	vst v63  }
0x156: {  	_ =	swait.ge [sflag:s16], $0x500  }
0x157: {  	[sflag:s16] =	ssyncset.done $0x0  }
0x158: {  	s20 =	simm.s32 $0x0;
	[sflag:s16] =	ssyncadd.s32 $0xFFFFFB00  }
0x159: {  	v3 =	vld [tilespmem:s20+$0x15B40]  }
0x15a: {  	v4 =	vld [tilespmem:s20+$0x16040];
	_ =	sdelay $0x3  }
0x15b: {  	v3 =	vmul.u32 $0x18, v3  }
0x15c: {  	s19 =	simm.s32 $0x10;
	v5 =	vand.u32 $0xFFFFFFF8, v4  }
0x15d: {  	v6 =	vld [tilespmem:s19+$0x15B40];
	v4 =	vand.u32 $0x7, v4;
	v5 =	vadd.s32 v3, v5  }
0x15e: {  	v3 =	vld [tilespmem:s19+$0x16040];
	v4 =	vor.u32 v4, v5;
	_ =	sdelay $0x3  }
0x15f: {  	v5 =	vmul.u32 $0x18, v6  }
0x160: {  	s21 =	simm.s32 $0x20;
	s22 =	simm.s32 $0xC0;
	v6 =	vand.u32 $0xFFFFFFF8, v3;
	v4 =	vld.idx.msk [tilespmem:v4+s15+$0x0], $0xffff  }
.LBB2_17:
0x161: {  	p0 =	sne.s32 s22, $0x13C0;
	v7 =	vld [tilespmem:s21+$0x15B40];
	v8 =	vand.u32 $0x7, v3;
	v5 =	vadd.s32 v5, v6  }
0x162: {  	v3 =	vld [tilespmem:s21+$0x16040];
	v8 =	vor.u32 v8, v5  }
.Ltmp11:
0x163: {  	(pc) =	sbr.rel @p0 .LBB2_17-.Ltmp11, $3  }
0x164: {  	_ =	sdelay $0x1  }
0x165: {  	v5 =	vmul.u32 $0x18, v7;
	[tilespmem:s20+$0x640] =	vst v4;
	s20 =	smov.u32 s19;
	s19 =	smov.u32 s21  }
0x166: {  	s21 =	sshra.s32 s22, $0x2;
	s22 =	sadd.s32 $0x40, s22;
	v6 =	vand.u32 $0xFFFFFFF8, v3;
	v4 =	vld.idx.msk [tilespmem:v8+s15+$0x0], $0xffff  }
0x167: {  	v7 =	vld [tilespmem:s21+$0x15B40]  }
0x168: {  	v3 =	vand.u32 $0x7, v3;
	v5 =	vadd.s32 v5, v6;
	v56 =	vld [tilespmem:s21+$0x16040]  }
0x169: {  	v3 =	vor.u32 v3, v5;
	_ =	sdelay $0x2  }
0x16a: {  	v5 =	vmul.u32 $0x18, v7  }
0x16b: {  	[tilespmem:s20+$0x640] =	vst v4;
	v4 =	vand.u32 $0xFFFFFFF8, v56  }
0x16c: {  	v6 =	vand.u32 $0x7, v56;
	v3 =	vld.idx.msk [tilespmem:v3+s15+$0x0], $0xffff;
	v4 =	vadd.s32 v5, v4  }
0x16d: {  	v4 =	vor.u32 v6, v4;
	_ =	sdelay $0x3  }
0x16e: {  	[tilespmem:s19+$0x640] =	vst v3  }
0x16f: {  	v3 =	vld.idx.msk [tilespmem:v4+s15+$0x0], $0xffff;
	_ =	sdelay $0x4  }
0x170: {  	s22 =	simm.s32 $0xB40;
	[tilespmem:s21+$0x640] =	vst v3;
	s21 =	simm.s32 $0x640  }
0x171: {  	[tilespmem:s22], [sflag:$0x1] =	stream.indirect.gather [hbm4b:s8+s17], $0x40, s21, s17, $0xb8;
	[tilespmem:$0x16540] =	vst v63  }
0x172: {  	s20 =	simm.s32 $0x6C0;
	s21 =	simm.s32 $0x2B40  }
0x173: {  	[tilespmem:s21], [sflag:$0x1] =	stream.indirect.gather [hbm4b:s8+s17], $0x40, s20, s17, $0xb8;
	[tilespmem:$0x16540] =	vst v63  }
0x174: {  	s22 =	simm.s32 $0x740  }
0x175: {  	[tilespmem:s23], [sflag:$0x1] =	stream.indirect.gather [hbm4b:s8+s17], $0x40, s22, s17, $0xb8;
	[tilespmem:$0x16540] =	vst v63  }
0x176: {  	_ = 	snop  }
0x177: {  	[tilespmem:s25], [sflag:$0x1] =	stream.indirect.gather [hbm4b:s8+s17], $0x40, s24, s17, $0xb8;
	[tilespmem:$0x16540] =	vst v63  }
0x178: {  	_ = 	snop  }
0x179: {  	[tilespmem:s28], [sflag:$0x1] =	stream.indirect.gather [hbm4b:s8+s17], $0x40, s26, s17, $0xb8;
	[tilespmem:$0x16540] =	vst v63  }
0x17a: {  	_ = 	snop  }
0x17b: {  	[tilespmem:s30], [sflag:$0x1] =	stream.indirect.gather [hbm4b:s8+s17], $0x40, s29, s17, $0xb8;
	[tilespmem:$0x16540] =	vst v63  }
0x17c: {  	_ = 	snop  }
0x17d: {  	[tilespmem:s0], [sflag:$0x1] =	stream.indirect.gather [hbm4b:s8+s17], $0x40, s31, s17, $0xb8;
	[tilespmem:$0x16540] =	vst v63  }
0x17e: {  	_ = 	snop  }
0x17f: {  	[tilespmem:s13], [sflag:$0x1] =	stream.indirect.gather [hbm4b:s8+s17], $0x40, s7, s17, $0xb8;
	[tilespmem:$0x16540] =	vst v63  }
0x180: {  	_ = 	snop  }
0x181: {  	[tilespmem:s2], [sflag:$0x1] =	stream.indirect.gather [hbm4b:s8+s17], $0x40, s1, s17, $0xb8;
	[tilespmem:$0x16540] =	vst v63  }
0x182: {  	_ = 	snop  }
0x183: {  	[tilespmem:s4], [sflag:$0x1] =	stream.indirect.gather [hbm4b:s8+s17], $0x40, s3, s17, $0xb8;
	[tilespmem:$0x16540] =	vst v63  }
0x184: {  	_ =	swait.ge [sflag:s16], $0x2000  }
0x185: {  	[sflag:s16] =	ssyncset.done $0x0  }
0x186: {  	[sflag:s16] =	ssyncadd.s32 $0xFFFFE000  }
0x187: {  	_ =	swait.ge [sflag:s16], $0x2000  }
0x188: {  	[sflag:s16] =	ssyncset.done $0x0  }
0x189: {  	[sflag:s16] =	ssyncadd.s32 $0xFFFFE000  }
0x18a: {  	_ =	swait.ge [sflag:s16], $0x2000  }
0x18b: {  	[sflag:s16] =	ssyncset.done $0x0  }
0x18c: {  	[sflag:s16] =	ssyncadd.s32 $0xFFFFE000  }
0x18d: {  	_ =	swait.ge [sflag:s16], $0x2000  }
0x18e: {  	[sflag:s16] =	ssyncset.done $0x0  }
0x18f: {  	[sflag:s16] =	ssyncadd.s32 $0xFFFFE000  }
0x190: {  	_ =	swait.ge [sflag:s16], $0x2000  }
0x191: {  	[sflag:s16] =	ssyncset.done $0x0  }
0x192: {  	[sflag:s16] =	ssyncadd.s32 $0xFFFFE000  }
0x193: {  	_ =	swait.ge [sflag:s16], $0x2000  }
0x194: {  	[sflag:s16] =	ssyncset.done $0x0  }
0x195: {  	[sflag:s16] =	ssyncadd.s32 $0xFFFFE000  }
0x196: {  	_ =	swait.ge [sflag:s16], $0x2000  }
0x197: {  	[sflag:s16] =	ssyncset.done $0x0  }
0x198: {  	[sflag:s16] =	ssyncadd.s32 $0xFFFFE000  }
0x199: {  	_ =	swait.ge [sflag:s16], $0x2000  }
0x19a: {  	[sflag:s16] =	ssyncset.done $0x0  }
0x19b: {  	[sflag:s16] =	ssyncadd.s32 $0xFFFFE000  }
0x19c: {  	_ =	swait.ge [sflag:s16], $0x2000  }
0x19d: {  	[sflag:s16] =	ssyncset.done $0x0  }
0x19e: {  	[sflag:s16] =	ssyncadd.s32 $0xFFFFE000  }
0x19f: {  	_ =	swait.ge [sflag:s16], $0x2000  }
0x1a0: {  	[sflag:s16] =	ssyncset.done $0x0  }
0x1a1: {  	s19 =	simm.s32 $0xDC0;
	[sflag:s16] =	ssyncadd.s32 $0xFFFFE000  }
0x1a2: {  	v3 =	vld [tilespmem:s19+$0x1F0]  }
0x1a3: {  	v4 =	vld [tilespmem:s19+$0x1C0]  }
0x1a4: {  	v5 =	vld [tilespmem:s19+$0x1B0]  }
0x1a5: {  	v6 =	vld [tilespmem:s19+$0x180]  }
0x1a6: {  	v7 =	vld [tilespmem:s19+$0x170]  }
0x1a7: {  	v8 =	vld [tilespmem:s19+$0x140]  }
0x1a8: {  	v9 =	vld [tilespmem:s19+$0x130]  }
0x1a9: {  	v10 =	vld [tilespmem:s19+$0x100]  }
0x1aa: {  	v11 =	vld [tilespmem:s19+$0xF0]  }
0x1ab: {  	v12 =	vld [tilespmem:s19+$0xC0]  }
0x1ac: {  	v13 =	vld [tilespmem:s19+$0x80]  }
0x1ad: {  	v14 =	vld [tilespmem:s19+$0x70]  }
0x1ae: {  	v15 =	vld [tilespmem:s19+$0x40]  }
0x1af: {  	v16 =	vld [tilespmem:s19+$0x30]  }
0x1b0: {  	v17 =	vld [tilespmem:s19+$0x0]  }
0x1b1: {  	v18 =	vld [tilespmem:s19+$0xFFFFFFF0]  }
0x1b2: {  	v19 =	vld [tilespmem:s19+$0xFFFFFFC0]  }
0x1b3: {  	v20 =	vld [tilespmem:s19+$0xFFFFFFB0]  }
0x1b4: {  	v21 =	vld [tilespmem:s19+$0xFFFFFF80]  }
0x1b5: {  	v22 =	vld [tilespmem:s19+$0xFFFFFF70]  }
0x1b6: {  	v23 =	vld [tilespmem:s19+$0xFFFFFF40]  }
0x1b7: {  	v24 =	vld [tilespmem:s19+$0xFFFFFF30]  }
0x1b8: {  	v25 =	vld [tilespmem:s19+$0xFFFFFF00]  }
0x1b9: {  	v26 =	vld [tilespmem:s19+$0xFFFFFEF0]  }
0x1ba: {  	v27 =	vld [tilespmem:s19+$0xFFFFFEC0]  }
0x1bb: {  	v28 =	vld [tilespmem:s19+$0xFFFFFEB0]  }
0x1bc: {  	v29 =	vld [tilespmem:s19+$0xFFFFFE80]  }
0x1bd: {  	v30 =	vld [tilespmem:s19+$0xFFFFFE70]  }
0x1be: {  	v31 =	vld [tilespmem:s19+$0xFFFFFE40]  }
0x1bf: {  	v32 =	vld [tilespmem:s19+$0xFFFFFE00]  }
0x1c0: {  	v33 =	vld [tilespmem:s19+$0xFFFFFE30]  }
0x1c1: {  	v34 =	vld [tilespmem:s19+$0xFFFFFE60]  }
0x1c2: {  	v35 =	vld [tilespmem:s19+$0xFFFFFDC0]  }
0x1c3: {  	v36 =	vld [tilespmem:s19+$0xFFFFFDB0]  }
0x1c4: {  	v37 =	vld [tilespmem:s19+$0xFFFFFD80]  }
0x1c5: {  	v38 =	vld [tilespmem:s19+$0xFFFFFDF0]  }
0x1c6: {  	v39 =	vld [tilespmem:s19+$0x200]  }
0x1c7: {  	v40 =	vld [tilespmem:s19+$0x230]  }
0x1c8: {  	v41 =	vld [tilespmem:s19+$0x240]  }
0x1c9: {  	v42 =	vld [tilespmem:s19+$0x270]  }
0x1ca: {  	v43 =	vld [tilespmem:s19+$0xFFFFFDE0]  }
0x1cb: {  	v44 =	vld [tilespmem:s19+$0xFFFFFDD0]  }
0x1cc: {  	v45 =	vld [tilespmem:s19+$0xFFFFFDA0]  }
0x1cd: {  	v46 =	vld [tilespmem:s19+$0xFFFFFD90]  }
0x1ce: {  	v57 =	vld [tilespmem:s19+$0xFFFFFE20]  }
0x1cf: {  	v47 =	vld [tilespmem:s19+$0xFFFFFE10];
	v35 =	vadd.f32 v35, v37  }
0x1d0: {  	v58 =	vld [tilespmem:s19+$0xFFFFFE50];
	v36 =	vadd.f32 v38, v36  }
0x1d1: {  	v60 =	vld [tilespmem:s19+$0xFFFFFEA0];
	v59 =	vadd.f32 v43, v45;
	v32 =	vadd.f32 v32, v35  }
0x1d2: {  	v62 =	vld [tilespmem:s19+$0xFFFFFE90];
	v61 =	vadd.f32 v44, v46;
	v33 =	vadd.f32 v33, v36  }
0x1d3: {  	v63 =	vld [tilespmem:s19+$0xFFFFFEE0];
	v37 =	vadd.f32 v57, v59;
	v31 =	vadd.f32 v31, v32  }
0x1d4: {  	v48 =	vld [tilespmem:s19+$0xFFFFFF10];
	v44 =	vadd.f32 v47, v61;
	v30 =	vadd.f32 v30, v33  }
0x1d5: {  	v45 =	vld [tilespmem:s19+$0xFFFFFED0];
	v34 =	vadd.f32 v34, v37;
	v29 =	vadd.f32 v29, v31  }
0x1d6: {  	v46 =	vld [tilespmem:s19+$0xFFFFFF20];
	v47 =	vadd.f32 v58, v44;
	v28 =	vadd.f32 v28, v30  }
0x1d7: {  	v49 =	vld [tilespmem:s19+$0xFFFFFF60];
	v32 =	vadd.f32 v60, v34;
	v27 =	vadd.f32 v27, v29  }
0x1d8: {  	v52 =	vld [tilespmem:s19+$0xFFFFFF50];
	v50 =	vadd.f32 v62, v47;
	v26 =	vadd.f32 v26, v28  }
0x1d9: {  	v53 =	vld [tilespmem:s19+$0xFFFFFFA0];
	v51 =	vadd.f32 v63, v32;
	v25 =	vadd.f32 v25, v27  }
0x1da: {  	v56 =	vld [tilespmem:s19+$0xFFFFFF90];
	v54 =	vadd.f32 v45, v50;
	v24 =	vadd.f32 v24, v26  }
0x1db: {  	v43 =	vld [tilespmem:s19+$0xB0];
	v55 =	vadd.f32 v46, v51;
	v23 =	vadd.f32 v23, v25  }
0x1dc: {  	v57 =	vld [tilespmem:s19+$0xFFFFFFE0];
	v58 =	vadd.f32 v48, v54;
	v22 =	vadd.f32 v22, v24  }
0x1dd: {  	v60 =	vld [tilespmem:s19+$0xFFFFFFD0];
	v59 =	vadd.f32 v49, v55;
	v21 =	vadd.f32 v21, v23  }
0x1de: {  	v61 =	vld [tilespmem:s19+$0x20];
	v62 =	vadd.f32 v52, v58;
	v20 =	vadd.f32 v20, v22  }
0x1df: {  	v28 =	vld [tilespmem:s19+$0x10];
	v63 =	vadd.f32 v53, v59;
	v19 =	vadd.f32 v19, v21  }
0x1e0: {  	v30 =	vld [tilespmem:s19+$0x60];
	v31 =	vadd.f32 v56, v62;
	v18 =	vadd.f32 v18, v20  }
0x1e1: {  	v33 =	vld [tilespmem:s19+$0x50];
	v32 =	vadd.f32 v57, v63;
	v17 =	vadd.f32 v17, v19  }
0x1e2: {  	v34 =	vld [tilespmem:s19+$0xA0];
	v35 =	vadd.f32 v60, v31;
	v16 =	vadd.f32 v16, v18  }
0x1e3: {  	v37 =	vld [tilespmem:s19+$0x90];
	v36 =	vadd.f32 v61, v32;
	v15 =	vadd.f32 v15, v17  }
0x1e4: {  	v38 =	vld [tilespmem:s19+$0xE0];
	v44 =	vadd.f32 v28, v35;
	v14 =	vadd.f32 v14, v16  }
0x1e5: {  	v46 =	vld [tilespmem:s19+$0xD0];
	v45 =	vadd.f32 v30, v36;
	v13 =	vadd.f32 v13, v15  }
0x1e6: {  	v47 =	vld [tilespmem:s19+$0x120];
	v16 =	vadd.f32 v33, v44;
	v14 =	vadd.f32 v43, v14  }
0x1e7: {  	v48 =	vld [tilespmem:s19+$0x110];
	v17 =	vadd.f32 v34, v45;
	v12 =	vadd.f32 v12, v13  }
0x1e8: {  	v49 =	vld [tilespmem:s19+$0x160];
	v50 =	vadd.f32 v37, v16;
	v11 =	vadd.f32 v11, v14  }
0x1e9: {  	v51 =	vld [tilespmem:s19+$0x150];
	v15 =	vadd.f32 v38, v17;
	v10 =	vadd.f32 v10, v12  }
0x1ea: {  	v52 =	vld [tilespmem:s19+$0x1A0];
	v53 =	vadd.f32 v46, v50;
	v9 =	vadd.f32 v9, v11  }
0x1eb: {  	v54 =	vld [tilespmem:s19+$0x190];
	v13 =	vadd.f32 v47, v15;
	v8 =	vadd.f32 v8, v10  }
0x1ec: {  	v55 =	vld [tilespmem:s19+$0x1E0];
	v56 =	vadd.f32 v48, v53;
	v7 =	vadd.f32 v7, v9  }
0x1ed: {  	v58 =	vld [tilespmem:s19+$0x1D0];
	v57 =	vadd.f32 v49, v13;
	v6 =	vadd.f32 v6, v8  }
0x1ee: {  	v59 =	vld [tilespmem:s19+$0x220];
	v60 =	vadd.f32 v51, v56;
	v5 =	vadd.f32 v5, v7  }
0x1ef: {  	v62 =	vld [tilespmem:s19+$0x210];
	v61 =	vadd.f32 v52, v57;
	v4 =	vadd.f32 v4, v6  }
0x1f0: {  	v7 =	vadd.f32 v54, v60;
	v3 =	vadd.f32 v3, v5;
	v5 =	vld [tilespmem:s19+$0x260]  }
0x1f1: {  	v8 =	vadd.f32 v55, v61;
	v4 =	vadd.f32 v39, v4  }
0x1f2: {  	v63 =	vld [tilespmem:s19+$0x250];
	v7 =	vadd.f32 v58, v7;
	v3 =	vadd.f32 v40, v3  }
0x1f3: {  	v6 =	vadd.f32 v59, v8;
	v4 =	vadd.f32 v41, v4  }
0x1f4: {  	v3 =	vadd.f32 v42, v3  }
0x1f5: {  	v7 =	vadd.f32 v62, v7;
	v5 =	vadd.f32 v5, v6;
	v4 =	vmul.f32 $5.000000070e-02, v4  }
0x1f6: {  	s21 =	simm.s32 $0x0;
	v3 =	vmul.f32 $5.000000070e-02, v3  }
0x1f7: {  	v5 =	vmul.f32 $5.000000070e-02, v5;
	[tilespmem:s21+$0x14B40] =	vst v4;
	v4 =	vadd.f32 v63, v7  }
0x1f8: {  	[tilespmem:s21+$0x14B70] =	vst v3  }
0x1f9: {  	s20 =	simm.s32 $0x100;
	[tilespmem:s21+$0x14B60] =	vst v5;
	v3 =	vmul.f32 $5.000000070e-02, v4  }
.LBB2_19:
0x1fa: {  	p0 =	sne.s32 s20, $0x3F00  }
0x1fb: {  	[tilespmem:s21+$0x14B50] =	vst v3;
	s19 =	sadd.s32 $0x500, s19;
	s21 =	smov.u32 s20;
	s20 =	sadd.s32 $0x100, s20  }
0x1fc: {  	v3 =	vld [tilespmem:s19+$0x1F0]  }
0x1fd: {  	v4 =	vld [tilespmem:s19+$0x1C0]  }
0x1fe: {  	v5 =	vld [tilespmem:s19+$0x1B0]  }
0x1ff: {  	v6 =	vld [tilespmem:s19+$0x180]  }
0x200: {  	v7 =	vld [tilespmem:s19+$0x170]  }
0x201: {  	v8 =	vld [tilespmem:s19+$0x140]  }
0x202: {  	v9 =	vld [tilespmem:s19+$0x130]  }
0x203: {  	v10 =	vld [tilespmem:s19+$0x100]  }
0x204: {  	v11 =	vld [tilespmem:s19+$0xF0]  }
0x205: {  	v12 =	vld [tilespmem:s19+$0xC0]  }
0x206: {  	v14 =	vld [tilespmem:s19+$0x80]  }
0x207: {  	v18 =	vld [tilespmem:s19+$0x70]  }
0x208: {  	v19 =	vld [tilespmem:s19+$0x40]  }
0x209: {  	v20 =	vld [tilespmem:s19+$0x30]  }
0x20a: {  	v21 =	vld [tilespmem:s19+$0x0]  }
0x20b: {  	v22 =	vld [tilespmem:s19+$0xFFFFFFF0]  }
0x20c: {  	v23 =	vld [tilespmem:s19+$0xFFFFFFC0]  }
0x20d: {  	v24 =	vld [tilespmem:s19+$0xFFFFFFB0]  }
0x20e: {  	v25 =	vld [tilespmem:s19+$0xFFFFFF80]  }
0x20f: {  	v26 =	vld [tilespmem:s19+$0xFFFFFF70]  }
0x210: {  	v27 =	vld [tilespmem:s19+$0xFFFFFF40]  }
0x211: {  	v28 =	vld [tilespmem:s19+$0xFFFFFF30]  }
0x212: {  	v29 =	vld [tilespmem:s19+$0xFFFFFF00]  }
0x213: {  	v30 =	vld [tilespmem:s19+$0xFFFFFEF0]  }
0x214: {  	v31 =	vld [tilespmem:s19+$0xFFFFFEC0]  }
0x215: {  	v32 =	vld [tilespmem:s19+$0xFFFFFEB0]  }
0x216: {  	v33 =	vld [tilespmem:s19+$0xFFFFFE80]  }
0x217: {  	v34 =	vld [tilespmem:s19+$0xFFFFFE70]  }
0x218: {  	v35 =	vld [tilespmem:s19+$0xFFFFFE40]  }
0x219: {  	v36 =	vld [tilespmem:s19+$0xFFFFFE00]  }
0x21a: {  	v37 =	vld [tilespmem:s19+$0xFFFFFE30]  }
0x21b: {  	v38 =	vld [tilespmem:s19+$0xFFFFFE60]  }
0x21c: {  	v13 =	vld [tilespmem:s19+$0xFFFFFDC0]  }
0x21d: {  	v39 =	vld [tilespmem:s19+$0xFFFFFDB0]  }
0x21e: {  	v40 =	vld [tilespmem:s19+$0xFFFFFD80]  }
0x21f: {  	v41 =	vld [tilespmem:s19+$0xFFFFFDF0]  }
0x220: {  	v17 =	vld [tilespmem:s19+$0x200]  }
0x221: {  	v16 =	vld [tilespmem:s19+$0x230]  }
0x222: {  	v15 =	vld [tilespmem:s19+$0x240]  }
0x223: {  	v40 =	vadd.f32 v13, v40;
	v13 =	vld [tilespmem:s19+$0x270]  }
0x224: {  	v42 =	vld [tilespmem:s19+$0xFFFFFDE0];
	v39 =	vadd.f32 v41, v39  }
0x225: {  	v41 =	vld [tilespmem:s19+$0xFFFFFDD0];
	v36 =	vadd.f32 v36, v40  }
0x226: {  	v40 =	vld [tilespmem:s19+$0xFFFFFDA0];
	v37 =	vadd.f32 v37, v39  }
0x227: {  	v39 =	vld [tilespmem:s19+$0xFFFFFD90];
	v35 =	vadd.f32 v35, v36  }
0x228: {  	v36 =	vld [tilespmem:s19+$0xFFFFFE20];
	v34 =	vadd.f32 v34, v37  }
0x229: {  	v37 =	vld [tilespmem:s19+$0xFFFFFE10];
	v33 =	vadd.f32 v33, v35  }
0x22a: {  	v35 =	vld [tilespmem:s19+$0xFFFFFE50];
	v32 =	vadd.f32 v32, v34  }
0x22b: {  	v34 =	vadd.f32 v42, v40;
	v40 =	vld [tilespmem:s19+$0xB0]  }
0x22c: {  	v31 =	vadd.f32 v31, v33;
	v39 =	vadd.f32 v41, v39;
	v41 =	vld [tilespmem:s19+$0xFFFFFEA0]  }
0x22d: {  	v30 =	vadd.f32 v30, v32;
	v33 =	vadd.f32 v36, v34;
	v34 =	vld [tilespmem:s19+$0xFFFFFE90]  }
0x22e: {  	v29 =	vadd.f32 v29, v31;
	v32 =	vadd.f32 v37, v39;
	v36 =	vld [tilespmem:s19+$0xFFFFFEE0]  }
0x22f: {  	v28 =	vadd.f32 v28, v30;
	v31 =	vadd.f32 v38, v33;
	v33 =	vld [tilespmem:s19+$0xFFFFFED0]  }
0x230: {  	v27 =	vadd.f32 v27, v29;
	v30 =	vadd.f32 v35, v32;
	v32 =	vld [tilespmem:s19+$0xFFFFFF20]  }
0x231: {  	v26 =	vadd.f32 v26, v28;
	v29 =	vadd.f32 v41, v31;
	v31 =	vld [tilespmem:s19+$0xFFFFFF10]  }
0x232: {  	v25 =	vadd.f32 v25, v27;
	v28 =	vadd.f32 v34, v30;
	v30 =	vld [tilespmem:s19+$0xFFFFFF60]  }
0x233: {  	v24 =	vadd.f32 v24, v26;
	v27 =	vadd.f32 v36, v29;
	v29 =	vld [tilespmem:s19+$0xFFFFFF50]  }
0x234: {  	v23 =	vadd.f32 v23, v25;
	v26 =	vadd.f32 v33, v28;
	v28 =	vld [tilespmem:s19+$0xFFFFFFA0]  }
0x235: {  	v22 =	vadd.f32 v22, v24;
	v25 =	vadd.f32 v32, v27;
	v27 =	vld [tilespmem:s19+$0xFFFFFF90]  }
0x236: {  	v21 =	vadd.f32 v21, v23;
	v24 =	vadd.f32 v31, v26;
	v26 =	vld [tilespmem:s19+$0xFFFFFFE0]  }
0x237: {  	v20 =	vadd.f32 v20, v22;
	v23 =	vadd.f32 v30, v25;
	v25 =	vld [tilespmem:s19+$0xFFFFFFD0]  }
0x238: {  	v19 =	vadd.f32 v19, v21;
	v22 =	vadd.f32 v29, v24;
	v24 =	vld [tilespmem:s19+$0x20]  }
0x239: {  	v18 =	vadd.f32 v18, v20;
	v21 =	vadd.f32 v28, v23;
	v23 =	vld [tilespmem:s19+$0x10]  }
0x23a: {  	v14 =	vadd.f32 v14, v19;
	v20 =	vadd.f32 v27, v22;
	v22 =	vld [tilespmem:s19+$0x60]  }
0x23b: {  	v18 =	vadd.f32 v40, v18;
	v19 =	vadd.f32 v26, v21;
	v21 =	vld [tilespmem:s19+$0x50]  }
0x23c: {  	v12 =	vadd.f32 v12, v14;
	v20 =	vadd.f32 v25, v20;
	v25 =	vld [tilespmem:s19+$0xA0]  }
0x23d: {  	v11 =	vadd.f32 v11, v18;
	v14 =	vadd.f32 v24, v19;
	v19 =	vld [tilespmem:s19+$0x90]  }
0x23e: {  	v10 =	vadd.f32 v10, v12;
	v18 =	vadd.f32 v23, v20;
	v20 =	vld [tilespmem:s19+$0xE0]  }
0x23f: {  	v9 =	vadd.f32 v9, v11;
	v12 =	vadd.f32 v22, v14;
	v14 =	vld [tilespmem:s19+$0xD0]  }
0x240: {  	v8 =	vadd.f32 v8, v10;
	v11 =	vadd.f32 v21, v18;
	v18 =	vld [tilespmem:s19+$0x120]  }
0x241: {  	v7 =	vadd.f32 v7, v9;
	v10 =	vadd.f32 v25, v12;
	v12 =	vld [tilespmem:s19+$0x110]  }
0x242: {  	v6 =	vadd.f32 v6, v8;
	v9 =	vadd.f32 v19, v11;
	v11 =	vld [tilespmem:s19+$0x160]  }
0x243: {  	v5 =	vadd.f32 v5, v7;
	v8 =	vadd.f32 v20, v10;
	v10 =	vld [tilespmem:s19+$0x150]  }
0x244: {  	v4 =	vadd.f32 v4, v6;
	v7 =	vadd.f32 v14, v9;
	v9 =	vld [tilespmem:s19+$0x1A0]  }
0x245: {  	v3 =	vadd.f32 v3, v5;
	v6 =	vadd.f32 v18, v8;
	v8 =	vld [tilespmem:s19+$0x190]  }
0x246: {  	v4 =	vadd.f32 v17, v4;
	v5 =	vadd.f32 v12, v7;
	v7 =	vld [tilespmem:s19+$0x1E0]  }
0x247: {  	v3 =	vadd.f32 v16, v3;
	v6 =	vadd.f32 v11, v6;
	v11 =	vld [tilespmem:s19+$0x1D0]  }
0x248: {  	v4 =	vadd.f32 v15, v4;
	v5 =	vadd.f32 v10, v5;
	v10 =	vld [tilespmem:s19+$0x220]  }
0x249: {  	v3 =	vadd.f32 v13, v3;
	v6 =	vadd.f32 v9, v6;
	v9 =	vld [tilespmem:s19+$0x210]  }
0x24a: {  	v4 =	vmul.f32 $5.000000070e-02, v4;
	v5 =	vadd.f32 v8, v5;
	v8 =	vld [tilespmem:s19+$0x260]  }
0x24b: {  	s21 =	sshra.s32 s21, $0x2;
	v3 =	vmul.f32 $5.000000070e-02, v3;
	v6 =	vadd.f32 v7, v6;
	v7 =	vld [tilespmem:s19+$0x250]  }
0x24c: {  	v5 =	vadd.f32 v11, v5;
	[tilespmem:s21+$0x14B40] =	vst v4  }
0x24d: {  	v4 =	vadd.f32 v10, v6;
	[tilespmem:s21+$0x14B70] =	vst v3  }
0x24e: {  	v3 =	vadd.f32 v9, v5  }
.Ltmp12:
0x24f: {  	v4 =	vadd.f32 v8, v4;
	(pc) =	sbr.rel @p0 .LBB2_19-.Ltmp12, $4  }
0x250: {  	v3 =	vadd.f32 v7, v3  }
0x251: {  	v4 =	vmul.f32 $5.000000070e-02, v4  }
0x252: {  	v3 =	vmul.f32 $5.000000070e-02, v3  }
0x253: {  	[tilespmem:s21+$0x14B60] =	vst v4  }
0x254: {  	s11 =	sadd.s32 $0x1, s11  }
0x255: {  	s10 =	sshll.u32 s10, $0x3;
	s19 =	rddreg [dreg:$0x6];
	p0 =	sne.s32 s11, $0x8  }
.Ltmp13:
0x256: {  	[tilespmem:s21+$0x14B50] =	vst v3;
	s19 =	sadd.s32 s19, s10;
	s10 =	simm.s32 $0x0;
	(pc) =	sbr.rel @p0 .LBB2_16-.Ltmp13, $4  }
0x257: {  	[hbm4b:s19+s10] =	stream.linear.scatter [tilespmem:s9], [sflag:$0x2], $0x1000, $0x38;
	[tilespmem:$0x16540] =	vst v63  }
0x258: {  	_ =	swait.ge [sflag:s14], $0x1000  }
0x259: {  	[sflag:s14] =	ssyncset.done $0x0  }
0x25a: {  	[sflag:s14] =	ssyncadd.s32 $0xFFFFF000  }
0x25b: {  	s11 =	simm.s32 $0x0  }
.LBB2_22:
0x25c: {  	s18 =	sshll.u32 s11, $0x6  }
0x25d: {  	s18 =	sadd.s32 s12, s18  }
0x25e: {  	s20 =	rddreg [dreg:$0x2];
	s19 =	sshrl.u32 s18, $0x3  }
0x25f: {  	s19 =	sadd.s32 s20, s19  }
0x260: {  	[tilespmem:s10], [sflag:$0x2] =	stream.linear.gather [hbm4b:s19+s10], $0x40, $0x38;
	[tilespmem:$0x16540] =	vst v63  }
0x261: {  	_ =	swait.ge [sflag:s14], $0x40  }
0x262: {  	[sflag:s14] =	ssyncset.done $0x0  }
0x263: {  	[sflag:s14] =	ssyncadd.s32 $0xFFFFFFC0  }
0x264: {  	[tilespmem:s15], [sflag:$0x1] =	stream.indirect.gather [hbm4b:s5+s15], $0x14, s10, s15, $0xb8;
	[tilespmem:$0x16540] =	vst v63  }
0x265: {  	_ =	swait.ge [sflag:s16], $0x500  }
0x266: {  	[sflag:s16] =	ssyncset.done $0x0  }
0x267: {  	s20 =	simm.s32 $0x0;
	[sflag:s16] =	ssyncadd.s32 $0xFFFFFB00  }
0x268: {  	v3 =	vld [tilespmem:s20+$0x15B40]  }
0x269: {  	v4 =	vld [tilespmem:s20+$0x16040];
	_ =	sdelay $0x3  }
0x26a: {  	v3 =	vmul.u32 $0x18, v3  }
0x26b: {  	s19 =	simm.s32 $0x10;
	v5 =	vand.u32 $0xFFFFFFF8, v4  }
0x26c: {  	v6 =	vld [tilespmem:s19+$0x15B40];
	v4 =	vand.u32 $0x7, v4;
	v5 =	vadd.s32 v3, v5  }
0x26d: {  	v3 =	vld [tilespmem:s19+$0x16040];
	v4 =	vor.u32 v4, v5;
	_ =	sdelay $0x3  }
0x26e: {  	v5 =	vmul.u32 $0x18, v6  }
0x26f: {  	s21 =	simm.s32 $0x20;
	s22 =	simm.s32 $0xC0;
	v6 =	vand.u32 $0xFFFFFFF8, v3;
	v4 =	vld.idx.msk [tilespmem:v4+s15+$0x0], $0xffff  }
.LBB2_23:
0x270: {  	p0 =	sne.s32 s22, $0x13C0;
	v7 =	vld [tilespmem:s21+$0x15B40];
	v8 =	vand.u32 $0x7, v3;
	v5 =	vadd.s32 v5, v6  }
0x271: {  	v3 =	vld [tilespmem:s21+$0x16040];
	v8 =	vor.u32 v8, v5  }
.Ltmp14:
0x272: {  	(pc) =	sbr.rel @p0 .LBB2_23-.Ltmp14, $3  }
0x273: {  	_ =	sdelay $0x1  }
0x274: {  	v5 =	vmul.u32 $0x18, v7;
	[tilespmem:s20+$0x640] =	vst v4;
	s20 =	smov.u32 s19;
	s19 =	smov.u32 s21  }
0x275: {  	s21 =	sshra.s32 s22, $0x2;
	s22 =	sadd.s32 $0x40, s22;
	v6 =	vand.u32 $0xFFFFFFF8, v3;
	v4 =	vld.idx.msk [tilespmem:v8+s15+$0x0], $0xffff  }
0x276: {  	v7 =	vld [tilespmem:s21+$0x15B40]  }
0x277: {  	v3 =	vand.u32 $0x7, v3;
	v5 =	vadd.s32 v5, v6;
	v56 =	vld [tilespmem:s21+$0x16040]  }
0x278: {  	v3 =	vor.u32 v3, v5;
	_ =	sdelay $0x2  }
0x279: {  	v5 =	vmul.u32 $0x18, v7  }
0x27a: {  	[tilespmem:s20+$0x640] =	vst v4;
	v4 =	vand.u32 $0xFFFFFFF8, v56  }
0x27b: {  	v6 =	vand.u32 $0x7, v56;
	v3 =	vld.idx.msk [tilespmem:v3+s15+$0x0], $0xffff;
	v4 =	vadd.s32 v5, v4  }
0x27c: {  	v4 =	vor.u32 v6, v4;
	_ =	sdelay $0x3  }
0x27d: {  	[tilespmem:s19+$0x640] =	vst v3  }
0x27e: {  	v3 =	vld.idx.msk [tilespmem:v4+s15+$0x0], $0xffff;
	_ =	sdelay $0x4  }
0x27f: {  	s22 =	simm.s32 $0xB40;
	[tilespmem:s21+$0x640] =	vst v3;
	s21 =	simm.s32 $0x640  }
0x280: {  	[tilespmem:s22], [sflag:$0x1] =	stream.indirect.gather [hbm4b:s8+s17], $0x40, s21, s17, $0xb8;
	[tilespmem:$0x16540] =	vst v63  }
0x281: {  	s20 =	simm.s32 $0x6C0;
	s21 =	simm.s32 $0x2B40  }
0x282: {  	[tilespmem:s21], [sflag:$0x1] =	stream.indirect.gather [hbm4b:s8+s17], $0x40, s20, s17, $0xb8;
	[tilespmem:$0x16540] =	vst v63  }
0x283: {  	s22 =	simm.s32 $0x740  }
0x284: {  	[tilespmem:s23], [sflag:$0x1] =	stream.indirect.gather [hbm4b:s8+s17], $0x40, s22, s17, $0xb8;
	[tilespmem:$0x16540] =	vst v63  }
0x285: {  	_ = 	snop  }
0x286: {  	[tilespmem:s25], [sflag:$0x1] =	stream.indirect.gather [hbm4b:s8+s17], $0x40, s24, s17, $0xb8;
	[tilespmem:$0x16540] =	vst v63  }
0x287: {  	_ = 	snop  }
0x288: {  	[tilespmem:s28], [sflag:$0x1] =	stream.indirect.gather [hbm4b:s8+s17], $0x40, s26, s17, $0xb8;
	[tilespmem:$0x16540] =	vst v63  }
0x289: {  	_ = 	snop  }
0x28a: {  	[tilespmem:s30], [sflag:$0x1] =	stream.indirect.gather [hbm4b:s8+s17], $0x40, s29, s17, $0xb8;
	[tilespmem:$0x16540] =	vst v63  }
0x28b: {  	_ = 	snop  }
0x28c: {  	[tilespmem:s0], [sflag:$0x1] =	stream.indirect.gather [hbm4b:s8+s17], $0x40, s31, s17, $0xb8;
	[tilespmem:$0x16540] =	vst v63  }
0x28d: {  	_ = 	snop  }
0x28e: {  	[tilespmem:s13], [sflag:$0x1] =	stream.indirect.gather [hbm4b:s8+s17], $0x40, s7, s17, $0xb8;
	[tilespmem:$0x16540] =	vst v63  }
0x28f: {  	_ = 	snop  }
0x290: {  	[tilespmem:s2], [sflag:$0x1] =	stream.indirect.gather [hbm4b:s8+s17], $0x40, s1, s17, $0xb8;
	[tilespmem:$0x16540] =	vst v63  }
0x291: {  	_ = 	snop  }
0x292: {  	[tilespmem:s4], [sflag:$0x1] =	stream.indirect.gather [hbm4b:s8+s17], $0x40, s3, s17, $0xb8;
	[tilespmem:$0x16540] =	vst v63  }
0x293: {  	_ =	swait.ge [sflag:s16], $0x2000  }
0x294: {  	[sflag:s16] =	ssyncset.done $0x0  }
0x295: {  	[sflag:s16] =	ssyncadd.s32 $0xFFFFE000  }
0x296: {  	_ =	swait.ge [sflag:s16], $0x2000  }
0x297: {  	[sflag:s16] =	ssyncset.done $0x0  }
0x298: {  	[sflag:s16] =	ssyncadd.s32 $0xFFFFE000  }
0x299: {  	_ =	swait.ge [sflag:s16], $0x2000  }
0x29a: {  	[sflag:s16] =	ssyncset.done $0x0  }
0x29b: {  	[sflag:s16] =	ssyncadd.s32 $0xFFFFE000  }
0x29c: {  	_ =	swait.ge [sflag:s16], $0x2000  }
0x29d: {  	[sflag:s16] =	ssyncset.done $0x0  }
0x29e: {  	[sflag:s16] =	ssyncadd.s32 $0xFFFFE000  }
0x29f: {  	_ =	swait.ge [sflag:s16], $0x2000  }
0x2a0: {  	[sflag:s16] =	ssyncset.done $0x0  }
0x2a1: {  	[sflag:s16] =	ssyncadd.s32 $0xFFFFE000  }
0x2a2: {  	_ =	swait.ge [sflag:s16], $0x2000  }
0x2a3: {  	[sflag:s16] =	ssyncset.done $0x0  }
0x2a4: {  	[sflag:s16] =	ssyncadd.s32 $0xFFFFE000  }
0x2a5: {  	_ =	swait.ge [sflag:s16], $0x2000  }
0x2a6: {  	[sflag:s16] =	ssyncset.done $0x0  }
0x2a7: {  	[sflag:s16] =	ssyncadd.s32 $0xFFFFE000  }
0x2a8: {  	_ =	swait.ge [sflag:s16], $0x2000  }
0x2a9: {  	[sflag:s16] =	ssyncset.done $0x0  }
0x2aa: {  	[sflag:s16] =	ssyncadd.s32 $0xFFFFE000  }
0x2ab: {  	_ =	swait.ge [sflag:s16], $0x2000  }
0x2ac: {  	[sflag:s16] =	ssyncset.done $0x0  }
0x2ad: {  	[sflag:s16] =	ssyncadd.s32 $0xFFFFE000  }
0x2ae: {  	_ =	swait.ge [sflag:s16], $0x2000  }
0x2af: {  	[sflag:s16] =	ssyncset.done $0x0  }
0x2b0: {  	s19 =	simm.s32 $0xDC0;
	[sflag:s16] =	ssyncadd.s32 $0xFFFFE000  }
0x2b1: {  	v3 =	vld [tilespmem:s19+$0x1F0]  }
0x2b2: {  	v4 =	vld [tilespmem:s19+$0x1C0]  }
0x2b3: {  	v5 =	vld [tilespmem:s19+$0x1B0]  }
0x2b4: {  	v6 =	vld [tilespmem:s19+$0x180]  }
0x2b5: {  	v7 =	vld [tilespmem:s19+$0x170]  }
0x2b6: {  	v8 =	vld [tilespmem:s19+$0x140]  }
0x2b7: {  	v9 =	vld [tilespmem:s19+$0x130]  }
0x2b8: {  	v10 =	vld [tilespmem:s19+$0x100]  }
0x2b9: {  	v11 =	vld [tilespmem:s19+$0xF0]  }
0x2ba: {  	v12 =	vld [tilespmem:s19+$0xC0]  }
0x2bb: {  	v13 =	vld [tilespmem:s19+$0x80]  }
0x2bc: {  	v14 =	vld [tilespmem:s19+$0x70]  }
0x2bd: {  	v15 =	vld [tilespmem:s19+$0x40]  }
0x2be: {  	v16 =	vld [tilespmem:s19+$0x30]  }
0x2bf: {  	v17 =	vld [tilespmem:s19+$0x0]  }
0x2c0: {  	v18 =	vld [tilespmem:s19+$0xFFFFFFF0]  }
0x2c1: {  	v19 =	vld [tilespmem:s19+$0xFFFFFFC0]  }
0x2c2: {  	v20 =	vld [tilespmem:s19+$0xFFFFFFB0]  }
0x2c3: {  	v21 =	vld [tilespmem:s19+$0xFFFFFF80]  }
0x2c4: {  	v22 =	vld [tilespmem:s19+$0xFFFFFF70]  }
0x2c5: {  	v23 =	vld [tilespmem:s19+$0xFFFFFF40]  }
0x2c6: {  	v24 =	vld [tilespmem:s19+$0xFFFFFF30]  }
0x2c7: {  	v25 =	vld [tilespmem:s19+$0xFFFFFF00]  }
0x2c8: {  	v26 =	vld [tilespmem:s19+$0xFFFFFEF0]  }
0x2c9: {  	v27 =	vld [tilespmem:s19+$0xFFFFFEC0]  }
0x2ca: {  	v28 =	vld [tilespmem:s19+$0xFFFFFEB0]  }
0x2cb: {  	v29 =	vld [tilespmem:s19+$0xFFFFFE80]  }
0x2cc: {  	v30 =	vld [tilespmem:s19+$0xFFFFFE70]  }
0x2cd: {  	v31 =	vld [tilespmem:s19+$0xFFFFFE40]  }
0x2ce: {  	v32 =	vld [tilespmem:s19+$0xFFFFFE00]  }
0x2cf: {  	v33 =	vld [tilespmem:s19+$0xFFFFFE30]  }
0x2d0: {  	v34 =	vld [tilespmem:s19+$0xFFFFFE60]  }
0x2d1: {  	v35 =	vld [tilespmem:s19+$0xFFFFFDC0]  }
0x2d2: {  	v36 =	vld [tilespmem:s19+$0xFFFFFDB0]  }
0x2d3: {  	v37 =	vld [tilespmem:s19+$0xFFFFFD80]  }
0x2d4: {  	v38 =	vld [tilespmem:s19+$0xFFFFFDF0]  }
0x2d5: {  	v39 =	vld [tilespmem:s19+$0x200]  }
0x2d6: {  	v40 =	vld [tilespmem:s19+$0x230]  }
0x2d7: {  	v41 =	vld [tilespmem:s19+$0x240]  }
0x2d8: {  	v42 =	vld [tilespmem:s19+$0x270]  }
0x2d9: {  	v43 =	vld [tilespmem:s19+$0xFFFFFDE0]  }
0x2da: {  	v44 =	vld [tilespmem:s19+$0xFFFFFDD0]  }
0x2db: {  	v45 =	vld [tilespmem:s19+$0xFFFFFDA0]  }
0x2dc: {  	v46 =	vld [tilespmem:s19+$0xFFFFFD90]  }
0x2dd: {  	v57 =	vld [tilespmem:s19+$0xFFFFFE20]  }
0x2de: {  	v47 =	vld [tilespmem:s19+$0xFFFFFE10];
	v35 =	vadd.f32 v35, v37  }
0x2df: {  	v58 =	vld [tilespmem:s19+$0xFFFFFE50];
	v36 =	vadd.f32 v38, v36  }
0x2e0: {  	v60 =	vld [tilespmem:s19+$0xFFFFFEA0];
	v59 =	vadd.f32 v43, v45;
	v32 =	vadd.f32 v32, v35  }
0x2e1: {  	v62 =	vld [tilespmem:s19+$0xFFFFFE90];
	v61 =	vadd.f32 v44, v46;
	v33 =	vadd.f32 v33, v36  }
0x2e2: {  	v63 =	vld [tilespmem:s19+$0xFFFFFEE0];
	v37 =	vadd.f32 v57, v59;
	v31 =	vadd.f32 v31, v32  }
0x2e3: {  	v48 =	vld [tilespmem:s19+$0xFFFFFF10];
	v44 =	vadd.f32 v47, v61;
	v30 =	vadd.f32 v30, v33  }
0x2e4: {  	v45 =	vld [tilespmem:s19+$0xFFFFFED0];
	v34 =	vadd.f32 v34, v37;
	v29 =	vadd.f32 v29, v31  }
0x2e5: {  	v46 =	vld [tilespmem:s19+$0xFFFFFF20];
	v47 =	vadd.f32 v58, v44;
	v28 =	vadd.f32 v28, v30  }
0x2e6: {  	v49 =	vld [tilespmem:s19+$0xFFFFFF60];
	v32 =	vadd.f32 v60, v34;
	v27 =	vadd.f32 v27, v29  }
0x2e7: {  	v52 =	vld [tilespmem:s19+$0xFFFFFF50];
	v50 =	vadd.f32 v62, v47;
	v26 =	vadd.f32 v26, v28  }
0x2e8: {  	v53 =	vld [tilespmem:s19+$0xFFFFFFA0];
	v51 =	vadd.f32 v63, v32;
	v25 =	vadd.f32 v25, v27  }
0x2e9: {  	v56 =	vld [tilespmem:s19+$0xFFFFFF90];
	v54 =	vadd.f32 v45, v50;
	v24 =	vadd.f32 v24, v26  }
0x2ea: {  	v43 =	vld [tilespmem:s19+$0xB0];
	v55 =	vadd.f32 v46, v51;
	v23 =	vadd.f32 v23, v25  }
0x2eb: {  	v57 =	vld [tilespmem:s19+$0xFFFFFFE0];
	v58 =	vadd.f32 v48, v54;
	v22 =	vadd.f32 v22, v24  }
0x2ec: {  	v60 =	vld [tilespmem:s19+$0xFFFFFFD0];
	v59 =	vadd.f32 v49, v55;
	v21 =	vadd.f32 v21, v23  }
0x2ed: {  	v61 =	vld [tilespmem:s19+$0x20];
	v62 =	vadd.f32 v52, v58;
	v20 =	vadd.f32 v20, v22  }
0x2ee: {  	v28 =	vld [tilespmem:s19+$0x10];
	v63 =	vadd.f32 v53, v59;
	v19 =	vadd.f32 v19, v21  }
0x2ef: {  	v30 =	vld [tilespmem:s19+$0x60];
	v31 =	vadd.f32 v56, v62;
	v18 =	vadd.f32 v18, v20  }
0x2f0: {  	v33 =	vld [tilespmem:s19+$0x50];
	v32 =	vadd.f32 v57, v63;
	v17 =	vadd.f32 v17, v19  }
0x2f1: {  	v34 =	vld [tilespmem:s19+$0xA0];
	v35 =	vadd.f32 v60, v31;
	v16 =	vadd.f32 v16, v18  }
0x2f2: {  	v37 =	vld [tilespmem:s19+$0x90];
	v36 =	vadd.f32 v61, v32;
	v15 =	vadd.f32 v15, v17  }
0x2f3: {  	v38 =	vld [tilespmem:s19+$0xE0];
	v44 =	vadd.f32 v28, v35;
	v14 =	vadd.f32 v14, v16  }
0x2f4: {  	v46 =	vld [tilespmem:s19+$0xD0];
	v45 =	vadd.f32 v30, v36;
	v13 =	vadd.f32 v13, v15  }
0x2f5: {  	v47 =	vld [tilespmem:s19+$0x120];
	v16 =	vadd.f32 v33, v44;
	v14 =	vadd.f32 v43, v14  }
0x2f6: {  	v48 =	vld [tilespmem:s19+$0x110];
	v17 =	vadd.f32 v34, v45;
	v12 =	vadd.f32 v12, v13  }
0x2f7: {  	v49 =	vld [tilespmem:s19+$0x160];
	v50 =	vadd.f32 v37, v16;
	v11 =	vadd.f32 v11, v14  }
0x2f8: {  	v51 =	vld [tilespmem:s19+$0x150];
	v15 =	vadd.f32 v38, v17;
	v10 =	vadd.f32 v10, v12  }
0x2f9: {  	v52 =	vld [tilespmem:s19+$0x1A0];
	v53 =	vadd.f32 v46, v50;
	v9 =	vadd.f32 v9, v11  }
0x2fa: {  	v54 =	vld [tilespmem:s19+$0x190];
	v13 =	vadd.f32 v47, v15;
	v8 =	vadd.f32 v8, v10  }
0x2fb: {  	v55 =	vld [tilespmem:s19+$0x1E0];
	v56 =	vadd.f32 v48, v53;
	v7 =	vadd.f32 v7, v9  }
0x2fc: {  	v58 =	vld [tilespmem:s19+$0x1D0];
	v57 =	vadd.f32 v49, v13;
	v6 =	vadd.f32 v6, v8  }
0x2fd: {  	v59 =	vld [tilespmem:s19+$0x220];
	v60 =	vadd.f32 v51, v56;
	v5 =	vadd.f32 v5, v7  }
0x2fe: {  	v62 =	vld [tilespmem:s19+$0x210];
	v61 =	vadd.f32 v52, v57;
	v4 =	vadd.f32 v4, v6  }
0x2ff: {  	v7 =	vadd.f32 v54, v60;
	v3 =	vadd.f32 v3, v5;
	v5 =	vld [tilespmem:s19+$0x260]  }
0x300: {  	v8 =	vadd.f32 v55, v61;
	v4 =	vadd.f32 v39, v4  }
0x301: {  	v63 =	vld [tilespmem:s19+$0x250];
	v7 =	vadd.f32 v58, v7;
	v3 =	vadd.f32 v40, v3  }
0x302: {  	v6 =	vadd.f32 v59, v8;
	v4 =	vadd.f32 v41, v4  }
0x303: {  	v3 =	vadd.f32 v42, v3  }
0x304: {  	v7 =	vadd.f32 v62, v7;
	v5 =	vadd.f32 v5, v6;
	v4 =	vmul.f32 $5.000000070e-02, v4  }
0x305: {  	s21 =	simm.s32 $0x0;
	v3 =	vmul.f32 $5.000000070e-02, v3  }
0x306: {  	v5 =	vmul.f32 $5.000000070e-02, v5;
	[tilespmem:s21+$0x14B40] =	vst v4;
	v4 =	vadd.f32 v63, v7  }
0x307: {  	[tilespmem:s21+$0x14B70] =	vst v3  }
0x308: {  	s20 =	simm.s32 $0x100;
	[tilespmem:s21+$0x14B60] =	vst v5;
	v3 =	vmul.f32 $5.000000070e-02, v4  }
.LBB2_25:
0x309: {  	p0 =	sne.s32 s20, $0x3F00  }
0x30a: {  	[tilespmem:s21+$0x14B50] =	vst v3;
	s19 =	sadd.s32 $0x500, s19;
	s21 =	smov.u32 s20;
	s20 =	sadd.s32 $0x100, s20  }
0x30b: {  	v3 =	vld [tilespmem:s19+$0x1F0]  }
0x30c: {  	v4 =	vld [tilespmem:s19+$0x1C0]  }
0x30d: {  	v5 =	vld [tilespmem:s19+$0x1B0]  }
0x30e: {  	v6 =	vld [tilespmem:s19+$0x180]  }
0x30f: {  	v7 =	vld [tilespmem:s19+$0x170]  }
0x310: {  	v8 =	vld [tilespmem:s19+$0x140]  }
0x311: {  	v9 =	vld [tilespmem:s19+$0x130]  }
0x312: {  	v10 =	vld [tilespmem:s19+$0x100]  }
0x313: {  	v11 =	vld [tilespmem:s19+$0xF0]  }
0x314: {  	v12 =	vld [tilespmem:s19+$0xC0]  }
0x315: {  	v14 =	vld [tilespmem:s19+$0x80]  }
0x316: {  	v18 =	vld [tilespmem:s19+$0x70]  }
0x317: {  	v19 =	vld [tilespmem:s19+$0x40]  }
0x318: {  	v20 =	vld [tilespmem:s19+$0x30]  }
0x319: {  	v21 =	vld [tilespmem:s19+$0x0]  }
0x31a: {  	v22 =	vld [tilespmem:s19+$0xFFFFFFF0]  }
0x31b: {  	v23 =	vld [tilespmem:s19+$0xFFFFFFC0]  }
0x31c: {  	v24 =	vld [tilespmem:s19+$0xFFFFFFB0]  }
0x31d: {  	v25 =	vld [tilespmem:s19+$0xFFFFFF80]  }
0x31e: {  	v26 =	vld [tilespmem:s19+$0xFFFFFF70]  }
0x31f: {  	v27 =	vld [tilespmem:s19+$0xFFFFFF40]  }
0x320: {  	v28 =	vld [tilespmem:s19+$0xFFFFFF30]  }
0x321: {  	v29 =	vld [tilespmem:s19+$0xFFFFFF00]  }
0x322: {  	v30 =	vld [tilespmem:s19+$0xFFFFFEF0]  }
0x323: {  	v31 =	vld [tilespmem:s19+$0xFFFFFEC0]  }
0x324: {  	v32 =	vld [tilespmem:s19+$0xFFFFFEB0]  }
0x325: {  	v33 =	vld [tilespmem:s19+$0xFFFFFE80]  }
0x326: {  	v34 =	vld [tilespmem:s19+$0xFFFFFE70]  }
0x327: {  	v35 =	vld [tilespmem:s19+$0xFFFFFE40]  }
0x328: {  	v36 =	vld [tilespmem:s19+$0xFFFFFE00]  }
0x329: {  	v37 =	vld [tilespmem:s19+$0xFFFFFE30]  }
0x32a: {  	v38 =	vld [tilespmem:s19+$0xFFFFFE60]  }
0x32b: {  	v13 =	vld [tilespmem:s19+$0xFFFFFDC0]  }
0x32c: {  	v39 =	vld [tilespmem:s19+$0xFFFFFDB0]  }
0x32d: {  	v40 =	vld [tilespmem:s19+$0xFFFFFD80]  }
0x32e: {  	v41 =	vld [tilespmem:s19+$0xFFFFFDF0]  }
0x32f: {  	v17 =	vld [tilespmem:s19+$0x200]  }
0x330: {  	v16 =	vld [tilespmem:s19+$0x230]  }
0x331: {  	v15 =	vld [tilespmem:s19+$0x240]  }
0x332: {  	v40 =	vadd.f32 v13, v40;
	v13 =	vld [tilespmem:s19+$0x270]  }
0x333: {  	v42 =	vld [tilespmem:s19+$0xFFFFFDE0];
	v39 =	vadd.f32 v41, v39  }
0x334: {  	v41 =	vld [tilespmem:s19+$0xFFFFFDD0];
	v36 =	vadd.f32 v36, v40  }
0x335: {  	v40 =	vld [tilespmem:s19+$0xFFFFFDA0];
	v37 =	vadd.f32 v37, v39  }
0x336: {  	v39 =	vld [tilespmem:s19+$0xFFFFFD90];
	v35 =	vadd.f32 v35, v36  }
0x337: {  	v36 =	vld [tilespmem:s19+$0xFFFFFE20];
	v34 =	vadd.f32 v34, v37  }
0x338: {  	v37 =	vld [tilespmem:s19+$0xFFFFFE10];
	v33 =	vadd.f32 v33, v35  }
0x339: {  	v35 =	vld [tilespmem:s19+$0xFFFFFE50];
	v32 =	vadd.f32 v32, v34  }
0x33a: {  	v34 =	vadd.f32 v42, v40;
	v40 =	vld [tilespmem:s19+$0xB0]  }
0x33b: {  	v31 =	vadd.f32 v31, v33;
	v39 =	vadd.f32 v41, v39;
	v41 =	vld [tilespmem:s19+$0xFFFFFEA0]  }
0x33c: {  	v30 =	vadd.f32 v30, v32;
	v33 =	vadd.f32 v36, v34;
	v34 =	vld [tilespmem:s19+$0xFFFFFE90]  }
0x33d: {  	v29 =	vadd.f32 v29, v31;
	v32 =	vadd.f32 v37, v39;
	v36 =	vld [tilespmem:s19+$0xFFFFFEE0]  }
0x33e: {  	v28 =	vadd.f32 v28, v30;
	v31 =	vadd.f32 v38, v33;
	v33 =	vld [tilespmem:s19+$0xFFFFFED0]  }
0x33f: {  	v27 =	vadd.f32 v27, v29;
	v30 =	vadd.f32 v35, v32;
	v32 =	vld [tilespmem:s19+$0xFFFFFF20]  }
0x340: {  	v26 =	vadd.f32 v26, v28;
	v29 =	vadd.f32 v41, v31;
	v31 =	vld [tilespmem:s19+$0xFFFFFF10]  }
0x341: {  	v25 =	vadd.f32 v25, v27;
	v28 =	vadd.f32 v34, v30;
	v30 =	vld [tilespmem:s19+$0xFFFFFF60]  }
0x342: {  	v24 =	vadd.f32 v24, v26;
	v27 =	vadd.f32 v36, v29;
	v29 =	vld [tilespmem:s19+$0xFFFFFF50]  }
0x343: {  	v23 =	vadd.f32 v23, v25;
	v26 =	vadd.f32 v33, v28;
	v28 =	vld [tilespmem:s19+$0xFFFFFFA0]  }
0x344: {  	v22 =	vadd.f32 v22, v24;
	v25 =	vadd.f32 v32, v27;
	v27 =	vld [tilespmem:s19+$0xFFFFFF90]  }
0x345: {  	v21 =	vadd.f32 v21, v23;
	v24 =	vadd.f32 v31, v26;
	v26 =	vld [tilespmem:s19+$0xFFFFFFE0]  }
0x346: {  	v20 =	vadd.f32 v20, v22;
	v23 =	vadd.f32 v30, v25;
	v25 =	vld [tilespmem:s19+$0xFFFFFFD0]  }
0x347: {  	v19 =	vadd.f32 v19, v21;
	v22 =	vadd.f32 v29, v24;
	v24 =	vld [tilespmem:s19+$0x20]  }
0x348: {  	v18 =	vadd.f32 v18, v20;
	v21 =	vadd.f32 v28, v23;
	v23 =	vld [tilespmem:s19+$0x10]  }
0x349: {  	v14 =	vadd.f32 v14, v19;
	v20 =	vadd.f32 v27, v22;
	v22 =	vld [tilespmem:s19+$0x60]  }
0x34a: {  	v18 =	vadd.f32 v40, v18;
	v19 =	vadd.f32 v26, v21;
	v21 =	vld [tilespmem:s19+$0x50]  }
0x34b: {  	v12 =	vadd.f32 v12, v14;
	v20 =	vadd.f32 v25, v20;
	v25 =	vld [tilespmem:s19+$0xA0]  }
0x34c: {  	v11 =	vadd.f32 v11, v18;
	v14 =	vadd.f32 v24, v19;
	v19 =	vld [tilespmem:s19+$0x90]  }
0x34d: {  	v10 =	vadd.f32 v10, v12;
	v18 =	vadd.f32 v23, v20;
	v20 =	vld [tilespmem:s19+$0xE0]  }
0x34e: {  	v9 =	vadd.f32 v9, v11;
	v12 =	vadd.f32 v22, v14;
	v14 =	vld [tilespmem:s19+$0xD0]  }
0x34f: {  	v8 =	vadd.f32 v8, v10;
	v11 =	vadd.f32 v21, v18;
	v18 =	vld [tilespmem:s19+$0x120]  }
0x350: {  	v7 =	vadd.f32 v7, v9;
	v10 =	vadd.f32 v25, v12;
	v12 =	vld [tilespmem:s19+$0x110]  }
0x351: {  	v6 =	vadd.f32 v6, v8;
	v9 =	vadd.f32 v19, v11;
	v11 =	vld [tilespmem:s19+$0x160]  }
0x352: {  	v5 =	vadd.f32 v5, v7;
	v8 =	vadd.f32 v20, v10;
	v10 =	vld [tilespmem:s19+$0x150]  }
0x353: {  	v4 =	vadd.f32 v4, v6;
	v7 =	vadd.f32 v14, v9;
	v9 =	vld [tilespmem:s19+$0x1A0]  }
0x354: {  	v3 =	vadd.f32 v3, v5;
	v6 =	vadd.f32 v18, v8;
	v8 =	vld [tilespmem:s19+$0x190]  }
0x355: {  	v4 =	vadd.f32 v17, v4;
	v5 =	vadd.f32 v12, v7;
	v7 =	vld [tilespmem:s19+$0x1E0]  }
0x356: {  	v3 =	vadd.f32 v16, v3;
	v6 =	vadd.f32 v11, v6;
	v11 =	vld [tilespmem:s19+$0x1D0]  }
0x357: {  	v4 =	vadd.f32 v15, v4;
	v5 =	vadd.f32 v10, v5;
	v10 =	vld [tilespmem:s19+$0x220]  }
0x358: {  	v3 =	vadd.f32 v13, v3;
	v6 =	vadd.f32 v9, v6;
	v9 =	vld [tilespmem:s19+$0x210]  }
0x359: {  	v4 =	vmul.f32 $5.000000070e-02, v4;
	v5 =	vadd.f32 v8, v5;
	v8 =	vld [tilespmem:s19+$0x260]  }
0x35a: {  	s21 =	sshra.s32 s21, $0x2;
	v3 =	vmul.f32 $5.000000070e-02, v3;
	v6 =	vadd.f32 v7, v6;
	v7 =	vld [tilespmem:s19+$0x250]  }
0x35b: {  	v5 =	vadd.f32 v11, v5;
	[tilespmem:s21+$0x14B40] =	vst v4  }
0x35c: {  	v4 =	vadd.f32 v10, v6;
	[tilespmem:s21+$0x14B70] =	vst v3  }
0x35d: {  	v3 =	vadd.f32 v9, v5  }
.Ltmp15:
0x35e: {  	v4 =	vadd.f32 v8, v4;
	(pc) =	sbr.rel @p0 .LBB2_25-.Ltmp15, $4  }
0x35f: {  	v3 =	vadd.f32 v7, v3  }
0x360: {  	v4 =	vmul.f32 $5.000000070e-02, v4  }
0x361: {  	v3 =	vmul.f32 $5.000000070e-02, v3  }
0x362: {  	[tilespmem:s21+$0x14B60] =	vst v4  }
0x363: {  	s11 =	sadd.s32 $0x1, s11  }
0x364: {  	s18 =	sshll.u32 s18, $0x3;
	s19 =	rddreg [dreg:$0x7];
	p0 =	sne.s32 s11, $0x8  }
.Ltmp16:
0x365: {  	[tilespmem:s21+$0x14B50] =	vst v3;
	s22 =	simm.s32 $0x0;
	s18 =	sadd.s32 s19, s18;
	(pc) =	sbr.rel @p0 .LBB2_22-.Ltmp16, $4  }
0x366: {  	[hbm4b:s18+s22] =	stream.linear.scatter [tilespmem:s9], [sflag:$0x2], $0x1000, $0x38;
	[tilespmem:$0x16540] =	vst v63  }
0x367: {  	_ =	swait.ge [sflag:s14], $0x1000  }
0x368: {  	[sflag:s14] =	ssyncset.done $0x0  }
0x369: {  	[sflag:s14] =	ssyncadd.s32 $0xFFFFF000  }
0x36a: {  	s11 =	rddreg [dreg:$0x9]  }
0x36b: {  	s10 =	rddreg [dreg:$0x8];
	s11 =	sadd.s32 $0x1, s11  }
0x36c: {  	p0 =	sne.s32 s11, s10  }
.Ltmp17:
0x36d: {  	_ = 	snop;
	(pc) =	sbr.rel @p0 .LBB2_1-.Ltmp17, $1  }
0x36e: {  	_ =	sdelay $0x3  }
0x36f: {  	_ =	sfence.sel $0x180000  }
0x370: {  	[bflag:$0x0] =	sbarrier.arrive $0xFFFF  }
0x371: {  	_ =	strace $0x90000047  }
0x372: {  	s0 =	stileid.u32;
	[bflag:$0x2] =	sbarrier.arrive $0xFFFF  }
0x373: {  	p0 =	sne.s32 s0, $0x0;
	s0 =	rddreg [dreg:$0x4]  }
0x374: {  	s0 =	sadd.s32 @!p0 $0x100000, s0  }
0x375: {  	[sflag:s0] =	ssyncadd.tile.s32 @!p0 $0x1;
	_ =	shalt  }
.Lfunc_end2:
_tile_overlayer_lowered:
.L_overlay_start_2:
0x376: {  	(tag) =	ssettag $0x2  }
0x377: {  	s0 =	rddreg [dreg:$0x0];
	s2 =	stileid.u32  }
0x378: {  	s1 =	rddreg [dreg:$0x1];
	p0 =	sne.s32 s2, $0x0  }
0x379: {  	s3 =	rddreg [dreg:$0x2];
	[bflag:$0x3] =	sbarrier.arrive $0xFFFF;
	s2 =	simm.s32 @!p0 $0x1C02  }
0x37a: {  	[timem:s3], [sflag:s2] =	dma.local @!p0 [hbm:s0], s1  }
0x37b: {  	s0 =	simm.s32 @!p0 $0x2  }
0x37c: {  	_ =	swait.ge @!p0 [sflag:s0], s1  }
0x37d: {  	s1 =	ssub.s32 @!p0 $0x0, s1;
	[sflag:s0] =	ssyncset.done @!p0 $0x0  }
0x37e: {  	[sflag:s0] =	ssyncadd.s32 @!p0 s1  }
0x37f: {  	[bflag:$0x3] =	sbarrier.arrive $0xFFFF  }
0x380: {  	_ =	shalt  }

</sc_bundles>
